<compile_context>
chip_gen: v7x
topology: tpu7x:2x2x1
jax: 0.10.2.dev20260603
libtpu: 0.0.44.dev20260713+nightly
codegen_flags: <defaults>
</compile_context>

<pallas_src>
import functools

import jax
import jax.numpy as jnp
from jax import lax
from jax.experimental import pallas as pl
from jax.experimental.pallas import tpu as pltpu
from jax.experimental.pallas import tpu_sc as plsc

N = 50000
E = 800000
HID = 64
R = 2
DES = 768

BLK = 400
NBLK = N // BLK

NPH = 25200
NPASS = 5
E_PAD = 819200
TILE_E = E_PAD // 16
EB = 640
NBE = TILE_E // EB
ACC_ROWS = 2 * NPH + 16
CTILE = 2 * NPH // 16
ZROWS = 126

_lrelu = lambda t: jnp.where(t >= 0, t, 0.01 * t)
_DOT = functools.partial(
    jnp.dot, precision=lax.Precision.HIGHEST, preferred_element_type=jnp.float32
)


def _p1a_body(des, numv, catv, dwt, nwt, cwt, db, nb, cb,
              yd, yn, yc, s_ref, q_ref):
    yd_v = _DOT(des[...], dwt[...]) + db[...]
    yn_v = _DOT(numv[...], nwt[...]) + nb[...]
    yc_v = _DOT(catv[...], cwt[...]) + cb[...]
    yd[...] = yd_v
    yn[...] = yn_v
    yc[...] = yc_v
    part_s = jnp.stack([yd_v.sum(0), yn_v.sum(0), yc_v.sum(0)])
    part_q = jnp.stack([(yd_v * yd_v).sum(0), (yn_v * yn_v).sum(0),
                        (yc_v * yc_v).sum(0)])
    i = pl.program_id(0)

    @pl.when(i == 0)
    def _():
        s_ref[...] = part_s
        q_ref[...] = part_q

    @pl.when(i > 0)
    def _():
        s_ref[...] += part_s
        q_ref[...] += part_q


def _p1b_body(yd, yn, yc, s_ref, q_ref, g3, be3, *outs):
    m = s_ref[...] * (1.0 / N)
    v = q_ref[...] * (1.0 / N) - m * m
    inv = lax.rsqrt(v + 1e-5) * g3[...]
    xb = jnp.zeros((BLK, HID), jnp.float32)
    for k, y_ref in enumerate((yd, yn, yc)):
        t = (y_ref[...] - m[k]) * inv[k] + be3[k]
        xb = xb + _lrelu(t)
    for p in range(4):
        outs[p][...] = xb[:, 16 * p:16 * (p + 1)]


def _phase1(des, numv, catv, dwt, nwt, cwt, db, nb, cb, g3, be3):
    yd, yn, yc, s, q = pl.pallas_call(
        _p1a_body,
        grid=(NBLK,),
        in_specs=[
            pl.BlockSpec((BLK, DES), lambda i: (i, 0)),
            pl.BlockSpec((BLK, 8), lambda i: (i, 0)),
            pl.BlockSpec((BLK, 8), lambda i: (i, 0)),
            pl.BlockSpec((DES, HID), lambda i: (0, 0)),
            pl.BlockSpec((8, HID), lambda i: (0, 0)),
            pl.BlockSpec((8, HID), lambda i: (0, 0)),
            pl.BlockSpec((1, HID), lambda i: (0, 0)),
            pl.BlockSpec((1, HID), lambda i: (0, 0)),
            pl.BlockSpec((1, HID), lambda i: (0, 0)),
        ],
        out_specs=[
            pl.BlockSpec((BLK, HID), lambda i: (i, 0)),
            pl.BlockSpec((BLK, HID), lambda i: (i, 0)),
            pl.BlockSpec((BLK, HID), lambda i: (i, 0)),
            pl.BlockSpec((3, HID), lambda i: (0, 0)),
            pl.BlockSpec((3, HID), lambda i: (0, 0)),
        ],
        out_shape=[
            jax.ShapeDtypeStruct((N, HID), jnp.float32),
            jax.ShapeDtypeStruct((N, HID), jnp.float32),
            jax.ShapeDtypeStruct((N, HID), jnp.float32),
            jax.ShapeDtypeStruct((3, HID), jnp.float32),
            jax.ShapeDtypeStruct((3, HID), jnp.float32),
        ],
    )(des, numv, catv, dwt, nwt, cwt, db, nb, cb)

    xcs = pl.pallas_call(
        _p1b_body,
        grid=(NBLK,),
        in_specs=[
            pl.BlockSpec((BLK, HID), lambda i: (i, 0)),
            pl.BlockSpec((BLK, HID), lambda i: (i, 0)),
            pl.BlockSpec((BLK, HID), lambda i: (i, 0)),
            pl.BlockSpec((3, HID), lambda i: (0, 0)),
            pl.BlockSpec((3, HID), lambda i: (0, 0)),
            pl.BlockSpec((3, HID), lambda i: (0, 0)),
            pl.BlockSpec((3, HID), lambda i: (0, 0)),
        ],
        out_specs=[pl.BlockSpec((BLK, 16), lambda i: (i, 0))] * 4,
        out_shape=[jax.ShapeDtypeStruct((N, 16), jnp.float32)] * 4,
    )(yd, yn, yc, s, q, g3, be3)
    return xcs


def _sc_body(xc0, xc1, xc2, xc3, src_h, dst_h, et_h,
             o0, o1, o2, o3, o4,
             loc_all, srcA, srcB, dstA, dstB, etA, etB, rowsA, rowsB, zbuf,
             acc_s, gsemA, gsemB, ssemA, ssemB, psemA, psemB):
    xcs = (xc0, xc1, xc2, xc3)
    outs = (o0, o1, o2, o3, o4)
    c = lax.axis_index("c")
    s = lax.axis_index("s")
    base = c * NPH
    trash = 2 * NPH + s
    e0 = s * TILE_E
    half = NBE // 2

    @pl.loop(0, ZROWS)
    def _(i):
        zbuf[i, :] = jnp.zeros((16,), jnp.float32)

    my_acc0 = s * CTILE

    def _zero_my_slice():
        @pl.loop(0, CTILE // ZROWS)
        def _(k):
            pltpu.sync_copy(zbuf, acc_s.at[pl.ds(my_acc0 + k * ZROWS, ZROWS)])

    _zero_my_slice()

    def edge_load(b, dbuf, ebuf, sem):
        pltpu.make_async_copy(dst_h.at[pl.ds(e0 + b * EB, EB)], dbuf, sem
                              ).start()
        pltpu.make_async_copy(et_h.at[pl.ds(e0 + b * EB, EB)], ebuf, sem
                              ).start()

    def edge_wait(b, dbuf, ebuf, sem):
        pltpu.make_async_copy(dst_h.at[pl.ds(e0 + b * EB, EB)], dbuf, sem
                              ).wait()
        pltpu.make_async_copy(et_h.at[pl.ds(e0 + b * EB, EB)], ebuf, sem
                              ).wait()

    def compute_loc(b, dbuf, ebuf):
        @pl.loop(0, EB // 16)
        def _(l):
            d = dbuf[pl.ds(16 * l, 16)] - base
            t = ebuf[pl.ds(16 * l, 16)]
            ok = (d >= 0) & (d < NPH)
            loc_all[b, pl.ds(16 * l, 16)] = jnp.where(ok, d + t * NPH, trash)

    edge_load(0, dstA, etA, psemA)

    @pl.loop(0, half)
    def _(gg):
        b0 = 2 * gg
        edge_wait(b0, dstA, etA, psemA)
        edge_load(b0 + 1, dstB, etB, psemB)
        compute_loc(b0, dstA, etA)
        edge_wait(b0 + 1, dstB, etB, psemB)

        @pl.when(gg < half - 1)
        def _():
            edge_load(b0 + 2, dstA, etA, psemA)

        compute_loc(b0 + 1, dstB, etB)

    plsc.subcore_barrier()

    def src_load(b, sbuf, sem):
        pltpu.make_async_copy(src_h.at[pl.ds(e0 + b * EB, EB)], sbuf, sem
                              ).start()

    def src_wait(b, sbuf, sem):
        pltpu.make_async_copy(src_h.at[pl.ds(e0 + b * EB, EB)], sbuf, sem
                              ).wait()

    def s_desc(b, rbuf, sem):
        return pltpu.make_async_copy(rbuf, acc_s.at[loc_all.at[b]], sem)

    for p in range(4):
        def g_desc(sbuf, rbuf, sem, _xc=xcs[p]):
            return pltpu.make_async_copy(_xc.at[sbuf], rbuf, sem)

        src_load(0, srcA, psemA)
        src_load(1, srcB, psemB)
        src_wait(0, srcA, psemA)
        g_desc(srcA, rowsA, gsemA).start()

        @pl.loop(0, half)
        def _(gg):
            b0 = 2 * gg
            g_desc(srcA, rowsA, gsemA).wait()
            s_desc(b0, rowsA, ssemA).start(add=True)
            src_wait(b0 + 1, srcB, psemB)

            @pl.when(gg > 0)
            def _():
                s_desc(b0 - 1, rowsB, ssemB).wait()

            g_desc(srcB, rowsB, gsemB).start()

            @pl.when(gg < half - 1)
            def _():
                src_load(b0 + 2, srcA, psemA)

            g_desc(srcB, rowsB, gsemB).wait()
            s_desc(b0 + 1, rowsB, ssemB).start(add=True)
            s_desc(b0, rowsA, ssemA).wait()

            @pl.when(gg < half - 1)
            def _():
                src_wait(b0 + 2, srcA, psemA)
                g_desc(srcA, rowsA, gsemA).start()
                src_load(b0 + 3, srcB, psemB)

        s_desc(NBE - 1, rowsB, ssemB).wait()

        plsc.subcore_barrier()
        pltpu.sync_copy(
            acc_s.at[pl.ds(my_acc0, CTILE)],
            outs[p].at[pl.ds(c * (2 * NPH) + my_acc0, CTILE)])
        _zero_my_slice()
        plsc.subcore_barrier()

    onesrow = jnp.where(
        lax.broadcasted_iota(jnp.int32, (16,), 0) == 0, 1.0, 0.0
    ).astype(jnp.float32)

    @pl.loop(0, EB)
    def _(i):
        rowsA[i, :] = onesrow

    @pl.loop(0, half)
    def _(gg):
        b0 = 2 * gg

        @pl.when(gg > 0)
        def _():
            s_desc(0, rowsA, ssemA).wait()
            s_desc(0, rowsA, ssemB).wait()

        s_desc(b0, rowsA, ssemA).start(add=True)
        s_desc(b0 + 1, rowsA, ssemB).start(add=True)

    s_desc(0, rowsA, ssemA).wait()
    s_desc(0, rowsA, ssemB).wait()

    plsc.subcore_barrier()
    pltpu.sync_copy(
        acc_s.at[pl.ds(my_acc0, CTILE)],
        outs[4].at[pl.ds(c * (2 * NPH) + my_acc0, CTILE)])


def _p3_body(a0, a1, a2, a3, a4, w0t, w1t, W1t, b1, W2t, b2, out):
    slabs = [ref[0] for ref in (a0, a1, a2, a3, a4)]
    res = []
    for r in range(R):
        feats = jnp.concatenate([s[r] for s in slabs[:4]], axis=1)
        cnt = jnp.maximum(slabs[4][r][:, 0:1], 1.0)
        wt = (w0t, w1t)[r]
        res.append(_DOT(feats, wt[...]) / cnt)
    x2 = _lrelu((res[0] + res[1]) * 0.5)
    h = _lrelu(_DOT(x2, W1t[...]) + b1[...])
    out[...] = _DOT(h, W2t[...]) + b2[...]


def kernel(des, num, cat, edge_index, edge_type,
           des_W, des_b, des_g, des_be,
           num_W, num_b, num_g, num_be,
           cat_W, cat_b, cat_g, cat_be,
           rgcn_w, cls_W1, cls_b1, cls_W2, cls_b2):
    f32 = jnp.float32
    numv = jnp.pad(num, ((0, 0), (0, 3)))
    catv = jnp.pad(cat, ((0, 0), (0, 2)))
    nwt = jnp.pad(num_W, ((0, 0), (0, 3))).T
    cwt = jnp.pad(cat_W, ((0, 0), (0, 2))).T
    g3 = jnp.stack([des_g, num_g, cat_g])
    be3 = jnp.stack([des_be, num_be, cat_be])
    xcs = _phase1(des, numv, catv, des_W.T, nwt, cwt,
                  des_b[None], num_b[None], cat_b[None], g3, be3)

    pad = E_PAD - E
    src_h = jnp.concatenate([edge_index[0], jnp.zeros((pad,), jnp.int32)])
    dst_h = jnp.concatenate(
        [edge_index[1], jnp.full((pad,), N, jnp.int32)])
    et_h = jnp.concatenate([edge_type, jnp.zeros((pad,), jnp.int32)])

    acc = pl.kernel(
        _sc_body,
        out_type=[jax.ShapeDtypeStruct((4 * NPH, 16), f32)] * NPASS,
        mesh=plsc.VectorSubcoreMesh(core_axis_name="c", subcore_axis_name="s"),
        compiler_params=pltpu.CompilerParams(use_tc_tiling_on_sc=False),
        scratch_types=[
            pltpu.VMEM((NBE, EB), jnp.int32),
            pltpu.VMEM((EB,), jnp.int32),
            pltpu.VMEM((EB,), jnp.int32),
            pltpu.VMEM((EB,), jnp.int32),
            pltpu.VMEM((EB,), jnp.int32),
            pltpu.VMEM((EB,), jnp.int32),
            pltpu.VMEM((EB,), jnp.int32),
            pltpu.VMEM((EB, 16), f32),
            pltpu.VMEM((EB, 16), f32),
            pltpu.VMEM((ZROWS, 16), f32),
            pltpu.VMEM_SHARED((ACC_ROWS, 16), f32),
        ] + [pltpu.SemaphoreType.DMA] * 6,
    )(*xcs, src_h, dst_h, et_h)

    hb = NPH // BLK
    acc4 = [a.reshape(2, 2, NPH, 16) for a in acc]
    out = pl.pallas_call(
        _p3_body,
        grid=(NBLK,),
        in_specs=[
            pl.BlockSpec((1, 2, BLK, 16), lambda i: (i // hb, 0, i % hb, 0))
        ] * NPASS + [
            pl.BlockSpec((HID, HID), lambda i: (0, 0)),
            pl.BlockSpec((HID, HID), lambda i: (0, 0)),
            pl.BlockSpec((HID, HID // 2), lambda i: (0, 0)),
            pl.BlockSpec((1, HID // 2), lambda i: (0, 0)),
            pl.BlockSpec((HID // 2, 2), lambda i: (0, 0)),
            pl.BlockSpec((1, 2), lambda i: (0, 0)),
        ],
        out_specs=pl.BlockSpec((BLK, 2), lambda i: (i, 0)),
        out_shape=jax.ShapeDtypeStruct((N, 2), f32),
    )(*acc4, rgcn_w[0].T, rgcn_w[1].T, cls_W1.T, cls_b1[None],
      cls_W2.T, cls_b2[None])
    return out

# --- scband reference (transcript-rebuilt; emitter-appended) ---
"""Pipeline reference for scband-bot-rgcn-70729521430927 (READ-ONLY COPY).

The authoritative reference and input builder live on the scoring server;
editing this copy changes nothing except your own understanding.
"""

import jax, jax.numpy as jnp
import numpy as np

N = 50000
E = 800000
HID = 64
R = 2
DES = 768
NUMD = 5
CATD = 6


def setup_inputs(seed: int = 0) -> dict:
    key = jax.random.key(seed)
    ks = jax.random.split(key, 24)
    inp = {}
    inp["des"] = jax.random.normal(ks[0], (N, DES), dtype=jnp.float32)
    inp["num"] = jax.random.normal(ks[1], (N, NUMD), dtype=jnp.float32)
    inp["cat"] = jax.random.normal(ks[2], (N, CATD), dtype=jnp.float32)
    inp["edge_index"] = jax.random.randint(ks[3], (2, E), 0, N, dtype=jnp.int32)
    inp["edge_type"] = jax.random.randint(ks[4], (E,), 0, R, dtype=jnp.int32)
    # learned parameters
    inp["des_W"] = jax.random.normal(ks[5], (HID, DES), dtype=jnp.float32) * (2.0 / DES) ** 0.5
    inp["des_b"] = jnp.zeros((HID,), jnp.float32)
    inp["des_g"] = jnp.ones((HID,), jnp.float32)
    inp["des_be"] = jnp.zeros((HID,), jnp.float32)
    inp["num_W"] = jax.random.normal(ks[6], (HID, NUMD), dtype=jnp.float32) * (2.0 / NUMD) ** 0.5
    inp["num_b"] = jnp.zeros((HID,), jnp.float32)
    inp["num_g"] = jnp.ones((HID,), jnp.float32)
    inp["num_be"] = jnp.zeros((HID,), jnp.float32)
    inp["cat_W"] = jax.random.normal(ks[7], (HID, CATD), dtype=jnp.float32) * (2.0 / CATD) ** 0.5
    inp["cat_b"] = jnp.zeros((HID,), jnp.float32)
    inp["cat_g"] = jnp.ones((HID,), jnp.float32)
    inp["cat_be"] = jnp.zeros((HID,), jnp.float32)
    inp["rgcn_w"] = jax.random.normal(ks[8], (R, HID, HID), dtype=jnp.float32) * (2.0 / HID) ** 0.5
    inp["cls_W1"] = jax.random.normal(ks[9], (HID // 2, HID), dtype=jnp.float32) * (2.0 / HID) ** 0.5
    inp["cls_b1"] = jnp.zeros((HID // 2,), jnp.float32)
    inp["cls_W2"] = jax.random.normal(ks[10], (2, HID // 2), dtype=jnp.float32) * (2.0 / (HID // 2)) ** 0.5
    inp["cls_b2"] = jnp.zeros((2,), jnp.float32)
    return inp


def _bn(x, g, b):
    m = jnp.mean(x, axis=0)
    v = jnp.var(x, axis=0)
    return (x - m) / jnp.sqrt(v + 1e-5) * g + b


def reference(des, num, cat, edge_index, edge_type,
              des_W, des_b, des_g, des_be,
              num_W, num_b, num_g, num_be,
              cat_W, cat_b, cat_g, cat_be,
              rgcn_w, cls_W1, cls_b1, cls_W2, cls_b2):
    lrelu = lambda t: jax.nn.leaky_relu(t, 0.01)
    x = lrelu(_bn(des @ des_W.T + des_b, des_g, des_be))
    x = x + lrelu(_bn(num @ num_W.T + num_b, num_g, num_be))
    x = x + lrelu(_bn(cat @ cat_W.T + cat_b, cat_g, cat_be))
    src = edge_index[0]
    dst = edge_index[1]
    n = x.shape[0]
    rel_outs = []
    for r in range(R):
        w = (edge_type == r).astype(x.dtype)
        x_r = x @ rgcn_w[r].T  # F.linear(x, weight[r])
        msgs = x_r[src] * w[:, None]
        summed = jnp.zeros((n, HID), x.dtype).at[dst].add(msgs)
        cnt = jnp.zeros((n,), x.dtype).at[dst].add(w)
        rel_outs.append(summed / jnp.maximum(cnt, 1.0)[:, None])
    x = lrelu(jnp.mean(jnp.stack(rel_outs, axis=1), axis=1))
    # dropout is identity in eval mode
    h = lrelu(x @ cls_W1.T + cls_b1)
    return h @ cls_W2.T + cls_b2

if __name__ == "__main__":
    import jax
    _d = setup_inputs()
    print(jax.jit(kernel)(*tuple(_d.values())))

</pallas_src>

<mosaic_0001>
#map = affine_map<(d0, d1) -> (0, 0)>
#map1 = affine_map<(d0, d1) -> (0)>
module attributes {stable_mosaic.version = 14 : i64} {
  func.func @_sc_body(%arg0: i32, %arg1: i32, %arg2: memref<50000x16xf32, #tpu.memory_space<hbm>>, %arg3: memref<50000x16xf32, #tpu.memory_space<hbm>>, %arg4: memref<50000x16xf32, #tpu.memory_space<hbm>>, %arg5: memref<50000x16xf32, #tpu.memory_space<hbm>>, %arg6: memref<819200xi32, #tpu.memory_space<hbm>>, %arg7: memref<819200xi32, #tpu.memory_space<hbm>>, %arg8: memref<819200xi32, #tpu.memory_space<hbm>>, %arg9: memref<100800x16xf32, #tpu.memory_space<hbm>>, %arg10: memref<100800x16xf32, #tpu.memory_space<hbm>>, %arg11: memref<100800x16xf32, #tpu.memory_space<hbm>>, %arg12: memref<100800x16xf32, #tpu.memory_space<hbm>>, %arg13: memref<100800x16xf32, #tpu.memory_space<hbm>>, %arg14: memref<80x640xi32, #tpu.memory_space<vmem>>, %arg15: memref<640xi32, #tpu.memory_space<vmem>>, %arg16: memref<640xi32, #tpu.memory_space<vmem>>, %arg17: memref<640xi32, #tpu.memory_space<vmem>>, %arg18: memref<640xi32, #tpu.memory_space<vmem>>, %arg19: memref<640xi32, #tpu.memory_space<vmem>>, %arg20: memref<640xi32, #tpu.memory_space<vmem>>, %arg21: memref<640x16xf32, #tpu.memory_space<vmem>>, %arg22: memref<640x16xf32, #tpu.memory_space<vmem>>, %arg23: memref<126x16xf32, #tpu.memory_space<vmem>>, %arg24: memref<50416x16xf32, #tpu.memory_space<vmem_shared>>, %arg25: memref<!tpu.dma_semaphore, #tpu.memory_space<semaphore_mem>>, %arg26: memref<!tpu.dma_semaphore, #tpu.memory_space<semaphore_mem>>, %arg27: memref<!tpu.dma_semaphore, #tpu.memory_space<semaphore_mem>>, %arg28: memref<!tpu.dma_semaphore, #tpu.memory_space<semaphore_mem>>, %arg29: memref<!tpu.dma_semaphore, #tpu.memory_space<semaphore_mem>>, %arg30: memref<!tpu.dma_semaphore, #tpu.memory_space<semaphore_mem>>) attributes {dimension_semantics = [#tpu.dimension_semantics<core_parallel>, #tpu.dimension_semantics<subcore_parallel>], iteration_bounds = array<i64: 2, 16>, scalar_prefetch = 0 : i64, scratch_operands = 17 : i64, tpu.core_type = #tpu.core_type<sc_vector_subcore>, window_params = [{transform_indices = #map}, {transform_indices = #map}, {transform_indices = #map}, {transform_indices = #map}, {transform_indices = #map1}, {transform_indices = #map1}, {transform_indices = #map1}, {transform_indices = #map}, {transform_indices = #map}, {transform_indices = #map}, {transform_indices = #map}, {transform_indices = #map}]} {
    %mul3A = arith.constant 25200 : i32
    %mul3A_0 = arith.muli %arg0, %mul3A : i32
    %add3A = arith.constant 50400 : i32
    %add3A_1 = arith.addi %add3A, %arg1 : i32
    %mul3A_2 = arith.constant 51200 : i32
    %mul3A_3 = arith.muli %arg1, %mul3A_2 : i32
    %scan3A = arith.constant 0 : i32
    %scan3A_4 = arith.constant 126 : i32
    %scan3A_5 = arith.addi %scan3A, %scan3A_4 : i32
    %scan3A_6 = arith.constant 1 : i32
    scf.for %scan3A_206 = %scan3A to %scan3A_5 step %scan3A_6  : i32 {
      %mul3A_207 = arith.constant 1 : i32
      %mul3A_208 = arith.muli %scan3A_206, %mul3A_207 : i32
      %add3A_209 = arith.constant 0 : i32
      %add3A_210 = arith.addi %add3A_209, %mul3A_208 : i32
      %broadcast_in_dim3A_211 = arith.constant 0.000000e+00 : f32
      %broadcast_in_dim3A_212 = vector.broadcast %broadcast_in_dim3A_211 : f32 to vector<16xf32>
      %swap3A = arith.index_cast %add3A_210 : i32 to index
      %swap3A_213 = arith.constant 0 : index
      %swap3A_214 = tpu.vector_load %arg23[%swap3A, %swap3A_213] {strides = array<i32>} : memref<126x16xf32, #tpu.memory_space<vmem>>, vector<1x16xf32>,
      %swap3A_215 = vector.shape_cast %swap3A_214 : vector<1x16xf32> to vector<16xf32>
      %swap3A_216 = vector.shape_cast %broadcast_in_dim3A_212 : vector<16xf32> to vector<1x16xf32>
      tpu.vector_store %arg23[%swap3A, %swap3A_213], %swap3A_216 {strides = array<i32>} : memref<126x16xf32, #tpu.memory_space<vmem>>, vector<1x16xf32>,
    }
    %scan3A_7 = arith.constant 126 : i32
    %mul3A_8 = arith.constant 3150 : i32
    %mul3A_9 = arith.muli %arg1, %mul3A_8 : i32
    %scan3A_10 = arith.constant 0 : i32
    %scan3A_11 = arith.constant 25 : i32
    %scan3A_12 = arith.addi %scan3A_10, %scan3A_11 : i32
    %scan3A_13 = arith.constant 1 : i32
    scf.for %scan3A_206 = %scan3A_10 to %scan3A_12 step %scan3A_13  : i32 {
      %mul3A_207 = arith.constant 1 : i32
      %mul3A_208 = arith.muli %scan3A_206, %mul3A_207 : i32
      %add3A_209 = arith.constant 0 : i32
      %add3A_210 = arith.addi %add3A_209, %mul3A_208 : i32
      %mul3A_211 = arith.constant 126 : i32
      %mul3A_212 = arith.muli %add3A_210, %mul3A_211 : i32
      %add3A_213 = arith.addi %mul3A_9, %mul3A_212 : i32
      "tpu.region"() ({
        %run_scoped3A = tpu.sem_alloc : memref<!tpu.dma_semaphore, #tpu.memory_space<semaphore_mem>>
        %dma_start3A_214 = arith.constant 0 : i32
        %dma_start3A_215 = tpu.memref_slice %arg24[%add3A_213, %dma_start3A_214] : memref<50416x16xf32, #tpu.memory_space<vmem_shared>> -> memref<126x16xf32, #tpu.memory_space<vmem_shared>>
        %dma_start3A_216 = arith.constant 0 : i32
        %dma_start3A_217 = tpu.memref_slice %arg24[%add3A_213, %dma_start3A_216] : memref<50416x16xf32, #tpu.memory_space<vmem_shared>> -> memref<126x16xf32, #tpu.memory_space<vmem_shared>>
        tpu.enqueue_dma source(%arg23 : memref<126x16xf32, #tpu.memory_space<vmem>>) target(%dma_start3A_217 : memref<126x16xf32, #tpu.memory_space<vmem_shared>>) target_semaphore(%run_scoped3A : memref<!tpu.dma_semaphore, #tpu.memory_space<semaphore_mem>>)
        %dma_wait3A_218 = arith.constant 0 : i32
        %dma_wait3A_219 = tpu.memref_slice %arg24[%add3A_213, %dma_wait3A_218] : memref<50416x16xf32, #tpu.memory_space<vmem_shared>> -> memref<126x16xf32, #tpu.memory_space<vmem_shared>>
        %dma_wait3A_220 = arith.constant 0 : i32
        %dma_wait3A_221 = tpu.memref_slice %arg24[%add3A_213, %dma_wait3A_220] : memref<50416x16xf32, #tpu.memory_space<vmem_shared>> -> memref<126x16xf32, #tpu.memory_space<vmem_shared>>
        tpu.wait_dma2 semaphore(%run_scoped3A : memref<!tpu.dma_semaphore, #tpu.memory_space<semaphore_mem>>) src(%arg23 : memref<126x16xf32, #tpu.memory_space<vmem>>) dst(%dma_wait3A_221 : memref<126x16xf32, #tpu.memory_space<vmem_shared>>)
        tpu.yield
      }) : () -> ()
    }
    %scan3A_14 = arith.constant 25 : i32
    %add3A_15 = arith.constant 0 : i32
    %add3A_16 = arith.addi %mul3A_3, %add3A_15 : i32
    %dma_start3A = tpu.memref_slice %arg7[%add3A_16] : memref<819200xi32, #tpu.memory_space<hbm>> -> memref<640xi32, #tpu.memory_space<hbm>>
    %dma_start3A_17 = tpu.memref_slice %arg7[%add3A_16] : memref<819200xi32, #tpu.memory_space<hbm>> -> memref<640xi32, #tpu.memory_space<hbm>>
    tpu.enqueue_dma source(%dma_start3A_17 : memref<640xi32, #tpu.memory_space<hbm>>) target(%arg17 : memref<640xi32, #tpu.memory_space<vmem>>) target_semaphore(%arg29 : memref<!tpu.dma_semaphore, #tpu.memory_space<semaphore_mem>>)
    %add3A_18 = arith.constant 0 : i32
    %add3A_19 = arith.addi %mul3A_3, %add3A_18 : i32
    %dma_start3A_20 = tpu.memref_slice %arg8[%add3A_19] : memref<819200xi32, #tpu.memory_space<hbm>> -> memref<640xi32, #tpu.memory_space<hbm>>
    %dma_start3A_21 = tpu.memref_slice %arg8[%add3A_19] : memref<819200xi32, #tpu.memory_space<hbm>> -> memref<640xi32, #tpu.memory_space<hbm>>
    tpu.enqueue_dma source(%dma_start3A_21 : memref<640xi32, #tpu.memory_space<hbm>>) target(%arg19 : memref<640xi32, #tpu.memory_space<vmem>>) target_semaphore(%arg29 : memref<!tpu.dma_semaphore, #tpu.memory_space<semaphore_mem>>)
    %scan3A_22 = arith.constant 0 : i32
    %scan3A_23 = arith.constant 40 : i32
    %scan3A_24 = arith.addi %scan3A_22, %scan3A_23 : i32
    %scan3A_25 = arith.constant 1 : i32
    scf.for %scan3A_206 = %scan3A_22 to %scan3A_24 step %scan3A_25  : i32 {
      %mul3A_207 = arith.constant 1 : i32
      %mul3A_208 = arith.muli %scan3A_206, %mul3A_207 : i32
      %add3A_209 = arith.constant 0 : i32
      %add3A_210 = arith.addi %add3A_209, %mul3A_208 : i32
      %mul3A_211 = arith.constant 2 : i32
      %mul3A_212 = arith.muli %mul3A_211, %add3A_210 : i32
      %mul3A_213 = arith.constant 640 : i32
      %mul3A_214 = arith.muli %mul3A_212, %mul3A_213 : i32
      %add3A_215 = arith.addi %mul3A_3, %mul3A_214 : i32
      %dma_wait3A_216 = tpu.memref_slice %arg7[%add3A_215] : memref<819200xi32, #tpu.memory_space<hbm>> -> memref<640xi32, #tpu.memory_space<hbm>>
      %dma_wait3A_217 = tpu.memref_slice %arg7[%add3A_215] : memref<819200xi32, #tpu.memory_space<hbm>> -> memref<640xi32, #tpu.memory_space<hbm>>
      tpu.wait_dma2 semaphore(%arg29 : memref<!tpu.dma_semaphore, #tpu.memory_space<semaphore_mem>>) src(%dma_wait3A_217 : memref<640xi32, #tpu.memory_space<hbm>>) dst(%arg17 : memref<640xi32, #tpu.memory_space<vmem>>)
      %mul3A_218 = arith.constant 640 : i32
      %mul3A_219 = arith.muli %mul3A_212, %mul3A_218 : i32
      %add3A_220 = arith.addi %mul3A_3, %mul3A_219 : i32
      %dma_wait3A_221 = tpu.memref_slice %arg8[%add3A_220] : memref<819200xi32, #tpu.memory_space<hbm>> -> memref<640xi32, #tpu.memory_space<hbm>>
      %dma_wait3A_222 = tpu.memref_slice %arg8[%add3A_220] : memref<819200xi32, #tpu.memory_space<hbm>> -> memref<640xi32, #tpu.memory_space<hbm>>
      tpu.wait_dma2 semaphore(%arg29 : memref<!tpu.dma_semaphore, #tpu.memory_space<semaphore_mem>>) src(%dma_wait3A_222 : memref<640xi32, #tpu.memory_space<hbm>>) dst(%arg19 : memref<640xi32, #tpu.memory_space<vmem>>)
      %add3A_223 = arith.constant 1 : i32
      %add3A_224 = arith.addi %mul3A_212, %add3A_223 : i32
      %mul3A_225 = arith.constant 640 : i32
      %mul3A_226 = arith.muli %add3A_224, %mul3A_225 : i32
      %add3A_227 = arith.addi %mul3A_3, %mul3A_226 : i32
      %dma_start3A_228 = tpu.memref_slice %arg7[%add3A_227] : memref<819200xi32, #tpu.memory_space<hbm>> -> memref<640xi32, #tpu.memory_space<hbm>>
      %dma_start3A_229 = tpu.memref_slice %arg7[%add3A_227] : memref<819200xi32, #tpu.memory_space<hbm>> -> memref<640xi32, #tpu.memory_space<hbm>>
      tpu.enqueue_dma source(%dma_start3A_229 : memref<640xi32, #tpu.memory_space<hbm>>) target(%arg18 : memref<640xi32, #tpu.memory_space<vmem>>) target_semaphore(%arg30 : memref<!tpu.dma_semaphore, #tpu.memory_space<semaphore_mem>>)
      %mul3A_230 = arith.constant 640 : i32
      %mul3A_231 = arith.muli %add3A_224, %mul3A_230 : i32
      %add3A_232 = arith.addi %mul3A_3, %mul3A_231 : i32
      %dma_start3A_233 = tpu.memref_slice %arg8[%add3A_232] : memref<819200xi32, #tpu.memory_space<hbm>> -> memref<640xi32, #tpu.memory_space<hbm>>
      %dma_start3A_234 = tpu.memref_slice %arg8[%add3A_232] : memref<819200xi32, #tpu.memory_space<hbm>> -> memref<640xi32, #tpu.memory_space<hbm>>
      tpu.enqueue_dma source(%dma_start3A_234 : memref<640xi32, #tpu.memory_space<hbm>>) target(%arg20 : memref<640xi32, #tpu.memory_space<vmem>>) target_semaphore(%arg30 : memref<!tpu.dma_semaphore, #tpu.memory_space<semaphore_mem>>)
      %scan3A_235 = arith.constant 0 : i32
      %scan3A_236 = arith.constant 40 : i32
      %scan3A_237 = arith.addi %scan3A_235, %scan3A_236 : i32
      %scan3A_238 = arith.constant 1 : i32
      scf.for %scan3A_261 = %scan3A_235 to %scan3A_237 step %scan3A_238  : i32 {
        %mul3A_262 = arith.constant 1 : i32
        %mul3A_263 = arith.muli %scan3A_261, %mul3A_262 : i32
        %add3A_264 = arith.constant 0 : i32
        %add3A_265 = arith.addi %add3A_264, %mul3A_263 : i32
        %mul3A_266 = arith.constant 16 : i32
        %mul3A_267 = arith.muli %mul3A_266, %add3A_265 : i32
        %get3A = arith.index_cast %mul3A_267 : i32 to index
        %get3A_268 = tpu.vector_load %arg17[%get3A] {strides = array<i32>} : memref<640xi32, #tpu.memory_space<vmem>>, vector<16xi32>,
        %get3A_269 = vector.shape_cast %get3A_268 : vector<16xi32> to vector<16xi32>
        %sub3A = vector.broadcast %mul3A_0 : i32 to vector<16xi32>
        %sub3A_270 = arith.subi %get3A_269, %sub3A : vector<16xi32>
        %mul3A_271 = arith.constant 16 : i32
        %mul3A_272 = arith.muli %mul3A_271, %add3A_265 : i32
        %get3A_273 = arith.index_cast %mul3A_272 : i32 to index
        %get3A_274 = tpu.vector_load %arg19[%get3A_273] {strides = array<i32>} : memref<640xi32, #tpu.memory_space<vmem>>, vector<16xi32>,
        %get3A_275 = vector.shape_cast %get3A_274 : vector<16xi32> to vector<16xi32>
        %ge3A = arith.constant 0 : i32
        %ge3A_276 = vector.broadcast %ge3A : i32 to vector<16xi32>
        %ge3A_277 = arith.cmpi sge, %sub3A_270, %ge3A_276 : vector<16xi32>
        %lt3A_278 = arith.constant 25200 : i32
        %lt3A_279 = vector.broadcast %lt3A_278 : i32 to vector<16xi32>
        %lt3A_280 = arith.cmpi slt, %sub3A_270, %lt3A_279 : vector<16xi32>
        %and3A = arith.andi %ge3A_277, %lt3A_280 : vector<16xi1>
        %mul3A_281 = arith.constant 25200 : i32
        %mul3A_282 = vector.broadcast %mul3A_281 : i32 to vector<16xi32>
        %mul3A_283 = arith.muli %get3A_275, %mul3A_282 : vector<16xi32>
        %add3A_284 = arith.addi %sub3A_270, %mul3A_283 : vector<16xi32>
        %broadcast_in_dim3A_285 = vector.broadcast %add3A_1 : i32 to vector<16xi32>
        %select_n3A_286 = arith.select %and3A, %add3A_284, %broadcast_in_dim3A_285 : vector<16xi1>, vector<16xi32>
        %mul3A_287 = arith.constant 16 : i32
        %mul3A_288 = arith.muli %mul3A_287, %add3A_265 : i32
        %swap3A = arith.index_cast %mul3A_212 : i32 to index
        %swap3A_289 = arith.index_cast %mul3A_288 : i32 to index
        %swap3A_290 = tpu.vector_load %arg14[%swap3A, %swap3A_289] {strides = array<i32>} : memref<80x640xi32, #tpu.memory_space<vmem>>, vector<1x16xi32>,
        %swap3A_291 = vector.shape_cast %swap3A_290 : vector<1x16xi32> to vector<16xi32>
        %swap3A_292 = vector.shape_cast %select_n3A_286 : vector<16xi32> to vector<1x16xi32>
        tpu.vector_store %arg14[%swap3A, %swap3A_289], %swap3A_292 {strides = array<i32>} : memref<80x640xi32, #tpu.memory_space<vmem>>, vector<1x16xi32>,
      }
      %scan3A_239 = arith.constant 40 : i32
      %add3A_240 = arith.constant 1 : i32
      %add3A_241 = arith.addi %mul3A_212, %add3A_240 : i32
      %mul3A_242 = arith.constant 640 : i32
      %mul3A_243 = arith.muli %add3A_241, %mul3A_242 : i32
      %add3A_244 = arith.addi %mul3A_3, %mul3A_243 : i32
      %dma_wait3A_245 = tpu.memref_slice %arg7[%add3A_244] : memref<819200xi32, #tpu.memory_space<hbm>> -> memref<640xi32, #tpu.memory_space<hbm>>
      %dma_wait3A_246 = tpu.memref_slice %arg7[%add3A_244] : memref<819200xi32, #tpu.memory_space<hbm>> -> memref<640xi32, #tpu.memory_space<hbm>>
      tpu.wait_dma2 semaphore(%arg30 : memref<!tpu.dma_semaphore, #tpu.memory_space<semaphore_mem>>) src(%dma_wait3A_246 : memref<640xi32, #tpu.memory_space<hbm>>) dst(%arg18 : memref<640xi32, #tpu.memory_space<vmem>>)
      %mul3A_247 = arith.constant 640 : i32
      %mul3A_248 = arith.muli %add3A_241, %mul3A_247 : i32
      %add3A_249 = arith.addi %mul3A_3, %mul3A_248 : i32
      %dma_wait3A_250 = tpu.memref_slice %arg8[%add3A_249] : memref<819200xi32, #tpu.memory_space<hbm>> -> memref<640xi32, #tpu.memory_space<hbm>>
      %dma_wait3A_251 = tpu.memref_slice %arg8[%add3A_249] : memref<819200xi32, #tpu.memory_space<hbm>> -> memref<640xi32, #tpu.memory_space<hbm>>
      tpu.wait_dma2 semaphore(%arg30 : memref<!tpu.dma_semaphore, #tpu.memory_space<semaphore_mem>>) src(%dma_wait3A_251 : memref<640xi32, #tpu.memory_space<hbm>>) dst(%arg20 : memref<640xi32, #tpu.memory_space<vmem>>)
      %lt3A = arith.constant 39 : i32
      %lt3A_252 = arith.cmpi slt, %add3A_210, %lt3A : i32
      %convert_element_type3A = arith.extui %lt3A_252 : i1 to i32
      %cond3A = arith.constant 0 : i32
      %cond3A_253 = arith.cmpi ne, %convert_element_type3A, %cond3A : i32
      scf.if %cond3A_253 {
        %add3A_261 = arith.constant 2 : i32
        %add3A_262 = arith.addi %mul3A_212, %add3A_261 : i32
        %mul3A_263 = arith.constant 640 : i32
        %mul3A_264 = arith.muli %add3A_262, %mul3A_263 : i32
        %add3A_265 = arith.addi %mul3A_3, %mul3A_264 : i32
        %dma_start3A_266 = tpu.memref_slice %arg7[%add3A_265] : memref<819200xi32, #tpu.memory_space<hbm>> -> memref<640xi32, #tpu.memory_space<hbm>>
        %dma_start3A_267 = tpu.memref_slice %arg7[%add3A_265] : memref<819200xi32, #tpu.memory_space<hbm>> -> memref<640xi32, #tpu.memory_space<hbm>>
        tpu.enqueue_dma source(%dma_start3A_267 : memref<640xi32, #tpu.memory_space<hbm>>) target(%arg17 : memref<640xi32, #tpu.memory_space<vmem>>) target_semaphore(%arg29 : memref<!tpu.dma_semaphore, #tpu.memory_space<semaphore_mem>>)
        %mul3A_268 = arith.constant 640 : i32
        %mul3A_269 = arith.muli %add3A_262, %mul3A_268 : i32
        %add3A_270 = arith.addi %mul3A_3, %mul3A_269 : i32
        %dma_start3A_271 = tpu.memref_slice %arg8[%add3A_270] : memref<819200xi32, #tpu.memory_space<hbm>> -> memref<640xi32, #tpu.memory_space<hbm>>
        %dma_start3A_272 = tpu.memref_slice %arg8[%add3A_270] : memref<819200xi32, #tpu.memory_space<hbm>> -> memref<640xi32, #tpu.memory_space<hbm>>
        tpu.enqueue_dma source(%dma_start3A_272 : memref<640xi32, #tpu.memory_space<hbm>>) target(%arg19 : memref<640xi32, #tpu.memory_space<vmem>>) target_semaphore(%arg29 : memref<!tpu.dma_semaphore, #tpu.memory_space<semaphore_mem>>)
      } else {
      }
      %add3A_254 = arith.constant 1 : i32
      %add3A_255 = arith.addi %mul3A_212, %add3A_254 : i32
      %scan3A_256 = arith.constant 0 : i32
      %scan3A_257 = arith.constant 40 : i32
      %scan3A_258 = arith.addi %scan3A_256, %scan3A_257 : i32
      %scan3A_259 = arith.constant 1 : i32
      scf.for %scan3A_261 = %scan3A_256 to %scan3A_258 step %scan3A_259  : i32 {
        %mul3A_262 = arith.constant 1 : i32
        %mul3A_263 = arith.muli %scan3A_261, %mul3A_262 : i32
        %add3A_264 = arith.constant 0 : i32
        %add3A_265 = arith.addi %add3A_264, %mul3A_263 : i32
        %mul3A_266 = arith.constant 16 : i32
        %mul3A_267 = arith.muli %mul3A_266, %add3A_265 : i32
        %get3A = arith.index_cast %mul3A_267 : i32 to index
        %get3A_268 = tpu.vector_load %arg18[%get3A] {strides = array<i32>} : memref<640xi32, #tpu.memory_space<vmem>>, vector<16xi32>,
        %get3A_269 = vector.shape_cast %get3A_268 : vector<16xi32> to vector<16xi32>
        %sub3A = vector.broadcast %mul3A_0 : i32 to vector<16xi32>
        %sub3A_270 = arith.subi %get3A_269, %sub3A : vector<16xi32>
        %mul3A_271 = arith.constant 16 : i32
        %mul3A_272 = arith.muli %mul3A_271, %add3A_265 : i32
        %get3A_273 = arith.index_cast %mul3A_272 : i32 to index
        %get3A_274 = tpu.vector_load %arg20[%get3A_273] {strides = array<i32>} : memref<640xi32, #tpu.memory_space<vmem>>, vector<16xi32>,
        %get3A_275 = vector.shape_cast %get3A_274 : vector<16xi32> to vector<16xi32>
        %ge3A = arith.constant 0 : i32
        %ge3A_276 = vector.broadcast %ge3A : i32 to vector<16xi32>
        %ge3A_277 = arith.cmpi sge, %sub3A_270, %ge3A_276 : vector<16xi32>
        %lt3A_278 = arith.constant 25200 : i32
        %lt3A_279 = vector.broadcast %lt3A_278 : i32 to vector<16xi32>
        %lt3A_280 = arith.cmpi slt, %sub3A_270, %lt3A_279 : vector<16xi32>
        %and3A = arith.andi %ge3A_277, %lt3A_280 : vector<16xi1>
        %mul3A_281 = arith.constant 25200 : i32
        %mul3A_282 = vector.broadcast %mul3A_281 : i32 to vector<16xi32>
        %mul3A_283 = arith.muli %get3A_275, %mul3A_282 : vector<16xi32>
        %add3A_284 = arith.addi %sub3A_270, %mul3A_283 : vector<16xi32>
        %broadcast_in_dim3A_285 = vector.broadcast %add3A_1 : i32 to vector<16xi32>
        %select_n3A_286 = arith.select %and3A, %add3A_284, %broadcast_in_dim3A_285 : vector<16xi1>, vector<16xi32>
        %mul3A_287 = arith.constant 16 : i32
        %mul3A_288 = arith.muli %mul3A_287, %add3A_265 : i32
        %swap3A = arith.index_cast %add3A_255 : i32 to index
        %swap3A_289 = arith.index_cast %mul3A_288 : i32 to index
        %swap3A_290 = tpu.vector_load %arg14[%swap3A, %swap3A_289] {strides = array<i32>} : memref<80x640xi32, #tpu.memory_space<vmem>>, vector<1x16xi32>,
        %swap3A_291 = vector.shape_cast %swap3A_290 : vector<1x16xi32> to vector<16xi32>
        %swap3A_292 = vector.shape_cast %select_n3A_286 : vector<16xi32> to vector<1x16xi32>
        tpu.vector_store %arg14[%swap3A, %swap3A_289], %swap3A_292 {strides = array<i32>} : memref<80x640xi32, #tpu.memory_space<vmem>>, vector<1x16xi32>,
      }
      %scan3A_260 = arith.constant 40 : i32
    }
    %scan3A_26 = arith.constant 40 : i32
    %barrier3A = arith.constant 0 : index
    tpu.barrier barrier_id(%barrier3A)
    %add3A_27 = arith.constant 0 : i32
    %add3A_28 = arith.addi %mul3A_3, %add3A_27 : i32
    %dma_start3A_29 = tpu.memref_slice %arg6[%add3A_28] : memref<819200xi32, #tpu.memory_space<hbm>> -> memref<640xi32, #tpu.memory_space<hbm>>
    %dma_start3A_30 = tpu.memref_slice %arg6[%add3A_28] : memref<819200xi32, #tpu.memory_space<hbm>> -> memref<640xi32, #tpu.memory_space<hbm>>
    tpu.enqueue_dma source(%dma_start3A_30 : memref<640xi32, #tpu.memory_space<hbm>>) target(%arg15 : memref<640xi32, #tpu.memory_space<vmem>>) target_semaphore(%arg29 : memref<!tpu.dma_semaphore, #tpu.memory_space<semaphore_mem>>)
    %add3A_31 = arith.constant 640 : i32
    %add3A_32 = arith.addi %mul3A_3, %add3A_31 : i32
    %dma_start3A_33 = tpu.memref_slice %arg6[%add3A_32] : memref<819200xi32, #tpu.memory_space<hbm>> -> memref<640xi32, #tpu.memory_space<hbm>>
    %dma_start3A_34 = tpu.memref_slice %arg6[%add3A_32] : memref<819200xi32, #tpu.memory_space<hbm>> -> memref<640xi32, #tpu.memory_space<hbm>>
    tpu.enqueue_dma source(%dma_start3A_34 : memref<640xi32, #tpu.memory_space<hbm>>) target(%arg16 : memref<640xi32, #tpu.memory_space<vmem>>) target_semaphore(%arg30 : memref<!tpu.dma_semaphore, #tpu.memory_space<semaphore_mem>>)
    %add3A_35 = arith.constant 0 : i32
    %add3A_36 = arith.addi %mul3A_3, %add3A_35 : i32
    %dma_wait3A = tpu.memref_slice %arg6[%add3A_36] : memref<819200xi32, #tpu.memory_space<hbm>> -> memref<640xi32, #tpu.memory_space<hbm>>
    %dma_wait3A_37 = tpu.memref_slice %arg6[%add3A_36] : memref<819200xi32, #tpu.memory_space<hbm>> -> memref<640xi32, #tpu.memory_space<hbm>>
    tpu.wait_dma2 semaphore(%arg29 : memref<!tpu.dma_semaphore, #tpu.memory_space<semaphore_mem>>) src(%dma_wait3A_37 : memref<640xi32, #tpu.memory_space<hbm>>) dst(%arg15 : memref<640xi32, #tpu.memory_space<vmem>>)
    %dma_start3A_38 = arith.constant 0 : i32
    %dma_start3A_39 = arith.constant 0 : i32
    %dma_start3A_40 = tpu.memref_slice %arg2[%dma_start3A_38, %dma_start3A_39] : memref<50000x16xf32, #tpu.memory_space<hbm>> -> memref<50000x16xf32, #tpu.memory_space<hbm>>
    tpu.enqueue_indirect_dma source(%dma_start3A_40 : memref<50000x16xf32, #tpu.memory_space<hbm>>) target(%arg21 : memref<640x16xf32, #tpu.memory_space<vmem>>) offsets(%arg15 : memref<640xi32, #tpu.memory_space<vmem>>) semaphore(%arg25 : memref<!tpu.dma_semaphore, #tpu.memory_space<semaphore_mem>>)
    %scan3A_41 = arith.constant 0 : i32
    %scan3A_42 = arith.constant 40 : i32
    %scan3A_43 = arith.addi %scan3A_41, %scan3A_42 : i32
    %scan3A_44 = arith.constant 1 : i32
    scf.for %scan3A_206 = %scan3A_41 to %scan3A_43 step %scan3A_44  : i32 {
      %mul3A_207 = arith.constant 1 : i32
      %mul3A_208 = arith.muli %scan3A_206, %mul3A_207 : i32
      %add3A_209 = arith.constant 0 : i32
      %add3A_210 = arith.addi %add3A_209, %mul3A_208 : i32
      %mul3A_211 = arith.constant 2 : i32
      %mul3A_212 = arith.muli %mul3A_211, %add3A_210 : i32
      %dma_wait3A_213 = arith.constant 0 : i32
      %dma_wait3A_214 = arith.constant 0 : i32
      %dma_wait3A_215 = tpu.memref_slice %arg2[%dma_wait3A_213, %dma_wait3A_214] : memref<50000x16xf32, #tpu.memory_space<hbm>> -> memref<50000x16xf32, #tpu.memory_space<hbm>>
      tpu.wait_indirect_dma semaphore(%arg25 : memref<!tpu.dma_semaphore, #tpu.memory_space<semaphore_mem>>) src(%dma_wait3A_215 : memref<50000x16xf32, #tpu.memory_space<hbm>>) dst(%arg21 : memref<640x16xf32, #tpu.memory_space<vmem>>)
      %dma_start3A_216 = arith.constant 0 : i32
      %dma_start3A_217 = tpu.memref_slice %arg14[%mul3A_212, %dma_start3A_216] : memref<80x640xi32, #tpu.memory_space<vmem>> -> memref<1x640xi32, #tpu.memory_space<vmem>>
      %dma_start3A_218 = tpu.memref_squeeze %dma_start3A_217 : memref<1x640xi32, #tpu.memory_space<vmem>> -> memref<640xi32, #tpu.memory_space<vmem>>
      %dma_start3A_219 = arith.constant 0 : i32
      %dma_start3A_220 = arith.constant 0 : i32
      %dma_start3A_221 = tpu.memref_slice %arg24[%dma_start3A_219, %dma_start3A_220] : memref<50416x16xf32, #tpu.memory_space<vmem_shared>> -> memref<50416x16xf32, #tpu.memory_space<vmem_shared>>
      tpu.enqueue_indirect_dma source(%arg21 : memref<640x16xf32, #tpu.memory_space<vmem>>) target(%dma_start3A_221 : memref<50416x16xf32, #tpu.memory_space<vmem_shared>>) offsets(%dma_start3A_218 : memref<640xi32, #tpu.memory_space<vmem>>) semaphore(%arg27 : memref<!tpu.dma_semaphore, #tpu.memory_space<semaphore_mem>>) {add = true}
      %add3A_222 = arith.constant 1 : i32
      %add3A_223 = arith.addi %mul3A_212, %add3A_222 : i32
      %mul3A_224 = arith.constant 640 : i32
      %mul3A_225 = arith.muli %add3A_223, %mul3A_224 : i32
      %add3A_226 = arith.addi %mul3A_3, %mul3A_225 : i32
      %dma_wait3A_227 = tpu.memref_slice %arg6[%add3A_226] : memref<819200xi32, #tpu.memory_space<hbm>> -> memref<640xi32, #tpu.memory_space<hbm>>
      %dma_wait3A_228 = tpu.memref_slice %arg6[%add3A_226] : memref<819200xi32, #tpu.memory_space<hbm>> -> memref<640xi32, #tpu.memory_space<hbm>>
      tpu.wait_dma2 semaphore(%arg30 : memref<!tpu.dma_semaphore, #tpu.memory_space<semaphore_mem>>) src(%dma_wait3A_228 : memref<640xi32, #tpu.memory_space<hbm>>) dst(%arg16 : memref<640xi32, #tpu.memory_space<vmem>>)
      %gt3A = arith.constant 0 : i32
      %gt3A_229 = arith.cmpi sgt, %add3A_210, %gt3A : i32
      %convert_element_type3A = arith.extui %gt3A_229 : i1 to i32
      %cond3A = arith.constant 0 : i32
      %cond3A_230 = arith.cmpi ne, %convert_element_type3A, %cond3A : i32
      scf.if %cond3A_230 {
        %sub3A = arith.constant 1 : i32
        %sub3A_260 = arith.subi %mul3A_212, %sub3A : i32
        %dma_wait3A_261 = arith.constant 0 : i32
        %dma_wait3A_262 = tpu.memref_slice %arg14[%sub3A_260, %dma_wait3A_261] : memref<80x640xi32, #tpu.memory_space<vmem>> -> memref<1x640xi32, #tpu.memory_space<vmem>>
        %dma_wait3A_263 = tpu.memref_squeeze %dma_wait3A_262 : memref<1x640xi32, #tpu.memory_space<vmem>> -> memref<640xi32, #tpu.memory_space<vmem>>
        %dma_wait3A_264 = arith.constant 0 : i32
        %dma_wait3A_265 = arith.constant 0 : i32
        %dma_wait3A_266 = tpu.memref_slice %arg24[%dma_wait3A_264, %dma_wait3A_265] : memref<50416x16xf32, #tpu.memory_space<vmem_shared>> -> memref<50416x16xf32, #tpu.memory_space<vmem_shared>>
        tpu.wait_indirect_dma semaphore(%arg28 : memref<!tpu.dma_semaphore, #tpu.memory_space<semaphore_mem>>) src(%arg22 : memref<640x16xf32, #tpu.memory_space<vmem>>) dst(%dma_wait3A_266 : memref<50416x16xf32, #tpu.memory_space<vmem_shared>>)
      } else {
      }
      %dma_start3A_231 = arith.constant 0 : i32
      %dma_start3A_232 = arith.constant 0 : i32
      %dma_start3A_233 = tpu.memref_slice %arg2[%dma_start3A_231, %dma_start3A_232] : memref<50000x16xf32, #tpu.memory_space<hbm>> -> memref<50000x16xf32, #tpu.memory_space<hbm>>
      tpu.enqueue_indirect_dma source(%dma_start3A_233 : memref<50000x16xf32, #tpu.memory_space<hbm>>) target(%arg22 : memref<640x16xf32, #tpu.memory_space<vmem>>) offsets(%arg16 : memref<640xi32, #tpu.memory_space<vmem>>) semaphore(%arg26 : memref<!tpu.dma_semaphore, #tpu.memory_space<semaphore_mem>>)
      %lt3A = arith.constant 39 : i32
      %lt3A_234 = arith.cmpi slt, %add3A_210, %lt3A : i32
      %convert_element_type3A_235 = arith.extui %lt3A_234 : i1 to i32
      %cond3A_236 = arith.constant 0 : i32
      %cond3A_237 = arith.cmpi ne, %convert_element_type3A_235, %cond3A_236 : i32
      scf.if %cond3A_237 {
        %add3A_260 = arith.constant 2 : i32
        %add3A_261 = arith.addi %mul3A_212, %add3A_260 : i32
        %mul3A_262 = arith.constant 640 : i32
        %mul3A_263 = arith.muli %add3A_261, %mul3A_262 : i32
        %add3A_264 = arith.addi %mul3A_3, %mul3A_263 : i32
        %dma_start3A_265 = tpu.memref_slice %arg6[%add3A_264] : memref<819200xi32, #tpu.memory_space<hbm>> -> memref<640xi32, #tpu.memory_space<hbm>>
        %dma_start3A_266 = tpu.memref_slice %arg6[%add3A_264] : memref<819200xi32, #tpu.memory_space<hbm>> -> memref<640xi32, #tpu.memory_space<hbm>>
        tpu.enqueue_dma source(%dma_start3A_266 : memref<640xi32, #tpu.memory_space<hbm>>) target(%arg15 : memref<640xi32, #tpu.memory_space<vmem>>) target_semaphore(%arg29 : memref<!tpu.dma_semaphore, #tpu.memory_space<semaphore_mem>>)
      } else {
      }
      %dma_wait3A_238 = arith.constant 0 : i32
      %dma_wait3A_239 = arith.constant 0 : i32
      %dma_wait3A_240 = tpu.memref_slice %arg2[%dma_wait3A_238, %dma_wait3A_239] : memref<50000x16xf32, #tpu.memory_space<hbm>> -> memref<50000x16xf32, #tpu.memory_space<hbm>>
      tpu.wait_indirect_dma semaphore(%arg26 : memref<!tpu.dma_semaphore, #tpu.memory_space<semaphore_mem>>) src(%dma_wait3A_240 : memref<50000x16xf32, #tpu.memory_space<hbm>>) dst(%arg22 : memref<640x16xf32, #tpu.memory_space<vmem>>)
      %add3A_241 = arith.constant 1 : i32
      %add3A_242 = arith.addi %mul3A_212, %add3A_241 : i32
      %dma_start3A_243 = arith.constant 0 : i32
      %dma_start3A_244 = tpu.memref_slice %arg14[%add3A_242, %dma_start3A_243] : memref<80x640xi32, #tpu.memory_space<vmem>> -> memref<1x640xi32, #tpu.memory_space<vmem>>
      %dma_start3A_245 = tpu.memref_squeeze %dma_start3A_244 : memref<1x640xi32, #tpu.memory_space<vmem>> -> memref<640xi32, #tpu.memory_space<vmem>>
      %dma_start3A_246 = arith.constant 0 : i32
      %dma_start3A_247 = arith.constant 0 : i32
      %dma_start3A_248 = tpu.memref_slice %arg24[%dma_start3A_246, %dma_start3A_247] : memref<50416x16xf32, #tpu.memory_space<vmem_shared>> -> memref<50416x16xf32, #tpu.memory_space<vmem_shared>>
      tpu.enqueue_indirect_dma source(%arg22 : memref<640x16xf32, #tpu.memory_space<vmem>>) target(%dma_start3A_248 : memref<50416x16xf32, #tpu.memory_space<vmem_shared>>) offsets(%dma_start3A_245 : memref<640xi32, #tpu.memory_space<vmem>>) semaphore(%arg28 : memref<!tpu.dma_semaphore, #tpu.memory_space<semaphore_mem>>) {add = true}
      %dma_wait3A_249 = arith.constant 0 : i32
      %dma_wait3A_250 = tpu.memref_slice %arg14[%mul3A_212, %dma_wait3A_249] : memref<80x640xi32, #tpu.memory_space<vmem>> -> memref<1x640xi32, #tpu.memory_space<vmem>>
      %dma_wait3A_251 = tpu.memref_squeeze %dma_wait3A_250 : memref<1x640xi32, #tpu.memory_space<vmem>> -> memref<640xi32, #tpu.memory_space<vmem>>
      %dma_wait3A_252 = arith.constant 0 : i32
      %dma_wait3A_253 = arith.constant 0 : i32
      %dma_wait3A_254 = tpu.memref_slice %arg24[%dma_wait3A_252, %dma_wait3A_253] : memref<50416x16xf32, #tpu.memory_space<vmem_shared>> -> memref<50416x16xf32, #tpu.memory_space<vmem_shared>>
      tpu.wait_indirect_dma semaphore(%arg27 : memref<!tpu.dma_semaphore, #tpu.memory_space<semaphore_mem>>) src(%arg21 : memref<640x16xf32, #tpu.memory_space<vmem>>) dst(%dma_wait3A_254 : memref<50416x16xf32, #tpu.memory_space<vmem_shared>>)
      %lt3A_255 = arith.constant 39 : i32
      %lt3A_256 = arith.cmpi slt, %add3A_210, %lt3A_255 : i32
      %convert_element_type3A_257 = arith.extui %lt3A_256 : i1 to i32
      %cond3A_258 = arith.constant 0 : i32
      %cond3A_259 = arith.cmpi ne, %convert_element_type3A_257, %cond3A_258 : i32
      scf.if %cond3A_259 {
        %add3A_260 = arith.constant 2 : i32
        %add3A_261 = arith.addi %mul3A_212, %add3A_260 : i32
        %mul3A_262 = arith.constant 640 : i32
        %mul3A_263 = arith.muli %add3A_261, %mul3A_262 : i32
        %add3A_264 = arith.addi %mul3A_3, %mul3A_263 : i32
        %dma_wait3A_265 = tpu.memref_slice %arg6[%add3A_264] : memref<819200xi32, #tpu.memory_space<hbm>> -> memref<640xi32, #tpu.memory_space<hbm>>
        %dma_wait3A_266 = tpu.memref_slice %arg6[%add3A_264] : memref<819200xi32, #tpu.memory_space<hbm>> -> memref<640xi32, #tpu.memory_space<hbm>>
        tpu.wait_dma2 semaphore(%arg29 : memref<!tpu.dma_semaphore, #tpu.memory_space<semaphore_mem>>) src(%dma_wait3A_266 : memref<640xi32, #tpu.memory_space<hbm>>) dst(%arg15 : memref<640xi32, #tpu.memory_space<vmem>>)
        %dma_start3A_267 = arith.constant 0 : i32
        %dma_start3A_268 = arith.constant 0 : i32
        %dma_start3A_269 = tpu.memref_slice %arg2[%dma_start3A_267, %dma_start3A_268] : memref<50000x16xf32, #tpu.memory_space<hbm>> -> memref<50000x16xf32, #tpu.memory_space<hbm>>
        tpu.enqueue_indirect_dma source(%dma_start3A_269 : memref<50000x16xf32, #tpu.memory_space<hbm>>) target(%arg21 : memref<640x16xf32, #tpu.memory_space<vmem>>) offsets(%arg15 : memref<640xi32, #tpu.memory_space<vmem>>) semaphore(%arg25 : memref<!tpu.dma_semaphore, #tpu.memory_space<semaphore_mem>>)
        %add3A_270 = arith.constant 3 : i32
        %add3A_271 = arith.addi %mul3A_212, %add3A_270 : i32
        %mul3A_272 = arith.constant 640 : i32
        %mul3A_273 = arith.muli %add3A_271, %mul3A_272 : i32
        %add3A_274 = arith.addi %mul3A_3, %mul3A_273 : i32
        %dma_start3A_275 = tpu.memref_slice %arg6[%add3A_274] : memref<819200xi32, #tpu.memory_space<hbm>> -> memref<640xi32, #tpu.memory_space<hbm>>
        %dma_start3A_276 = tpu.memref_slice %arg6[%add3A_274] : memref<819200xi32, #tpu.memory_space<hbm>> -> memref<640xi32, #tpu.memory_space<hbm>>
        tpu.enqueue_dma source(%dma_start3A_276 : memref<640xi32, #tpu.memory_space<hbm>>) target(%arg16 : memref<640xi32, #tpu.memory_space<vmem>>) target_semaphore(%arg30 : memref<!tpu.dma_semaphore, #tpu.memory_space<semaphore_mem>>)
      } else {
      }
    }
    %scan3A_45 = arith.constant 40 : i32
    %dma_wait3A_46 = arith.constant 79 : i32
    %dma_wait3A_47 = arith.constant 0 : i32
    %dma_wait3A_48 = tpu.memref_slice %arg14[%dma_wait3A_46, %dma_wait3A_47] : memref<80x640xi32, #tpu.memory_space<vmem>> -> memref<1x640xi32, #tpu.memory_space<vmem>>
    %dma_wait3A_49 = tpu.memref_squeeze %dma_wait3A_48 : memref<1x640xi32, #tpu.memory_space<vmem>> -> memref<640xi32, #tpu.memory_space<vmem>>
    %dma_wait3A_50 = arith.constant 0 : i32
    %dma_wait3A_51 = arith.constant 0 : i32
    %dma_wait3A_52 = tpu.memref_slice %arg24[%dma_wait3A_50, %dma_wait3A_51] : memref<50416x16xf32, #tpu.memory_space<vmem_shared>> -> memref<50416x16xf32, #tpu.memory_space<vmem_shared>>
    tpu.wait_indirect_dma semaphore(%arg28 : memref<!tpu.dma_semaphore, #tpu.memory_space<semaphore_mem>>) src(%arg22 : memref<640x16xf32, #tpu.memory_space<vmem>>) dst(%dma_wait3A_52 : memref<50416x16xf32, #tpu.memory_space<vmem_shared>>)
    %barrier3A_53 = arith.constant 0 : index
    tpu.barrier barrier_id(%barrier3A_53)
    %mul3A_54 = arith.constant 50400 : i32
    %mul3A_55 = arith.muli %arg0, %mul3A_54 : i32
    %add3A_56 = arith.addi %mul3A_55, %mul3A_9 : i32
    "tpu.region"() ({
      %run_scoped3A = tpu.sem_alloc : memref<!tpu.dma_semaphore, #tpu.memory_space<semaphore_mem>>
      %dma_start3A_206 = arith.constant 0 : i32
      %dma_start3A_207 = tpu.memref_slice %arg9[%add3A_56, %dma_start3A_206] : memref<100800x16xf32, #tpu.memory_space<hbm>> -> memref<3150x16xf32, #tpu.memory_space<hbm>>
      %dma_start3A_208 = arith.constant 0 : i32
      %dma_start3A_209 = tpu.memref_slice %arg24[%mul3A_9, %dma_start3A_208] : memref<50416x16xf32, #tpu.memory_space<vmem_shared>> -> memref<3150x16xf32, #tpu.memory_space<vmem_shared>>
      tpu.enqueue_dma source(%dma_start3A_209 : memref<3150x16xf32, #tpu.memory_space<vmem_shared>>) target(%dma_start3A_207 : memref<3150x16xf32, #tpu.memory_space<hbm>>) target_semaphore(%run_scoped3A : memref<!tpu.dma_semaphore, #tpu.memory_space<semaphore_mem>>)
      %dma_wait3A_210 = arith.constant 0 : i32
      %dma_wait3A_211 = tpu.memref_slice %arg9[%add3A_56, %dma_wait3A_210] : memref<100800x16xf32, #tpu.memory_space<hbm>> -> memref<3150x16xf32, #tpu.memory_space<hbm>>
      %dma_wait3A_212 = arith.constant 0 : i32
      %dma_wait3A_213 = tpu.memref_slice %arg24[%mul3A_9, %dma_wait3A_212] : memref<50416x16xf32, #tpu.memory_space<vmem_shared>> -> memref<3150x16xf32, #tpu.memory_space<vmem_shared>>
      tpu.wait_dma2 semaphore(%run_scoped3A : memref<!tpu.dma_semaphore, #tpu.memory_space<semaphore_mem>>) src(%dma_wait3A_213 : memref<3150x16xf32, #tpu.memory_space<vmem_shared>>) dst(%dma_wait3A_211 : memref<3150x16xf32, #tpu.memory_space<hbm>>)
      tpu.yield
    }) : () -> ()
    %scan3A_57 = arith.constant 0 : i32
    %scan3A_58 = arith.constant 25 : i32
    %scan3A_59 = arith.addi %scan3A_57, %scan3A_58 : i32
    %scan3A_60 = arith.constant 1 : i32
    scf.for %scan3A_206 = %scan3A_57 to %scan3A_59 step %scan3A_60  : i32 {
      %mul3A_207 = arith.constant 1 : i32
      %mul3A_208 = arith.muli %scan3A_206, %mul3A_207 : i32
      %add3A_209 = arith.constant 0 : i32
      %add3A_210 = arith.addi %add3A_209, %mul3A_208 : i32
      %mul3A_211 = arith.constant 126 : i32
      %mul3A_212 = arith.muli %add3A_210, %mul3A_211 : i32
      %add3A_213 = arith.addi %mul3A_9, %mul3A_212 : i32
      "tpu.region"() ({
        %run_scoped3A = tpu.sem_alloc : memref<!tpu.dma_semaphore, #tpu.memory_space<semaphore_mem>>
        %dma_start3A_214 = arith.constant 0 : i32
        %dma_start3A_215 = tpu.memref_slice %arg24[%add3A_213, %dma_start3A_214] : memref<50416x16xf32, #tpu.memory_space<vmem_shared>> -> memref<126x16xf32, #tpu.memory_space<vmem_shared>>
        %dma_start3A_216 = arith.constant 0 : i32
        %dma_start3A_217 = tpu.memref_slice %arg24[%add3A_213, %dma_start3A_216] : memref<50416x16xf32, #tpu.memory_space<vmem_shared>> -> memref<126x16xf32, #tpu.memory_space<vmem_shared>>
        tpu.enqueue_dma source(%arg23 : memref<126x16xf32, #tpu.memory_space<vmem>>) target(%dma_start3A_217 : memref<126x16xf32, #tpu.memory_space<vmem_shared>>) target_semaphore(%run_scoped3A : memref<!tpu.dma_semaphore, #tpu.memory_space<semaphore_mem>>)
        %dma_wait3A_218 = arith.constant 0 : i32
        %dma_wait3A_219 = tpu.memref_slice %arg24[%add3A_213, %dma_wait3A_218] : memref<50416x16xf32, #tpu.memory_space<vmem_shared>> -> memref<126x16xf32, #tpu.memory_space<vmem_shared>>
        %dma_wait3A_220 = arith.constant 0 : i32
        %dma_wait3A_221 = tpu.memref_slice %arg24[%add3A_213, %dma_wait3A_220] : memref<50416x16xf32, #tpu.memory_space<vmem_shared>> -> memref<126x16xf32, #tpu.memory_space<vmem_shared>>
        tpu.wait_dma2 semaphore(%run_scoped3A : memref<!tpu.dma_semaphore, #tpu.memory_space<semaphore_mem>>) src(%arg23 : memref<126x16xf32, #tpu.memory_space<vmem>>) dst(%dma_wait3A_221 : memref<126x16xf32, #tpu.memory_space<vmem_shared>>)
        tpu.yield
      }) : () -> ()
    }
    %scan3A_61 = arith.constant 25 : i32
    %barrier3A_62 = arith.constant 0 : index
    tpu.barrier barrier_id(%barrier3A_62)
    %add3A_63 = arith.constant 0 : i32
    %add3A_64 = arith.addi %mul3A_3, %add3A_63 : i32
    %dma_start3A_65 = tpu.memref_slice %arg6[%add3A_64] : memref<819200xi32, #tpu.memory_space<hbm>> -> memref<640xi32, #tpu.memory_space<hbm>>
    %dma_start3A_66 = tpu.memref_slice %arg6[%add3A_64] : memref<819200xi32, #tpu.memory_space<hbm>> -> memref<640xi32, #tpu.memory_space<hbm>>
    tpu.enqueue_dma source(%dma_start3A_66 : memref<640xi32, #tpu.memory_space<hbm>>) target(%arg15 : memref<640xi32, #tpu.memory_space<vmem>>) target_semaphore(%arg29 : memref<!tpu.dma_semaphore, #tpu.memory_space<semaphore_mem>>)
    %add3A_67 = arith.constant 640 : i32
    %add3A_68 = arith.addi %mul3A_3, %add3A_67 : i32
    %dma_start3A_69 = tpu.memref_slice %arg6[%add3A_68] : memref<819200xi32, #tpu.memory_space<hbm>> -> memref<640xi32, #tpu.memory_space<hbm>>
    %dma_start3A_70 = tpu.memref_slice %arg6[%add3A_68] : memref<819200xi32, #tpu.memory_space<hbm>> -> memref<640xi32, #tpu.memory_space<hbm>>
    tpu.enqueue_dma source(%dma_start3A_70 : memref<640xi32, #tpu.memory_space<hbm>>) target(%arg16 : memref<640xi32, #tpu.memory_space<vmem>>) target_semaphore(%arg30 : memref<!tpu.dma_semaphore, #tpu.memory_space<semaphore_mem>>)
    %add3A_71 = arith.constant 0 : i32
    %add3A_72 = arith.addi %mul3A_3, %add3A_71 : i32
    %dma_wait3A_73 = tpu.memref_slice %arg6[%add3A_72] : memref<819200xi32, #tpu.memory_space<hbm>> -> memref<640xi32, #tpu.memory_space<hbm>>
    %dma_wait3A_74 = tpu.memref_slice %arg6[%add3A_72] : memref<819200xi32, #tpu.memory_space<hbm>> -> memref<640xi32, #tpu.memory_space<hbm>>
    tpu.wait_dma2 semaphore(%arg29 : memref<!tpu.dma_semaphore, #tpu.memory_space<semaphore_mem>>) src(%dma_wait3A_74 : memref<640xi32, #tpu.memory_space<hbm>>) dst(%arg15 : memref<640xi32, #tpu.memory_space<vmem>>)
    %dma_start3A_75 = arith.constant 0 : i32
    %dma_start3A_76 = arith.constant 0 : i32
    %dma_start3A_77 = tpu.memref_slice %arg3[%dma_start3A_75, %dma_start3A_76] : memref<50000x16xf32, #tpu.memory_space<hbm>> -> memref<50000x16xf32, #tpu.memory_space<hbm>>
    tpu.enqueue_indirect_dma source(%dma_start3A_77 : memref<50000x16xf32, #tpu.memory_space<hbm>>) target(%arg21 : memref<640x16xf32, #tpu.memory_space<vmem>>) offsets(%arg15 : memref<640xi32, #tpu.memory_space<vmem>>) semaphore(%arg25 : memref<!tpu.dma_semaphore, #tpu.memory_space<semaphore_mem>>)
    %scan3A_78 = arith.constant 0 : i32
    %scan3A_79 = arith.constant 40 : i32
    %scan3A_80 = arith.addi %scan3A_78, %scan3A_79 : i32
    %scan3A_81 = arith.constant 1 : i32
    scf.for %scan3A_206 = %scan3A_78 to %scan3A_80 step %scan3A_81  : i32 {
      %mul3A_207 = arith.constant 1 : i32
      %mul3A_208 = arith.muli %scan3A_206, %mul3A_207 : i32
      %add3A_209 = arith.constant 0 : i32
      %add3A_210 = arith.addi %add3A_209, %mul3A_208 : i32
      %mul3A_211 = arith.constant 2 : i32
      %mul3A_212 = arith.muli %mul3A_211, %add3A_210 : i32
      %dma_wait3A_213 = arith.constant 0 : i32
      %dma_wait3A_214 = arith.constant 0 : i32
      %dma_wait3A_215 = tpu.memref_slice %arg3[%dma_wait3A_213, %dma_wait3A_214] : memref<50000x16xf32, #tpu.memory_space<hbm>> -> memref<50000x16xf32, #tpu.memory_space<hbm>>
      tpu.wait_indirect_dma semaphore(%arg25 : memref<!tpu.dma_semaphore, #tpu.memory_space<semaphore_mem>>) src(%dma_wait3A_215 : memref<50000x16xf32, #tpu.memory_space<hbm>>) dst(%arg21 : memref<640x16xf32, #tpu.memory_space<vmem>>)
      %dma_start3A_216 = arith.constant 0 : i32
      %dma_start3A_217 = tpu.memref_slice %arg14[%mul3A_212, %dma_start3A_216] : memref<80x640xi32, #tpu.memory_space<vmem>> -> memref<1x640xi32, #tpu.memory_space<vmem>>
      %dma_start3A_218 = tpu.memref_squeeze %dma_start3A_217 : memref<1x640xi32, #tpu.memory_space<vmem>> -> memref<640xi32, #tpu.memory_space<vmem>>
      %dma_start3A_219 = arith.constant 0 : i32
      %dma_start3A_220 = arith.constant 0 : i32
      %dma_start3A_221 = tpu.memref_slice %arg24[%dma_start3A_219, %dma_start3A_220] : memref<50416x16xf32, #tpu.memory_space<vmem_shared>> -> memref<50416x16xf32, #tpu.memory_space<vmem_shared>>
      tpu.enqueue_indirect_dma source(%arg21 : memref<640x16xf32, #tpu.memory_space<vmem>>) target(%dma_start3A_221 : memref<50416x16xf32, #tpu.memory_space<vmem_shared>>) offsets(%dma_start3A_218 : memref<640xi32, #tpu.memory_space<vmem>>) semaphore(%arg27 : memref<!tpu.dma_semaphore, #tpu.memory_space<semaphore_mem>>) {add = true}
      %add3A_222 = arith.constant 1 : i32
      %add3A_223 = arith.addi %mul3A_212, %add3A_222 : i32
      %mul3A_224 = arith.constant 640 : i32
      %mul3A_225 = arith.muli %add3A_223, %mul3A_224 : i32
      %add3A_226 = arith.addi %mul3A_3, %mul3A_225 : i32
      %dma_wait3A_227 = tpu.memref_slice %arg6[%add3A_226] : memref<819200xi32, #tpu.memory_space<hbm>> -> memref<640xi32, #tpu.memory_space<hbm>>
      %dma_wait3A_228 = tpu.memref_slice %arg6[%add3A_226] : memref<819200xi32, #tpu.memory_space<hbm>> -> memref<640xi32, #tpu.memory_space<hbm>>
      tpu.wait_dma2 semaphore(%arg30 : memref<!tpu.dma_semaphore, #tpu.memory_space<semaphore_mem>>) src(%dma_wait3A_228 : memref<640xi32, #tpu.memory_space<hbm>>) dst(%arg16 : memref<640xi32, #tpu.memory_space<vmem>>)
      %gt3A = arith.constant 0 : i32
      %gt3A_229 = arith.cmpi sgt, %add3A_210, %gt3A : i32
      %convert_element_type3A = arith.extui %gt3A_229 : i1 to i32
      %cond3A = arith.constant 0 : i32
      %cond3A_230 = arith.cmpi ne, %convert_element_type3A, %cond3A : i32
      scf.if %cond3A_230 {
        %sub3A = arith.constant 1 : i32
        %sub3A_260 = arith.subi %mul3A_212, %sub3A : i32
        %dma_wait3A_261 = arith.constant 0 : i32
        %dma_wait3A_262 = tpu.memref_slice %arg14[%sub3A_260, %dma_wait3A_261] : memref<80x640xi32, #tpu.memory_space<vmem>> -> memref<1x640xi32, #tpu.memory_space<vmem>>
        %dma_wait3A_263 = tpu.memref_squeeze %dma_wait3A_262 : memref<1x640xi32, #tpu.memory_space<vmem>> -> memref<640xi32, #tpu.memory_space<vmem>>
        %dma_wait3A_264 = arith.constant 0 : i32
        %dma_wait3A_265 = arith.constant 0 : i32
        %dma_wait3A_266 = tpu.memref_slice %arg24[%dma_wait3A_264, %dma_wait3A_265] : memref<50416x16xf32, #tpu.memory_space<vmem_shared>> -> memref<50416x16xf32, #tpu.memory_space<vmem_shared>>
        tpu.wait_indirect_dma semaphore(%arg28 : memref<!tpu.dma_semaphore, #tpu.memory_space<semaphore_mem>>) src(%arg22 : memref<640x16xf32, #tpu.memory_space<vmem>>) dst(%dma_wait3A_266 : memref<50416x16xf32, #tpu.memory_space<vmem_shared>>)
      } else {
      }
      %dma_start3A_231 = arith.constant 0 : i32
      %dma_start3A_232 = arith.constant 0 : i32
      %dma_start3A_233 = tpu.memref_slice %arg3[%dma_start3A_231, %dma_start3A_232] : memref<50000x16xf32, #tpu.memory_space<hbm>> -> memref<50000x16xf32, #tpu.memory_space<hbm>>
      tpu.enqueue_indirect_dma source(%dma_start3A_233 : memref<50000x16xf32, #tpu.memory_space<hbm>>) target(%arg22 : memref<640x16xf32, #tpu.memory_space<vmem>>) offsets(%arg16 : memref<640xi32, #tpu.memory_space<vmem>>) semaphore(%arg26 : memref<!tpu.dma_semaphore, #tpu.memory_space<semaphore_mem>>)
      %lt3A = arith.constant 39 : i32
      %lt3A_234 = arith.cmpi slt, %add3A_210, %lt3A : i32
      %convert_element_type3A_235 = arith.extui %lt3A_234 : i1 to i32
      %cond3A_236 = arith.constant 0 : i32
      %cond3A_237 = arith.cmpi ne, %convert_element_type3A_235, %cond3A_236 : i32
      scf.if %cond3A_237 {
        %add3A_260 = arith.constant 2 : i32
        %add3A_261 = arith.addi %mul3A_212, %add3A_260 : i32
        %mul3A_262 = arith.constant 640 : i32
        %mul3A_263 = arith.muli %add3A_261, %mul3A_262 : i32
        %add3A_264 = arith.addi %mul3A_3, %mul3A_263 : i32
        %dma_start3A_265 = tpu.memref_slice %arg6[%add3A_264] : memref<819200xi32, #tpu.memory_space<hbm>> -> memref<640xi32, #tpu.memory_space<hbm>>
        %dma_start3A_266 = tpu.memref_slice %arg6[%add3A_264] : memref<819200xi32, #tpu.memory_space<hbm>> -> memref<640xi32, #tpu.memory_space<hbm>>
        tpu.enqueue_dma source(%dma_start3A_266 : memref<640xi32, #tpu.memory_space<hbm>>) target(%arg15 : memref<640xi32, #tpu.memory_space<vmem>>) target_semaphore(%arg29 : memref<!tpu.dma_semaphore, #tpu.memory_space<semaphore_mem>>)
      } else {
      }
      %dma_wait3A_238 = arith.constant 0 : i32
      %dma_wait3A_239 = arith.constant 0 : i32
      %dma_wait3A_240 = tpu.memref_slice %arg3[%dma_wait3A_238, %dma_wait3A_239] : memref<50000x16xf32, #tpu.memory_space<hbm>> -> memref<50000x16xf32, #tpu.memory_space<hbm>>
      tpu.wait_indirect_dma semaphore(%arg26 : memref<!tpu.dma_semaphore, #tpu.memory_space<semaphore_mem>>) src(%dma_wait3A_240 : memref<50000x16xf32, #tpu.memory_space<hbm>>) dst(%arg22 : memref<640x16xf32, #tpu.memory_space<vmem>>)
      %add3A_241 = arith.constant 1 : i32
      %add3A_242 = arith.addi %mul3A_212, %add3A_241 : i32
      %dma_start3A_243 = arith.constant 0 : i32
      %dma_start3A_244 = tpu.memref_slice %arg14[%add3A_242, %dma_start3A_243] : memref<80x640xi32, #tpu.memory_space<vmem>> -> memref<1x640xi32, #tpu.memory_space<vmem>>
      %dma_start3A_245 = tpu.memref_squeeze %dma_start3A_244 : memref<1x640xi32, #tpu.memory_space<vmem>> -> memref<640xi32, #tpu.memory_space<vmem>>
      %dma_start3A_246 = arith.constant 0 : i32
      %dma_start3A_247 = arith.constant 0 : i32
      %dma_start3A_248 = tpu.memref_slice %arg24[%dma_start3A_246, %dma_start3A_247] : memref<50416x16xf32, #tpu.memory_space<vmem_shared>> -> memref<50416x16xf32, #tpu.memory_space<vmem_shared>>
      tpu.enqueue_indirect_dma source(%arg22 : memref<640x16xf32, #tpu.memory_space<vmem>>) target(%dma_start3A_248 : memref<50416x16xf32, #tpu.memory_space<vmem_shared>>) offsets(%dma_start3A_245 : memref<640xi32, #tpu.memory_space<vmem>>) semaphore(%arg28 : memref<!tpu.dma_semaphore, #tpu.memory_space<semaphore_mem>>) {add = true}
      %dma_wait3A_249 = arith.constant 0 : i32
      %dma_wait3A_250 = tpu.memref_slice %arg14[%mul3A_212, %dma_wait3A_249] : memref<80x640xi32, #tpu.memory_space<vmem>> -> memref<1x640xi32, #tpu.memory_space<vmem>>
      %dma_wait3A_251 = tpu.memref_squeeze %dma_wait3A_250 : memref<1x640xi32, #tpu.memory_space<vmem>> -> memref<640xi32, #tpu.memory_space<vmem>>
      %dma_wait3A_252 = arith.constant 0 : i32
      %dma_wait3A_253 = arith.constant 0 : i32
      %dma_wait3A_254 = tpu.memref_slice %arg24[%dma_wait3A_252, %dma_wait3A_253] : memref<50416x16xf32, #tpu.memory_space<vmem_shared>> -> memref<50416x16xf32, #tpu.memory_space<vmem_shared>>
      tpu.wait_indirect_dma semaphore(%arg27 : memref<!tpu.dma_semaphore, #tpu.memory_space<semaphore_mem>>) src(%arg21 : memref<640x16xf32, #tpu.memory_space<vmem>>) dst(%dma_wait3A_254 : memref<50416x16xf32, #tpu.memory_space<vmem_shared>>)
      %lt3A_255 = arith.constant 39 : i32
      %lt3A_256 = arith.cmpi slt, %add3A_210, %lt3A_255 : i32
      %convert_element_type3A_257 = arith.extui %lt3A_256 : i1 to i32
      %cond3A_258 = arith.constant 0 : i32
      %cond3A_259 = arith.cmpi ne, %convert_element_type3A_257, %cond3A_258 : i32
      scf.if %cond3A_259 {
        %add3A_260 = arith.constant 2 : i32
        %add3A_261 = arith.addi %mul3A_212, %add3A_260 : i32
        %mul3A_262 = arith.constant 640 : i32
        %mul3A_263 = arith.muli %add3A_261, %mul3A_262 : i32
        %add3A_264 = arith.addi %mul3A_3, %mul3A_263 : i32
        %dma_wait3A_265 = tpu.memref_slice %arg6[%add3A_264] : memref<819200xi32, #tpu.memory_space<hbm>> -> memref<640xi32, #tpu.memory_space<hbm>>
        %dma_wait3A_266 = tpu.memref_slice %arg6[%add3A_264] : memref<819200xi32, #tpu.memory_space<hbm>> -> memref<640xi32, #tpu.memory_space<hbm>>
        tpu.wait_dma2 semaphore(%arg29 : memref<!tpu.dma_semaphore, #tpu.memory_space<semaphore_mem>>) src(%dma_wait3A_266 : memref<640xi32, #tpu.memory_space<hbm>>) dst(%arg15 : memref<640xi32, #tpu.memory_space<vmem>>)
        %dma_start3A_267 = arith.constant 0 : i32
        %dma_start3A_268 = arith.constant 0 : i32
        %dma_start3A_269 = tpu.memref_slice %arg3[%dma_start3A_267, %dma_start3A_268] : memref<50000x16xf32, #tpu.memory_space<hbm>> -> memref<50000x16xf32, #tpu.memory_space<hbm>>
        tpu.enqueue_indirect_dma source(%dma_start3A_269 : memref<50000x16xf32, #tpu.memory_space<hbm>>) target(%arg21 : memref<640x16xf32, #tpu.memory_space<vmem>>) offsets(%arg15 : memref<640xi32, #tpu.memory_space<vmem>>) semaphore(%arg25 : memref<!tpu.dma_semaphore, #tpu.memory_space<semaphore_mem>>)
        %add3A_270 = arith.constant 3 : i32
        %add3A_271 = arith.addi %mul3A_212, %add3A_270 : i32
        %mul3A_272 = arith.constant 640 : i32
        %mul3A_273 = arith.muli %add3A_271, %mul3A_272 : i32
        %add3A_274 = arith.addi %mul3A_3, %mul3A_273 : i32
        %dma_start3A_275 = tpu.memref_slice %arg6[%add3A_274] : memref<819200xi32, #tpu.memory_space<hbm>> -> memref<640xi32, #tpu.memory_space<hbm>>
        %dma_start3A_276 = tpu.memref_slice %arg6[%add3A_274] : memref<819200xi32, #tpu.memory_space<hbm>> -> memref<640xi32, #tpu.memory_space<hbm>>
        tpu.enqueue_dma source(%dma_start3A_276 : memref<640xi32, #tpu.memory_space<hbm>>) target(%arg16 : memref<640xi32, #tpu.memory_space<vmem>>) target_semaphore(%arg30 : memref<!tpu.dma_semaphore, #tpu.memory_space<semaphore_mem>>)
      } else {
      }
    }
    %scan3A_82 = arith.constant 40 : i32
    %dma_wait3A_83 = arith.constant 79 : i32
    %dma_wait3A_84 = arith.constant 0 : i32
    %dma_wait3A_85 = tpu.memref_slice %arg14[%dma_wait3A_83, %dma_wait3A_84] : memref<80x640xi32, #tpu.memory_space<vmem>> -> memref<1x640xi32, #tpu.memory_space<vmem>>
    %dma_wait3A_86 = tpu.memref_squeeze %dma_wait3A_85 : memref<1x640xi32, #tpu.memory_space<vmem>> -> memref<640xi32, #tpu.memory_space<vmem>>
    %dma_wait3A_87 = arith.constant 0 : i32
    %dma_wait3A_88 = arith.constant 0 : i32
    %dma_wait3A_89 = tpu.memref_slice %arg24[%dma_wait3A_87, %dma_wait3A_88] : memref<50416x16xf32, #tpu.memory_space<vmem_shared>> -> memref<50416x16xf32, #tpu.memory_space<vmem_shared>>
    tpu.wait_indirect_dma semaphore(%arg28 : memref<!tpu.dma_semaphore, #tpu.memory_space<semaphore_mem>>) src(%arg22 : memref<640x16xf32, #tpu.memory_space<vmem>>) dst(%dma_wait3A_89 : memref<50416x16xf32, #tpu.memory_space<vmem_shared>>)
    %barrier3A_90 = arith.constant 0 : index
    tpu.barrier barrier_id(%barrier3A_90)
    %mul3A_91 = arith.constant 50400 : i32
    %mul3A_92 = arith.muli %arg0, %mul3A_91 : i32
    %add3A_93 = arith.addi %mul3A_92, %mul3A_9 : i32
    "tpu.region"() ({
      %run_scoped3A = tpu.sem_alloc : memref<!tpu.dma_semaphore, #tpu.memory_space<semaphore_mem>>
      %dma_start3A_206 = arith.constant 0 : i32
      %dma_start3A_207 = tpu.memref_slice %arg10[%add3A_93, %dma_start3A_206] : memref<100800x16xf32, #tpu.memory_space<hbm>> -> memref<3150x16xf32, #tpu.memory_space<hbm>>
      %dma_start3A_208 = arith.constant 0 : i32
      %dma_start3A_209 = tpu.memref_slice %arg24[%mul3A_9, %dma_start3A_208] : memref<50416x16xf32, #tpu.memory_space<vmem_shared>> -> memref<3150x16xf32, #tpu.memory_space<vmem_shared>>
      tpu.enqueue_dma source(%dma_start3A_209 : memref<3150x16xf32, #tpu.memory_space<vmem_shared>>) target(%dma_start3A_207 : memref<3150x16xf32, #tpu.memory_space<hbm>>) target_semaphore(%run_scoped3A : memref<!tpu.dma_semaphore, #tpu.memory_space<semaphore_mem>>)
      %dma_wait3A_210 = arith.constant 0 : i32
      %dma_wait3A_211 = tpu.memref_slice %arg10[%add3A_93, %dma_wait3A_210] : memref<100800x16xf32, #tpu.memory_space<hbm>> -> memref<3150x16xf32, #tpu.memory_space<hbm>>
      %dma_wait3A_212 = arith.constant 0 : i32
      %dma_wait3A_213 = tpu.memref_slice %arg24[%mul3A_9, %dma_wait3A_212] : memref<50416x16xf32, #tpu.memory_space<vmem_shared>> -> memref<3150x16xf32, #tpu.memory_space<vmem_shared>>
      tpu.wait_dma2 semaphore(%run_scoped3A : memref<!tpu.dma_semaphore, #tpu.memory_space<semaphore_mem>>) src(%dma_wait3A_213 : memref<3150x16xf32, #tpu.memory_space<vmem_shared>>) dst(%dma_wait3A_211 : memref<3150x16xf32, #tpu.memory_space<hbm>>)
      tpu.yield
    }) : () -> ()
    %scan3A_94 = arith.constant 0 : i32
    %scan3A_95 = arith.constant 25 : i32
    %scan3A_96 = arith.addi %scan3A_94, %scan3A_95 : i32
    %scan3A_97 = arith.constant 1 : i32
    scf.for %scan3A_206 = %scan3A_94 to %scan3A_96 step %scan3A_97  : i32 {
      %mul3A_207 = arith.constant 1 : i32
      %mul3A_208 = arith.muli %scan3A_206, %mul3A_207 : i32
      %add3A_209 = arith.constant 0 : i32
      %add3A_210 = arith.addi %add3A_209, %mul3A_208 : i32
      %mul3A_211 = arith.constant 126 : i32
      %mul3A_212 = arith.muli %add3A_210, %mul3A_211 : i32
      %add3A_213 = arith.addi %mul3A_9, %mul3A_212 : i32
      "tpu.region"() ({
        %run_scoped3A = tpu.sem_alloc : memref<!tpu.dma_semaphore, #tpu.memory_space<semaphore_mem>>
        %dma_start3A_214 = arith.constant 0 : i32
        %dma_start3A_215 = tpu.memref_slice %arg24[%add3A_213, %dma_start3A_214] : memref<50416x16xf32, #tpu.memory_space<vmem_shared>> -> memref<126x16xf32, #tpu.memory_space<vmem_shared>>
        %dma_start3A_216 = arith.constant 0 : i32
        %dma_start3A_217 = tpu.memref_slice %arg24[%add3A_213, %dma_start3A_216] : memref<50416x16xf32, #tpu.memory_space<vmem_shared>> -> memref<126x16xf32, #tpu.memory_space<vmem_shared>>
        tpu.enqueue_dma source(%arg23 : memref<126x16xf32, #tpu.memory_space<vmem>>) target(%dma_start3A_217 : memref<126x16xf32, #tpu.memory_space<vmem_shared>>) target_semaphore(%run_scoped3A : memref<!tpu.dma_semaphore, #tpu.memory_space<semaphore_mem>>)
        %dma_wait3A_218 = arith.constant 0 : i32
        %dma_wait3A_219 = tpu.memref_slice %arg24[%add3A_213, %dma_wait3A_218] : memref<50416x16xf32, #tpu.memory_space<vmem_shared>> -> memref<126x16xf32, #tpu.memory_space<vmem_shared>>
        %dma_wait3A_220 = arith.constant 0 : i32
        %dma_wait3A_221 = tpu.memref_slice %arg24[%add3A_213, %dma_wait3A_220] : memref<50416x16xf32, #tpu.memory_space<vmem_shared>> -> memref<126x16xf32, #tpu.memory_space<vmem_shared>>
        tpu.wait_dma2 semaphore(%run_scoped3A : memref<!tpu.dma_semaphore, #tpu.memory_space<semaphore_mem>>) src(%arg23 : memref<126x16xf32, #tpu.memory_space<vmem>>) dst(%dma_wait3A_221 : memref<126x16xf32, #tpu.memory_space<vmem_shared>>)
        tpu.yield
      }) : () -> ()
    }
    %scan3A_98 = arith.constant 25 : i32
    %barrier3A_99 = arith.constant 0 : index
    tpu.barrier barrier_id(%barrier3A_99)
    %add3A_100 = arith.constant 0 : i32
    %add3A_101 = arith.addi %mul3A_3, %add3A_100 : i32
    %dma_start3A_102 = tpu.memref_slice %arg6[%add3A_101] : memref<819200xi32, #tpu.memory_space<hbm>> -> memref<640xi32, #tpu.memory_space<hbm>>
    %dma_start3A_103 = tpu.memref_slice %arg6[%add3A_101] : memref<819200xi32, #tpu.memory_space<hbm>> -> memref<640xi32, #tpu.memory_space<hbm>>
    tpu.enqueue_dma source(%dma_start3A_103 : memref<640xi32, #tpu.memory_space<hbm>>) target(%arg15 : memref<640xi32, #tpu.memory_space<vmem>>) target_semaphore(%arg29 : memref<!tpu.dma_semaphore, #tpu.memory_space<semaphore_mem>>)
    %add3A_104 = arith.constant 640 : i32
    %add3A_105 = arith.addi %mul3A_3, %add3A_104 : i32
    %dma_start3A_106 = tpu.memref_slice %arg6[%add3A_105] : memref<819200xi32, #tpu.memory_space<hbm>> -> memref<640xi32, #tpu.memory_space<hbm>>
    %dma_start3A_107 = tpu.memref_slice %arg6[%add3A_105] : memref<819200xi32, #tpu.memory_space<hbm>> -> memref<640xi32, #tpu.memory_space<hbm>>
    tpu.enqueue_dma source(%dma_start3A_107 : memref<640xi32, #tpu.memory_space<hbm>>) target(%arg16 : memref<640xi32, #tpu.memory_space<vmem>>) target_semaphore(%arg30 : memref<!tpu.dma_semaphore, #tpu.memory_space<semaphore_mem>>)
    %add3A_108 = arith.constant 0 : i32
    %add3A_109 = arith.addi %mul3A_3, %add3A_108 : i32
    %dma_wait3A_110 = tpu.memref_slice %arg6[%add3A_109] : memref<819200xi32, #tpu.memory_space<hbm>> -> memref<640xi32, #tpu.memory_space<hbm>>
    %dma_wait3A_111 = tpu.memref_slice %arg6[%add3A_109] : memref<819200xi32, #tpu.memory_space<hbm>> -> memref<640xi32, #tpu.memory_space<hbm>>
    tpu.wait_dma2 semaphore(%arg29 : memref<!tpu.dma_semaphore, #tpu.memory_space<semaphore_mem>>) src(%dma_wait3A_111 : memref<640xi32, #tpu.memory_space<hbm>>) dst(%arg15 : memref<640xi32, #tpu.memory_space<vmem>>)
    %dma_start3A_112 = arith.constant 0 : i32
    %dma_start3A_113 = arith.constant 0 : i32
    %dma_start3A_114 = tpu.memref_slice %arg4[%dma_start3A_112, %dma_start3A_113] : memref<50000x16xf32, #tpu.memory_space<hbm>> -> memref<50000x16xf32, #tpu.memory_space<hbm>>
    tpu.enqueue_indirect_dma source(%dma_start3A_114 : memref<50000x16xf32, #tpu.memory_space<hbm>>) target(%arg21 : memref<640x16xf32, #tpu.memory_space<vmem>>) offsets(%arg15 : memref<640xi32, #tpu.memory_space<vmem>>) semaphore(%arg25 : memref<!tpu.dma_semaphore, #tpu.memory_space<semaphore_mem>>)
    %scan3A_115 = arith.constant 0 : i32
    %scan3A_116 = arith.constant 40 : i32
    %scan3A_117 = arith.addi %scan3A_115, %scan3A_116 : i32
    %scan3A_118 = arith.constant 1 : i32
    scf.for %scan3A_206 = %scan3A_115 to %scan3A_117 step %scan3A_118  : i32 {
      %mul3A_207 = arith.constant 1 : i32
      %mul3A_208 = arith.muli %scan3A_206, %mul3A_207 : i32
      %add3A_209 = arith.constant 0 : i32
      %add3A_210 = arith.addi %add3A_209, %mul3A_208 : i32
      %mul3A_211 = arith.constant 2 : i32
      %mul3A_212 = arith.muli %mul3A_211, %add3A_210 : i32
      %dma_wait3A_213 = arith.constant 0 : i32
      %dma_wait3A_214 = arith.constant 0 : i32
      %dma_wait3A_215 = tpu.memref_slice %arg4[%dma_wait3A_213, %dma_wait3A_214] : memref<50000x16xf32, #tpu.memory_space<hbm>> -> memref<50000x16xf32, #tpu.memory_space<hbm>>
      tpu.wait_indirect_dma semaphore(%arg25 : memref<!tpu.dma_semaphore, #tpu.memory_space<semaphore_mem>>) src(%dma_wait3A_215 : memref<50000x16xf32, #tpu.memory_space<hbm>>) dst(%arg21 : memref<640x16xf32, #tpu.memory_space<vmem>>)
      %dma_start3A_216 = arith.constant 0 : i32
      %dma_start3A_217 = tpu.memref_slice %arg14[%mul3A_212, %dma_start3A_216] : memref<80x640xi32, #tpu.memory_space<vmem>> -> memref<1x640xi32, #tpu.memory_space<vmem>>
      %dma_start3A_218 = tpu.memref_squeeze %dma_start3A_217 : memref<1x640xi32, #tpu.memory_space<vmem>> -> memref<640xi32, #tpu.memory_space<vmem>>
      %dma_start3A_219 = arith.constant 0 : i32
      %dma_start3A_220 = arith.constant 0 : i32
      %dma_start3A_221 = tpu.memref_slice %arg24[%dma_start3A_219, %dma_start3A_220] : memref<50416x16xf32, #tpu.memory_space<vmem_shared>> -> memref<50416x16xf32, #tpu.memory_space<vmem_shared>>
      tpu.enqueue_indirect_dma source(%arg21 : memref<640x16xf32, #tpu.memory_space<vmem>>) target(%dma_start3A_221 : memref<50416x16xf32, #tpu.memory_space<vmem_shared>>) offsets(%dma_start3A_218 : memref<640xi32, #tpu.memory_space<vmem>>) semaphore(%arg27 : memref<!tpu.dma_semaphore, #tpu.memory_space<semaphore_mem>>) {add = true}
      %add3A_222 = arith.constant 1 : i32
      %add3A_223 = arith.addi %mul3A_212, %add3A_222 : i32
      %mul3A_224 = arith.constant 640 : i32
      %mul3A_225 = arith.muli %add3A_223, %mul3A_224 : i32
      %add3A_226 = arith.addi %mul3A_3, %mul3A_225 : i32
      %dma_wait3A_227 = tpu.memref_slice %arg6[%add3A_226] : memref<819200xi32, #tpu.memory_space<hbm>> -> memref<640xi32, #tpu.memory_space<hbm>>
      %dma_wait3A_228 = tpu.memref_slice %arg6[%add3A_226] : memref<819200xi32, #tpu.memory_space<hbm>> -> memref<640xi32, #tpu.memory_space<hbm>>
      tpu.wait_dma2 semaphore(%arg30 : memref<!tpu.dma_semaphore, #tpu.memory_space<semaphore_mem>>) src(%dma_wait3A_228 : memref<640xi32, #tpu.memory_space<hbm>>) dst(%arg16 : memref<640xi32, #tpu.memory_space<vmem>>)
      %gt3A = arith.constant 0 : i32
      %gt3A_229 = arith.cmpi sgt, %add3A_210, %gt3A : i32
      %convert_element_type3A = arith.extui %gt3A_229 : i1 to i32
      %cond3A = arith.constant 0 : i32
      %cond3A_230 = arith.cmpi ne, %convert_element_type3A, %cond3A : i32
      scf.if %cond3A_230 {
        %sub3A = arith.constant 1 : i32
        %sub3A_260 = arith.subi %mul3A_212, %sub3A : i32
        %dma_wait3A_261 = arith.constant 0 : i32
        %dma_wait3A_262 = tpu.memref_slice %arg14[%sub3A_260, %dma_wait3A_261] : memref<80x640xi32, #tpu.memory_space<vmem>> -> memref<1x640xi32, #tpu.memory_space<vmem>>
        %dma_wait3A_263 = tpu.memref_squeeze %dma_wait3A_262 : memref<1x640xi32, #tpu.memory_space<vmem>> -> memref<640xi32, #tpu.memory_space<vmem>>
        %dma_wait3A_264 = arith.constant 0 : i32
        %dma_wait3A_265 = arith.constant 0 : i32
        %dma_wait3A_266 = tpu.memref_slice %arg24[%dma_wait3A_264, %dma_wait3A_265] : memref<50416x16xf32, #tpu.memory_space<vmem_shared>> -> memref<50416x16xf32, #tpu.memory_space<vmem_shared>>
        tpu.wait_indirect_dma semaphore(%arg28 : memref<!tpu.dma_semaphore, #tpu.memory_space<semaphore_mem>>) src(%arg22 : memref<640x16xf32, #tpu.memory_space<vmem>>) dst(%dma_wait3A_266 : memref<50416x16xf32, #tpu.memory_space<vmem_shared>>)
      } else {
      }
      %dma_start3A_231 = arith.constant 0 : i32
      %dma_start3A_232 = arith.constant 0 : i32
      %dma_start3A_233 = tpu.memref_slice %arg4[%dma_start3A_231, %dma_start3A_232] : memref<50000x16xf32, #tpu.memory_space<hbm>> -> memref<50000x16xf32, #tpu.memory_space<hbm>>
      tpu.enqueue_indirect_dma source(%dma_start3A_233 : memref<50000x16xf32, #tpu.memory_space<hbm>>) target(%arg22 : memref<640x16xf32, #tpu.memory_space<vmem>>) offsets(%arg16 : memref<640xi32, #tpu.memory_space<vmem>>) semaphore(%arg26 : memref<!tpu.dma_semaphore, #tpu.memory_space<semaphore_mem>>)
      %lt3A = arith.constant 39 : i32
      %lt3A_234 = arith.cmpi slt, %add3A_210, %lt3A : i32
      %convert_element_type3A_235 = arith.extui %lt3A_234 : i1 to i32
      %cond3A_236 = arith.constant 0 : i32
      %cond3A_237 = arith.cmpi ne, %convert_element_type3A_235, %cond3A_236 : i32
      scf.if %cond3A_237 {
        %add3A_260 = arith.constant 2 : i32
        %add3A_261 = arith.addi %mul3A_212, %add3A_260 : i32
        %mul3A_262 = arith.constant 640 : i32
        %mul3A_263 = arith.muli %add3A_261, %mul3A_262 : i32
        %add3A_264 = arith.addi %mul3A_3, %mul3A_263 : i32
        %dma_start3A_265 = tpu.memref_slice %arg6[%add3A_264] : memref<819200xi32, #tpu.memory_space<hbm>> -> memref<640xi32, #tpu.memory_space<hbm>>
        %dma_start3A_266 = tpu.memref_slice %arg6[%add3A_264] : memref<819200xi32, #tpu.memory_space<hbm>> -> memref<640xi32, #tpu.memory_space<hbm>>
        tpu.enqueue_dma source(%dma_start3A_266 : memref<640xi32, #tpu.memory_space<hbm>>) target(%arg15 : memref<640xi32, #tpu.memory_space<vmem>>) target_semaphore(%arg29 : memref<!tpu.dma_semaphore, #tpu.memory_space<semaphore_mem>>)
      } else {
      }
      %dma_wait3A_238 = arith.constant 0 : i32
      %dma_wait3A_239 = arith.constant 0 : i32
      %dma_wait3A_240 = tpu.memref_slice %arg4[%dma_wait3A_238, %dma_wait3A_239] : memref<50000x16xf32, #tpu.memory_space<hbm>> -> memref<50000x16xf32, #tpu.memory_space<hbm>>
      tpu.wait_indirect_dma semaphore(%arg26 : memref<!tpu.dma_semaphore, #tpu.memory_space<semaphore_mem>>) src(%dma_wait3A_240 : memref<50000x16xf32, #tpu.memory_space<hbm>>) dst(%arg22 : memref<640x16xf32, #tpu.memory_space<vmem>>)
      %add3A_241 = arith.constant 1 : i32
      %add3A_242 = arith.addi %mul3A_212, %add3A_241 : i32
      %dma_start3A_243 = arith.constant 0 : i32
      %dma_start3A_244 = tpu.memref_slice %arg14[%add3A_242, %dma_start3A_243] : memref<80x640xi32, #tpu.memory_space<vmem>> -> memref<1x640xi32, #tpu.memory_space<vmem>>
      %dma_start3A_245 = tpu.memref_squeeze %dma_start3A_244 : memref<1x640xi32, #tpu.memory_space<vmem>> -> memref<640xi32, #tpu.memory_space<vmem>>
      %dma_start3A_246 = arith.constant 0 : i32
      %dma_start3A_247 = arith.constant 0 : i32
      %dma_start3A_248 = tpu.memref_slice %arg24[%dma_start3A_246, %dma_start3A_247] : memref<50416x16xf32, #tpu.memory_space<vmem_shared>> -> memref<50416x16xf32, #tpu.memory_space<vmem_shared>>
      tpu.enqueue_indirect_dma source(%arg22 : memref<640x16xf32, #tpu.memory_space<vmem>>) target(%dma_start3A_248 : memref<50416x16xf32, #tpu.memory_space<vmem_shared>>) offsets(%dma_start3A_245 : memref<640xi32, #tpu.memory_space<vmem>>) semaphore(%arg28 : memref<!tpu.dma_semaphore, #tpu.memory_space<semaphore_mem>>) {add = true}
      %dma_wait3A_249 = arith.constant 0 : i32
      %dma_wait3A_250 = tpu.memref_slice %arg14[%mul3A_212, %dma_wait3A_249] : memref<80x640xi32, #tpu.memory_space<vmem>> -> memref<1x640xi32, #tpu.memory_space<vmem>>
      %dma_wait3A_251 = tpu.memref_squeeze %dma_wait3A_250 : memref<1x640xi32, #tpu.memory_space<vmem>> -> memref<640xi32, #tpu.memory_space<vmem>>
      %dma_wait3A_252 = arith.constant 0 : i32
      %dma_wait3A_253 = arith.constant 0 : i32
      %dma_wait3A_254 = tpu.memref_slice %arg24[%dma_wait3A_252, %dma_wait3A_253] : memref<50416x16xf32, #tpu.memory_space<vmem_shared>> -> memref<50416x16xf32, #tpu.memory_space<vmem_shared>>
      tpu.wait_indirect_dma semaphore(%arg27 : memref<!tpu.dma_semaphore, #tpu.memory_space<semaphore_mem>>) src(%arg21 : memref<640x16xf32, #tpu.memory_space<vmem>>) dst(%dma_wait3A_254 : memref<50416x16xf32, #tpu.memory_space<vmem_shared>>)
      %lt3A_255 = arith.constant 39 : i32
      %lt3A_256 = arith.cmpi slt, %add3A_210, %lt3A_255 : i32
      %convert_element_type3A_257 = arith.extui %lt3A_256 : i1 to i32
      %cond3A_258 = arith.constant 0 : i32
      %cond3A_259 = arith.cmpi ne, %convert_element_type3A_257, %cond3A_258 : i32
      scf.if %cond3A_259 {
        %add3A_260 = arith.constant 2 : i32
        %add3A_261 = arith.addi %mul3A_212, %add3A_260 : i32
        %mul3A_262 = arith.constant 640 : i32
        %mul3A_263 = arith.muli %add3A_261, %mul3A_262 : i32
        %add3A_264 = arith.addi %mul3A_3, %mul3A_263 : i32
        %dma_wait3A_265 = tpu.memref_slice %arg6[%add3A_264] : memref<819200xi32, #tpu.memory_space<hbm>> -> memref<640xi32, #tpu.memory_space<hbm>>
        %dma_wait3A_266 = tpu.memref_slice %arg6[%add3A_264] : memref<819200xi32, #tpu.memory_space<hbm>> -> memref<640xi32, #tpu.memory_space<hbm>>
        tpu.wait_dma2 semaphore(%arg29 : memref<!tpu.dma_semaphore, #tpu.memory_space<semaphore_mem>>) src(%dma_wait3A_266 : memref<640xi32, #tpu.memory_space<hbm>>) dst(%arg15 : memref<640xi32, #tpu.memory_space<vmem>>)
        %dma_start3A_267 = arith.constant 0 : i32
        %dma_start3A_268 = arith.constant 0 : i32
        %dma_start3A_269 = tpu.memref_slice %arg4[%dma_start3A_267, %dma_start3A_268] : memref<50000x16xf32, #tpu.memory_space<hbm>> -> memref<50000x16xf32, #tpu.memory_space<hbm>>
        tpu.enqueue_indirect_dma source(%dma_start3A_269 : memref<50000x16xf32, #tpu.memory_space<hbm>>) target(%arg21 : memref<640x16xf32, #tpu.memory_space<vmem>>) offsets(%arg15 : memref<640xi32, #tpu.memory_space<vmem>>) semaphore(%arg25 : memref<!tpu.dma_semaphore, #tpu.memory_space<semaphore_mem>>)
        %add3A_270 = arith.constant 3 : i32
        %add3A_271 = arith.addi %mul3A_212, %add3A_270 : i32
        %mul3A_272 = arith.constant 640 : i32
        %mul3A_273 = arith.muli %add3A_271, %mul3A_272 : i32
        %add3A_274 = arith.addi %mul3A_3, %mul3A_273 : i32
        %dma_start3A_275 = tpu.memref_slice %arg6[%add3A_274] : memref<819200xi32, #tpu.memory_space<hbm>> -> memref<640xi32, #tpu.memory_space<hbm>>
        %dma_start3A_276 = tpu.memref_slice %arg6[%add3A_274] : memref<819200xi32, #tpu.memory_space<hbm>> -> memref<640xi32, #tpu.memory_space<hbm>>
        tpu.enqueue_dma source(%dma_start3A_276 : memref<640xi32, #tpu.memory_space<hbm>>) target(%arg16 : memref<640xi32, #tpu.memory_space<vmem>>) target_semaphore(%arg30 : memref<!tpu.dma_semaphore, #tpu.memory_space<semaphore_mem>>)
      } else {
      }
    }
    %scan3A_119 = arith.constant 40 : i32
    %dma_wait3A_120 = arith.constant 79 : i32
    %dma_wait3A_121 = arith.constant 0 : i32
    %dma_wait3A_122 = tpu.memref_slice %arg14[%dma_wait3A_120, %dma_wait3A_121] : memref<80x640xi32, #tpu.memory_space<vmem>> -> memref<1x640xi32, #tpu.memory_space<vmem>>
    %dma_wait3A_123 = tpu.memref_squeeze %dma_wait3A_122 : memref<1x640xi32, #tpu.memory_space<vmem>> -> memref<640xi32, #tpu.memory_space<vmem>>
    %dma_wait3A_124 = arith.constant 0 : i32
    %dma_wait3A_125 = arith.constant 0 : i32
    %dma_wait3A_126 = tpu.memref_slice %arg24[%dma_wait3A_124, %dma_wait3A_125] : memref<50416x16xf32, #tpu.memory_space<vmem_shared>> -> memref<50416x16xf32, #tpu.memory_space<vmem_shared>>
    tpu.wait_indirect_dma semaphore(%arg28 : memref<!tpu.dma_semaphore, #tpu.memory_space<semaphore_mem>>) src(%arg22 : memref<640x16xf32, #tpu.memory_space<vmem>>) dst(%dma_wait3A_126 : memref<50416x16xf32, #tpu.memory_space<vmem_shared>>)
    %barrier3A_127 = arith.constant 0 : index
    tpu.barrier barrier_id(%barrier3A_127)
    %mul3A_128 = arith.constant 50400 : i32
    %mul3A_129 = arith.muli %arg0, %mul3A_128 : i32
    %add3A_130 = arith.addi %mul3A_129, %mul3A_9 : i32
    "tpu.region"() ({
      %run_scoped3A = tpu.sem_alloc : memref<!tpu.dma_semaphore, #tpu.memory_space<semaphore_mem>>
      %dma_start3A_206 = arith.constant 0 : i32
      %dma_start3A_207 = tpu.memref_slice %arg11[%add3A_130, %dma_start3A_206] : memref<100800x16xf32, #tpu.memory_space<hbm>> -> memref<3150x16xf32, #tpu.memory_space<hbm>>
      %dma_start3A_208 = arith.constant 0 : i32
      %dma_start3A_209 = tpu.memref_slice %arg24[%mul3A_9, %dma_start3A_208] : memref<50416x16xf32, #tpu.memory_space<vmem_shared>> -> memref<3150x16xf32, #tpu.memory_space<vmem_shared>>
      tpu.enqueue_dma source(%dma_start3A_209 : memref<3150x16xf32, #tpu.memory_space<vmem_shared>>) target(%dma_start3A_207 : memref<3150x16xf32, #tpu.memory_space<hbm>>) target_semaphore(%run_scoped3A : memref<!tpu.dma_semaphore, #tpu.memory_space<semaphore_mem>>)
      %dma_wait3A_210 = arith.constant 0 : i32
      %dma_wait3A_211 = tpu.memref_slice %arg11[%add3A_130, %dma_wait3A_210] : memref<100800x16xf32, #tpu.memory_space<hbm>> -> memref<3150x16xf32, #tpu.memory_space<hbm>>
      %dma_wait3A_212 = arith.constant 0 : i32
      %dma_wait3A_213 = tpu.memref_slice %arg24[%mul3A_9, %dma_wait3A_212] : memref<50416x16xf32, #tpu.memory_space<vmem_shared>> -> memref<3150x16xf32, #tpu.memory_space<vmem_shared>>
      tpu.wait_dma2 semaphore(%run_scoped3A : memref<!tpu.dma_semaphore, #tpu.memory_space<semaphore_mem>>) src(%dma_wait3A_213 : memref<3150x16xf32, #tpu.memory_space<vmem_shared>>) dst(%dma_wait3A_211 : memref<3150x16xf32, #tpu.memory_space<hbm>>)
      tpu.yield
    }) : () -> ()
    %scan3A_131 = arith.constant 0 : i32
    %scan3A_132 = arith.constant 25 : i32
    %scan3A_133 = arith.addi %scan3A_131, %scan3A_132 : i32
    %scan3A_134 = arith.constant 1 : i32
    scf.for %scan3A_206 = %scan3A_131 to %scan3A_133 step %scan3A_134  : i32 {
      %mul3A_207 = arith.constant 1 : i32
      %mul3A_208 = arith.muli %scan3A_206, %mul3A_207 : i32
      %add3A_209 = arith.constant 0 : i32
      %add3A_210 = arith.addi %add3A_209, %mul3A_208 : i32
      %mul3A_211 = arith.constant 126 : i32
      %mul3A_212 = arith.muli %add3A_210, %mul3A_211 : i32
      %add3A_213 = arith.addi %mul3A_9, %mul3A_212 : i32
      "tpu.region"() ({
        %run_scoped3A = tpu.sem_alloc : memref<!tpu.dma_semaphore, #tpu.memory_space<semaphore_mem>>
        %dma_start3A_214 = arith.constant 0 : i32
        %dma_start3A_215 = tpu.memref_slice %arg24[%add3A_213, %dma_start3A_214] : memref<50416x16xf32, #tpu.memory_space<vmem_shared>> -> memref<126x16xf32, #tpu.memory_space<vmem_shared>>
        %dma_start3A_216 = arith.constant 0 : i32
        %dma_start3A_217 = tpu.memref_slice %arg24[%add3A_213, %dma_start3A_216] : memref<50416x16xf32, #tpu.memory_space<vmem_shared>> -> memref<126x16xf32, #tpu.memory_space<vmem_shared>>
        tpu.enqueue_dma source(%arg23 : memref<126x16xf32, #tpu.memory_space<vmem>>) target(%dma_start3A_217 : memref<126x16xf32, #tpu.memory_space<vmem_shared>>) target_semaphore(%run_scoped3A : memref<!tpu.dma_semaphore, #tpu.memory_space<semaphore_mem>>)
        %dma_wait3A_218 = arith.constant 0 : i32
        %dma_wait3A_219 = tpu.memref_slice %arg24[%add3A_213, %dma_wait3A_218] : memref<50416x16xf32, #tpu.memory_space<vmem_shared>> -> memref<126x16xf32, #tpu.memory_space<vmem_shared>>
        %dma_wait3A_220 = arith.constant 0 : i32
        %dma_wait3A_221 = tpu.memref_slice %arg24[%add3A_213, %dma_wait3A_220] : memref<50416x16xf32, #tpu.memory_space<vmem_shared>> -> memref<126x16xf32, #tpu.memory_space<vmem_shared>>
        tpu.wait_dma2 semaphore(%run_scoped3A : memref<!tpu.dma_semaphore, #tpu.memory_space<semaphore_mem>>) src(%arg23 : memref<126x16xf32, #tpu.memory_space<vmem>>) dst(%dma_wait3A_221 : memref<126x16xf32, #tpu.memory_space<vmem_shared>>)
        tpu.yield
      }) : () -> ()
    }
    %scan3A_135 = arith.constant 25 : i32
    %barrier3A_136 = arith.constant 0 : index
    tpu.barrier barrier_id(%barrier3A_136)
    %add3A_137 = arith.constant 0 : i32
    %add3A_138 = arith.addi %mul3A_3, %add3A_137 : i32
    %dma_start3A_139 = tpu.memref_slice %arg6[%add3A_138] : memref<819200xi32, #tpu.memory_space<hbm>> -> memref<640xi32, #tpu.memory_space<hbm>>
    %dma_start3A_140 = tpu.memref_slice %arg6[%add3A_138] : memref<819200xi32, #tpu.memory_space<hbm>> -> memref<640xi32, #tpu.memory_space<hbm>>
    tpu.enqueue_dma source(%dma_start3A_140 : memref<640xi32, #tpu.memory_space<hbm>>) target(%arg15 : memref<640xi32, #tpu.memory_space<vmem>>) target_semaphore(%arg29 : memref<!tpu.dma_semaphore, #tpu.memory_space<semaphore_mem>>)
    %add3A_141 = arith.constant 640 : i32
    %add3A_142 = arith.addi %mul3A_3, %add3A_141 : i32
    %dma_start3A_143 = tpu.memref_slice %arg6[%add3A_142] : memref<819200xi32, #tpu.memory_space<hbm>> -> memref<640xi32, #tpu.memory_space<hbm>>
    %dma_start3A_144 = tpu.memref_slice %arg6[%add3A_142] : memref<819200xi32, #tpu.memory_space<hbm>> -> memref<640xi32, #tpu.memory_space<hbm>>
    tpu.enqueue_dma source(%dma_start3A_144 : memref<640xi32, #tpu.memory_space<hbm>>) target(%arg16 : memref<640xi32, #tpu.memory_space<vmem>>) target_semaphore(%arg30 : memref<!tpu.dma_semaphore, #tpu.memory_space<semaphore_mem>>)
    %add3A_145 = arith.constant 0 : i32
    %add3A_146 = arith.addi %mul3A_3, %add3A_145 : i32
    %dma_wait3A_147 = tpu.memref_slice %arg6[%add3A_146] : memref<819200xi32, #tpu.memory_space<hbm>> -> memref<640xi32, #tpu.memory_space<hbm>>
    %dma_wait3A_148 = tpu.memref_slice %arg6[%add3A_146] : memref<819200xi32, #tpu.memory_space<hbm>> -> memref<640xi32, #tpu.memory_space<hbm>>
    tpu.wait_dma2 semaphore(%arg29 : memref<!tpu.dma_semaphore, #tpu.memory_space<semaphore_mem>>) src(%dma_wait3A_148 : memref<640xi32, #tpu.memory_space<hbm>>) dst(%arg15 : memref<640xi32, #tpu.memory_space<vmem>>)
    %dma_start3A_149 = arith.constant 0 : i32
    %dma_start3A_150 = arith.constant 0 : i32
    %dma_start3A_151 = tpu.memref_slice %arg5[%dma_start3A_149, %dma_start3A_150] : memref<50000x16xf32, #tpu.memory_space<hbm>> -> memref<50000x16xf32, #tpu.memory_space<hbm>>
    tpu.enqueue_indirect_dma source(%dma_start3A_151 : memref<50000x16xf32, #tpu.memory_space<hbm>>) target(%arg21 : memref<640x16xf32, #tpu.memory_space<vmem>>) offsets(%arg15 : memref<640xi32, #tpu.memory_space<vmem>>) semaphore(%arg25 : memref<!tpu.dma_semaphore, #tpu.memory_space<semaphore_mem>>)
    %scan3A_152 = arith.constant 0 : i32
    %scan3A_153 = arith.constant 40 : i32
    %scan3A_154 = arith.addi %scan3A_152, %scan3A_153 : i32
    %scan3A_155 = arith.constant 1 : i32
    scf.for %scan3A_206 = %scan3A_152 to %scan3A_154 step %scan3A_155  : i32 {
      %mul3A_207 = arith.constant 1 : i32
      %mul3A_208 = arith.muli %scan3A_206, %mul3A_207 : i32
      %add3A_209 = arith.constant 0 : i32
      %add3A_210 = arith.addi %add3A_209, %mul3A_208 : i32
      %mul3A_211 = arith.constant 2 : i32
      %mul3A_212 = arith.muli %mul3A_211, %add3A_210 : i32
      %dma_wait3A_213 = arith.constant 0 : i32
      %dma_wait3A_214 = arith.constant 0 : i32
      %dma_wait3A_215 = tpu.memref_slice %arg5[%dma_wait3A_213, %dma_wait3A_214] : memref<50000x16xf32, #tpu.memory_space<hbm>> -> memref<50000x16xf32, #tpu.memory_space<hbm>>
      tpu.wait_indirect_dma semaphore(%arg25 : memref<!tpu.dma_semaphore, #tpu.memory_space<semaphore_mem>>) src(%dma_wait3A_215 : memref<50000x16xf32, #tpu.memory_space<hbm>>) dst(%arg21 : memref<640x16xf32, #tpu.memory_space<vmem>>)
      %dma_start3A_216 = arith.constant 0 : i32
      %dma_start3A_217 = tpu.memref_slice %arg14[%mul3A_212, %dma_start3A_216] : memref<80x640xi32, #tpu.memory_space<vmem>> -> memref<1x640xi32, #tpu.memory_space<vmem>>
      %dma_start3A_218 = tpu.memref_squeeze %dma_start3A_217 : memref<1x640xi32, #tpu.memory_space<vmem>> -> memref<640xi32, #tpu.memory_space<vmem>>
      %dma_start3A_219 = arith.constant 0 : i32
      %dma_start3A_220 = arith.constant 0 : i32
      %dma_start3A_221 = tpu.memref_slice %arg24[%dma_start3A_219, %dma_start3A_220] : memref<50416x16xf32, #tpu.memory_space<vmem_shared>> -> memref<50416x16xf32, #tpu.memory_space<vmem_shared>>
      tpu.enqueue_indirect_dma source(%arg21 : memref<640x16xf32, #tpu.memory_space<vmem>>) target(%dma_start3A_221 : memref<50416x16xf32, #tpu.memory_space<vmem_shared>>) offsets(%dma_start3A_218 : memref<640xi32, #tpu.memory_space<vmem>>) semaphore(%arg27 : memref<!tpu.dma_semaphore, #tpu.memory_space<semaphore_mem>>) {add = true}
      %add3A_222 = arith.constant 1 : i32
      %add3A_223 = arith.addi %mul3A_212, %add3A_222 : i32
      %mul3A_224 = arith.constant 640 : i32
      %mul3A_225 = arith.muli %add3A_223, %mul3A_224 : i32
      %add3A_226 = arith.addi %mul3A_3, %mul3A_225 : i32
      %dma_wait3A_227 = tpu.memref_slice %arg6[%add3A_226] : memref<819200xi32, #tpu.memory_space<hbm>> -> memref<640xi32, #tpu.memory_space<hbm>>
      %dma_wait3A_228 = tpu.memref_slice %arg6[%add3A_226] : memref<819200xi32, #tpu.memory_space<hbm>> -> memref<640xi32, #tpu.memory_space<hbm>>
      tpu.wait_dma2 semaphore(%arg30 : memref<!tpu.dma_semaphore, #tpu.memory_space<semaphore_mem>>) src(%dma_wait3A_228 : memref<640xi32, #tpu.memory_space<hbm>>) dst(%arg16 : memref<640xi32, #tpu.memory_space<vmem>>)
      %gt3A = arith.constant 0 : i32
      %gt3A_229 = arith.cmpi sgt, %add3A_210, %gt3A : i32
      %convert_element_type3A = arith.extui %gt3A_229 : i1 to i32
      %cond3A = arith.constant 0 : i32
      %cond3A_230 = arith.cmpi ne, %convert_element_type3A, %cond3A : i32
      scf.if %cond3A_230 {
        %sub3A = arith.constant 1 : i32
        %sub3A_260 = arith.subi %mul3A_212, %sub3A : i32
        %dma_wait3A_261 = arith.constant 0 : i32
        %dma_wait3A_262 = tpu.memref_slice %arg14[%sub3A_260, %dma_wait3A_261] : memref<80x640xi32, #tpu.memory_space<vmem>> -> memref<1x640xi32, #tpu.memory_space<vmem>>
        %dma_wait3A_263 = tpu.memref_squeeze %dma_wait3A_262 : memref<1x640xi32, #tpu.memory_space<vmem>> -> memref<640xi32, #tpu.memory_space<vmem>>
        %dma_wait3A_264 = arith.constant 0 : i32
        %dma_wait3A_265 = arith.constant 0 : i32
        %dma_wait3A_266 = tpu.memref_slice %arg24[%dma_wait3A_264, %dma_wait3A_265] : memref<50416x16xf32, #tpu.memory_space<vmem_shared>> -> memref<50416x16xf32, #tpu.memory_space<vmem_shared>>
        tpu.wait_indirect_dma semaphore(%arg28 : memref<!tpu.dma_semaphore, #tpu.memory_space<semaphore_mem>>) src(%arg22 : memref<640x16xf32, #tpu.memory_space<vmem>>) dst(%dma_wait3A_266 : memref<50416x16xf32, #tpu.memory_space<vmem_shared>>)
      } else {
      }
      %dma_start3A_231 = arith.constant 0 : i32
      %dma_start3A_232 = arith.constant 0 : i32
      %dma_start3A_233 = tpu.memref_slice %arg5[%dma_start3A_231, %dma_start3A_232] : memref<50000x16xf32, #tpu.memory_space<hbm>> -> memref<50000x16xf32, #tpu.memory_space<hbm>>
      tpu.enqueue_indirect_dma source(%dma_start3A_233 : memref<50000x16xf32, #tpu.memory_space<hbm>>) target(%arg22 : memref<640x16xf32, #tpu.memory_space<vmem>>) offsets(%arg16 : memref<640xi32, #tpu.memory_space<vmem>>) semaphore(%arg26 : memref<!tpu.dma_semaphore, #tpu.memory_space<semaphore_mem>>)
      %lt3A = arith.constant 39 : i32
      %lt3A_234 = arith.cmpi slt, %add3A_210, %lt3A : i32
      %convert_element_type3A_235 = arith.extui %lt3A_234 : i1 to i32
      %cond3A_236 = arith.constant 0 : i32
      %cond3A_237 = arith.cmpi ne, %convert_element_type3A_235, %cond3A_236 : i32
      scf.if %cond3A_237 {
        %add3A_260 = arith.constant 2 : i32
        %add3A_261 = arith.addi %mul3A_212, %add3A_260 : i32
        %mul3A_262 = arith.constant 640 : i32
        %mul3A_263 = arith.muli %add3A_261, %mul3A_262 : i32
        %add3A_264 = arith.addi %mul3A_3, %mul3A_263 : i32
        %dma_start3A_265 = tpu.memref_slice %arg6[%add3A_264] : memref<819200xi32, #tpu.memory_space<hbm>> -> memref<640xi32, #tpu.memory_space<hbm>>
        %dma_start3A_266 = tpu.memref_slice %arg6[%add3A_264] : memref<819200xi32, #tpu.memory_space<hbm>> -> memref<640xi32, #tpu.memory_space<hbm>>
        tpu.enqueue_dma source(%dma_start3A_266 : memref<640xi32, #tpu.memory_space<hbm>>) target(%arg15 : memref<640xi32, #tpu.memory_space<vmem>>) target_semaphore(%arg29 : memref<!tpu.dma_semaphore, #tpu.memory_space<semaphore_mem>>)
      } else {
      }
      %dma_wait3A_238 = arith.constant 0 : i32
      %dma_wait3A_239 = arith.constant 0 : i32
      %dma_wait3A_240 = tpu.memref_slice %arg5[%dma_wait3A_238, %dma_wait3A_239] : memref<50000x16xf32, #tpu.memory_space<hbm>> -> memref<50000x16xf32, #tpu.memory_space<hbm>>
      tpu.wait_indirect_dma semaphore(%arg26 : memref<!tpu.dma_semaphore, #tpu.memory_space<semaphore_mem>>) src(%dma_wait3A_240 : memref<50000x16xf32, #tpu.memory_space<hbm>>) dst(%arg22 : memref<640x16xf32, #tpu.memory_space<vmem>>)
      %add3A_241 = arith.constant 1 : i32
      %add3A_242 = arith.addi %mul3A_212, %add3A_241 : i32
      %dma_start3A_243 = arith.constant 0 : i32
      %dma_start3A_244 = tpu.memref_slice %arg14[%add3A_242, %dma_start3A_243] : memref<80x640xi32, #tpu.memory_space<vmem>> -> memref<1x640xi32, #tpu.memory_space<vmem>>
      %dma_start3A_245 = tpu.memref_squeeze %dma_start3A_244 : memref<1x640xi32, #tpu.memory_space<vmem>> -> memref<640xi32, #tpu.memory_space<vmem>>
      %dma_start3A_246 = arith.constant 0 : i32
      %dma_start3A_247 = arith.constant 0 : i32
      %dma_start3A_248 = tpu.memref_slice %arg24[%dma_start3A_246, %dma_start3A_247] : memref<50416x16xf32, #tpu.memory_space<vmem_shared>> -> memref<50416x16xf32, #tpu.memory_space<vmem_shared>>
      tpu.enqueue_indirect_dma source(%arg22 : memref<640x16xf32, #tpu.memory_space<vmem>>) target(%dma_start3A_248 : memref<50416x16xf32, #tpu.memory_space<vmem_shared>>) offsets(%dma_start3A_245 : memref<640xi32, #tpu.memory_space<vmem>>) semaphore(%arg28 : memref<!tpu.dma_semaphore, #tpu.memory_space<semaphore_mem>>) {add = true}
      %dma_wait3A_249 = arith.constant 0 : i32
      %dma_wait3A_250 = tpu.memref_slice %arg14[%mul3A_212, %dma_wait3A_249] : memref<80x640xi32, #tpu.memory_space<vmem>> -> memref<1x640xi32, #tpu.memory_space<vmem>>
      %dma_wait3A_251 = tpu.memref_squeeze %dma_wait3A_250 : memref<1x640xi32, #tpu.memory_space<vmem>> -> memref<640xi32, #tpu.memory_space<vmem>>
      %dma_wait3A_252 = arith.constant 0 : i32
      %dma_wait3A_253 = arith.constant 0 : i32
      %dma_wait3A_254 = tpu.memref_slice %arg24[%dma_wait3A_252, %dma_wait3A_253] : memref<50416x16xf32, #tpu.memory_space<vmem_shared>> -> memref<50416x16xf32, #tpu.memory_space<vmem_shared>>
      tpu.wait_indirect_dma semaphore(%arg27 : memref<!tpu.dma_semaphore, #tpu.memory_space<semaphore_mem>>) src(%arg21 : memref<640x16xf32, #tpu.memory_space<vmem>>) dst(%dma_wait3A_254 : memref<50416x16xf32, #tpu.memory_space<vmem_shared>>)
      %lt3A_255 = arith.constant 39 : i32
      %lt3A_256 = arith.cmpi slt, %add3A_210, %lt3A_255 : i32
      %convert_element_type3A_257 = arith.extui %lt3A_256 : i1 to i32
      %cond3A_258 = arith.constant 0 : i32
      %cond3A_259 = arith.cmpi ne, %convert_element_type3A_257, %cond3A_258 : i32
      scf.if %cond3A_259 {
        %add3A_260 = arith.constant 2 : i32
        %add3A_261 = arith.addi %mul3A_212, %add3A_260 : i32
        %mul3A_262 = arith.constant 640 : i32
        %mul3A_263 = arith.muli %add3A_261, %mul3A_262 : i32
        %add3A_264 = arith.addi %mul3A_3, %mul3A_263 : i32
        %dma_wait3A_265 = tpu.memref_slice %arg6[%add3A_264] : memref<819200xi32, #tpu.memory_space<hbm>> -> memref<640xi32, #tpu.memory_space<hbm>>
        %dma_wait3A_266 = tpu.memref_slice %arg6[%add3A_264] : memref<819200xi32, #tpu.memory_space<hbm>> -> memref<640xi32, #tpu.memory_space<hbm>>
        tpu.wait_dma2 semaphore(%arg29 : memref<!tpu.dma_semaphore, #tpu.memory_space<semaphore_mem>>) src(%dma_wait3A_266 : memref<640xi32, #tpu.memory_space<hbm>>) dst(%arg15 : memref<640xi32, #tpu.memory_space<vmem>>)
        %dma_start3A_267 = arith.constant 0 : i32
        %dma_start3A_268 = arith.constant 0 : i32
        %dma_start3A_269 = tpu.memref_slice %arg5[%dma_start3A_267, %dma_start3A_268] : memref<50000x16xf32, #tpu.memory_space<hbm>> -> memref<50000x16xf32, #tpu.memory_space<hbm>>
        tpu.enqueue_indirect_dma source(%dma_start3A_269 : memref<50000x16xf32, #tpu.memory_space<hbm>>) target(%arg21 : memref<640x16xf32, #tpu.memory_space<vmem>>) offsets(%arg15 : memref<640xi32, #tpu.memory_space<vmem>>) semaphore(%arg25 : memref<!tpu.dma_semaphore, #tpu.memory_space<semaphore_mem>>)
        %add3A_270 = arith.constant 3 : i32
        %add3A_271 = arith.addi %mul3A_212, %add3A_270 : i32
        %mul3A_272 = arith.constant 640 : i32
        %mul3A_273 = arith.muli %add3A_271, %mul3A_272 : i32
        %add3A_274 = arith.addi %mul3A_3, %mul3A_273 : i32
        %dma_start3A_275 = tpu.memref_slice %arg6[%add3A_274] : memref<819200xi32, #tpu.memory_space<hbm>> -> memref<640xi32, #tpu.memory_space<hbm>>
        %dma_start3A_276 = tpu.memref_slice %arg6[%add3A_274] : memref<819200xi32, #tpu.memory_space<hbm>> -> memref<640xi32, #tpu.memory_space<hbm>>
        tpu.enqueue_dma source(%dma_start3A_276 : memref<640xi32, #tpu.memory_space<hbm>>) target(%arg16 : memref<640xi32, #tpu.memory_space<vmem>>) target_semaphore(%arg30 : memref<!tpu.dma_semaphore, #tpu.memory_space<semaphore_mem>>)
      } else {
      }
    }
    %scan3A_156 = arith.constant 40 : i32
    %dma_wait3A_157 = arith.constant 79 : i32
    %dma_wait3A_158 = arith.constant 0 : i32
    %dma_wait3A_159 = tpu.memref_slice %arg14[%dma_wait3A_157, %dma_wait3A_158] : memref<80x640xi32, #tpu.memory_space<vmem>> -> memref<1x640xi32, #tpu.memory_space<vmem>>
    %dma_wait3A_160 = tpu.memref_squeeze %dma_wait3A_159 : memref<1x640xi32, #tpu.memory_space<vmem>> -> memref<640xi32, #tpu.memory_space<vmem>>
    %dma_wait3A_161 = arith.constant 0 : i32
    %dma_wait3A_162 = arith.constant 0 : i32
    %dma_wait3A_163 = tpu.memref_slice %arg24[%dma_wait3A_161, %dma_wait3A_162] : memref<50416x16xf32, #tpu.memory_space<vmem_shared>> -> memref<50416x16xf32, #tpu.memory_space<vmem_shared>>
    tpu.wait_indirect_dma semaphore(%arg28 : memref<!tpu.dma_semaphore, #tpu.memory_space<semaphore_mem>>) src(%arg22 : memref<640x16xf32, #tpu.memory_space<vmem>>) dst(%dma_wait3A_163 : memref<50416x16xf32, #tpu.memory_space<vmem_shared>>)
    %barrier3A_164 = arith.constant 0 : index
    tpu.barrier barrier_id(%barrier3A_164)
    %mul3A_165 = arith.constant 50400 : i32
    %mul3A_166 = arith.muli %arg0, %mul3A_165 : i32
    %add3A_167 = arith.addi %mul3A_166, %mul3A_9 : i32
    "tpu.region"() ({
      %run_scoped3A = tpu.sem_alloc : memref<!tpu.dma_semaphore, #tpu.memory_space<semaphore_mem>>
      %dma_start3A_206 = arith.constant 0 : i32
      %dma_start3A_207 = tpu.memref_slice %arg12[%add3A_167, %dma_start3A_206] : memref<100800x16xf32, #tpu.memory_space<hbm>> -> memref<3150x16xf32, #tpu.memory_space<hbm>>
      %dma_start3A_208 = arith.constant 0 : i32
      %dma_start3A_209 = tpu.memref_slice %arg24[%mul3A_9, %dma_start3A_208] : memref<50416x16xf32, #tpu.memory_space<vmem_shared>> -> memref<3150x16xf32, #tpu.memory_space<vmem_shared>>
      tpu.enqueue_dma source(%dma_start3A_209 : memref<3150x16xf32, #tpu.memory_space<vmem_shared>>) target(%dma_start3A_207 : memref<3150x16xf32, #tpu.memory_space<hbm>>) target_semaphore(%run_scoped3A : memref<!tpu.dma_semaphore, #tpu.memory_space<semaphore_mem>>)
      %dma_wait3A_210 = arith.constant 0 : i32
      %dma_wait3A_211 = tpu.memref_slice %arg12[%add3A_167, %dma_wait3A_210] : memref<100800x16xf32, #tpu.memory_space<hbm>> -> memref<3150x16xf32, #tpu.memory_space<hbm>>
      %dma_wait3A_212 = arith.constant 0 : i32
      %dma_wait3A_213 = tpu.memref_slice %arg24[%mul3A_9, %dma_wait3A_212] : memref<50416x16xf32, #tpu.memory_space<vmem_shared>> -> memref<3150x16xf32, #tpu.memory_space<vmem_shared>>
      tpu.wait_dma2 semaphore(%run_scoped3A : memref<!tpu.dma_semaphore, #tpu.memory_space<semaphore_mem>>) src(%dma_wait3A_213 : memref<3150x16xf32, #tpu.memory_space<vmem_shared>>) dst(%dma_wait3A_211 : memref<3150x16xf32, #tpu.memory_space<hbm>>)
      tpu.yield
    }) : () -> ()
    %scan3A_168 = arith.constant 0 : i32
    %scan3A_169 = arith.constant 25 : i32
    %scan3A_170 = arith.addi %scan3A_168, %scan3A_169 : i32
    %scan3A_171 = arith.constant 1 : i32
    scf.for %scan3A_206 = %scan3A_168 to %scan3A_170 step %scan3A_171  : i32 {
      %mul3A_207 = arith.constant 1 : i32
      %mul3A_208 = arith.muli %scan3A_206, %mul3A_207 : i32
      %add3A_209 = arith.constant 0 : i32
      %add3A_210 = arith.addi %add3A_209, %mul3A_208 : i32
      %mul3A_211 = arith.constant 126 : i32
      %mul3A_212 = arith.muli %add3A_210, %mul3A_211 : i32
      %add3A_213 = arith.addi %mul3A_9, %mul3A_212 : i32
      "tpu.region"() ({
        %run_scoped3A = tpu.sem_alloc : memref<!tpu.dma_semaphore, #tpu.memory_space<semaphore_mem>>
        %dma_start3A_214 = arith.constant 0 : i32
        %dma_start3A_215 = tpu.memref_slice %arg24[%add3A_213, %dma_start3A_214] : memref<50416x16xf32, #tpu.memory_space<vmem_shared>> -> memref<126x16xf32, #tpu.memory_space<vmem_shared>>
        %dma_start3A_216 = arith.constant 0 : i32
        %dma_start3A_217 = tpu.memref_slice %arg24[%add3A_213, %dma_start3A_216] : memref<50416x16xf32, #tpu.memory_space<vmem_shared>> -> memref<126x16xf32, #tpu.memory_space<vmem_shared>>
        tpu.enqueue_dma source(%arg23 : memref<126x16xf32, #tpu.memory_space<vmem>>) target(%dma_start3A_217 : memref<126x16xf32, #tpu.memory_space<vmem_shared>>) target_semaphore(%run_scoped3A : memref<!tpu.dma_semaphore, #tpu.memory_space<semaphore_mem>>)
        %dma_wait3A_218 = arith.constant 0 : i32
        %dma_wait3A_219 = tpu.memref_slice %arg24[%add3A_213, %dma_wait3A_218] : memref<50416x16xf32, #tpu.memory_space<vmem_shared>> -> memref<126x16xf32, #tpu.memory_space<vmem_shared>>
        %dma_wait3A_220 = arith.constant 0 : i32
        %dma_wait3A_221 = tpu.memref_slice %arg24[%add3A_213, %dma_wait3A_220] : memref<50416x16xf32, #tpu.memory_space<vmem_shared>> -> memref<126x16xf32, #tpu.memory_space<vmem_shared>>
        tpu.wait_dma2 semaphore(%run_scoped3A : memref<!tpu.dma_semaphore, #tpu.memory_space<semaphore_mem>>) src(%arg23 : memref<126x16xf32, #tpu.memory_space<vmem>>) dst(%dma_wait3A_221 : memref<126x16xf32, #tpu.memory_space<vmem_shared>>)
        tpu.yield
      }) : () -> ()
    }
    %scan3A_172 = arith.constant 25 : i32
    %barrier3A_173 = arith.constant 0 : index
    tpu.barrier barrier_id(%barrier3A_173)
    %iota3A = tpu.iota {dimensions = array<i32: 0>} : vector<16xi32>
    %eq3A = arith.constant 0 : i32
    %eq3A_174 = vector.broadcast %eq3A : i32 to vector<16xi32>
    %eq3A_175 = arith.cmpi eq, %iota3A, %eq3A_174 : vector<16xi32>
    %jit3A = arith.constant 1.000000e+00 : f32
    %jit3A_176 = arith.constant 0.000000e+00 : f32
    %broadcast_in_dim3A = vector.broadcast %jit3A : f32 to vector<16xf32>
    %broadcast_in_dim3A_177 = vector.broadcast %jit3A_176 : f32 to vector<16xf32>
    %select_n3A = arith.select %eq3A_175, %broadcast_in_dim3A, %broadcast_in_dim3A_177 : vector<16xi1>, vector<16xf32>
    %scan3A_178 = arith.constant 0 : i32
    %scan3A_179 = arith.constant 640 : i32
    %scan3A_180 = arith.addi %scan3A_178, %scan3A_179 : i32
    %scan3A_181 = arith.constant 1 : i32
    scf.for %scan3A_206 = %scan3A_178 to %scan3A_180 step %scan3A_181  : i32 {
      %mul3A_207 = arith.constant 1 : i32
      %mul3A_208 = arith.muli %scan3A_206, %mul3A_207 : i32
      %add3A_209 = arith.constant 0 : i32
      %add3A_210 = arith.addi %add3A_209, %mul3A_208 : i32
      %swap3A = arith.index_cast %add3A_210 : i32 to index
      %swap3A_211 = arith.constant 0 : index
      %swap3A_212 = tpu.vector_load %arg21[%swap3A, %swap3A_211] {strides = array<i32>} : memref<640x16xf32, #tpu.memory_space<vmem>>, vector<1x16xf32>,
      %swap3A_213 = vector.shape_cast %swap3A_212 : vector<1x16xf32> to vector<16xf32>
      %swap3A_214 = vector.shape_cast %select_n3A : vector<16xf32> to vector<1x16xf32>
      tpu.vector_store %arg21[%swap3A, %swap3A_211], %swap3A_214 {strides = array<i32>} : memref<640x16xf32, #tpu.memory_space<vmem>>, vector<1x16xf32>,
    }
    %scan3A_182 = arith.constant 640 : i32
    %scan3A_183 = arith.constant 0 : i32
    %scan3A_184 = arith.constant 40 : i32
    %scan3A_185 = arith.addi %scan3A_183, %scan3A_184 : i32
    %scan3A_186 = arith.constant 1 : i32
    scf.for %scan3A_206 = %scan3A_183 to %scan3A_185 step %scan3A_186  : i32 {
      %mul3A_207 = arith.constant 1 : i32
      %mul3A_208 = arith.muli %scan3A_206, %mul3A_207 : i32
      %add3A_209 = arith.constant 0 : i32
      %add3A_210 = arith.addi %add3A_209, %mul3A_208 : i32
      %mul3A_211 = arith.constant 2 : i32
      %mul3A_212 = arith.muli %mul3A_211, %add3A_210 : i32
      %gt3A = arith.constant 0 : i32
      %gt3A_213 = arith.cmpi sgt, %add3A_210, %gt3A : i32
      %convert_element_type3A = arith.extui %gt3A_213 : i1 to i32
      %cond3A = arith.constant 0 : i32
      %cond3A_214 = arith.cmpi ne, %convert_element_type3A, %cond3A : i32
      scf.if %cond3A_214 {
        %dma_wait3A_229 = arith.constant 0 : i32
        %dma_wait3A_230 = arith.constant 0 : i32
        %dma_wait3A_231 = tpu.memref_slice %arg14[%dma_wait3A_229, %dma_wait3A_230] : memref<80x640xi32, #tpu.memory_space<vmem>> -> memref<1x640xi32, #tpu.memory_space<vmem>>
        %dma_wait3A_232 = tpu.memref_squeeze %dma_wait3A_231 : memref<1x640xi32, #tpu.memory_space<vmem>> -> memref<640xi32, #tpu.memory_space<vmem>>
        %dma_wait3A_233 = arith.constant 0 : i32
        %dma_wait3A_234 = arith.constant 0 : i32
        %dma_wait3A_235 = tpu.memref_slice %arg24[%dma_wait3A_233, %dma_wait3A_234] : memref<50416x16xf32, #tpu.memory_space<vmem_shared>> -> memref<50416x16xf32, #tpu.memory_space<vmem_shared>>
        tpu.wait_indirect_dma semaphore(%arg27 : memref<!tpu.dma_semaphore, #tpu.memory_space<semaphore_mem>>) src(%arg21 : memref<640x16xf32, #tpu.memory_space<vmem>>) dst(%dma_wait3A_235 : memref<50416x16xf32, #tpu.memory_space<vmem_shared>>)
        %dma_wait3A_236 = arith.constant 0 : i32
        %dma_wait3A_237 = arith.constant 0 : i32
        %dma_wait3A_238 = tpu.memref_slice %arg14[%dma_wait3A_236, %dma_wait3A_237] : memref<80x640xi32, #tpu.memory_space<vmem>> -> memref<1x640xi32, #tpu.memory_space<vmem>>
        %dma_wait3A_239 = tpu.memref_squeeze %dma_wait3A_238 : memref<1x640xi32, #tpu.memory_space<vmem>> -> memref<640xi32, #tpu.memory_space<vmem>>
        %dma_wait3A_240 = arith.constant 0 : i32
        %dma_wait3A_241 = arith.constant 0 : i32
        %dma_wait3A_242 = tpu.memref_slice %arg24[%dma_wait3A_240, %dma_wait3A_241] : memref<50416x16xf32, #tpu.memory_space<vmem_shared>> -> memref<50416x16xf32, #tpu.memory_space<vmem_shared>>
        tpu.wait_indirect_dma semaphore(%arg28 : memref<!tpu.dma_semaphore, #tpu.memory_space<semaphore_mem>>) src(%arg21 : memref<640x16xf32, #tpu.memory_space<vmem>>) dst(%dma_wait3A_242 : memref<50416x16xf32, #tpu.memory_space<vmem_shared>>)
      } else {
      }
      %dma_start3A_215 = arith.constant 0 : i32
      %dma_start3A_216 = tpu.memref_slice %arg14[%mul3A_212, %dma_start3A_215] : memref<80x640xi32, #tpu.memory_space<vmem>> -> memref<1x640xi32, #tpu.memory_space<vmem>>
      %dma_start3A_217 = tpu.memref_squeeze %dma_start3A_216 : memref<1x640xi32, #tpu.memory_space<vmem>> -> memref<640xi32, #tpu.memory_space<vmem>>
      %dma_start3A_218 = arith.constant 0 : i32
      %dma_start3A_219 = arith.constant 0 : i32
      %dma_start3A_220 = tpu.memref_slice %arg24[%dma_start3A_218, %dma_start3A_219] : memref<50416x16xf32, #tpu.memory_space<vmem_shared>> -> memref<50416x16xf32, #tpu.memory_space<vmem_shared>>
      tpu.enqueue_indirect_dma source(%arg21 : memref<640x16xf32, #tpu.memory_space<vmem>>) target(%dma_start3A_220 : memref<50416x16xf32, #tpu.memory_space<vmem_shared>>) offsets(%dma_start3A_217 : memref<640xi32, #tpu.memory_space<vmem>>) semaphore(%arg27 : memref<!tpu.dma_semaphore, #tpu.memory_space<semaphore_mem>>) {add = true}
      %add3A_221 = arith.constant 1 : i32
      %add3A_222 = arith.addi %mul3A_212, %add3A_221 : i32
      %dma_start3A_223 = arith.constant 0 : i32
      %dma_start3A_224 = tpu.memref_slice %arg14[%add3A_222, %dma_start3A_223] : memref<80x640xi32, #tpu.memory_space<vmem>> -> memref<1x640xi32, #tpu.memory_space<vmem>>
      %dma_start3A_225 = tpu.memref_squeeze %dma_start3A_224 : memref<1x640xi32, #tpu.memory_space<vmem>> -> memref<640xi32, #tpu.memory_space<vmem>>
      %dma_start3A_226 = arith.constant 0 : i32
      %dma_start3A_227 = arith.constant 0 : i32
      %dma_start3A_228 = tpu.memref_slice %arg24[%dma_start3A_226, %dma_start3A_227] : memref<50416x16xf32, #tpu.memory_space<vmem_shared>> -> memref<50416x16xf32, #tpu.memory_space<vmem_shared>>
      tpu.enqueue_indirect_dma source(%arg21 : memref<640x16xf32, #tpu.memory_space<vmem>>) target(%dma_start3A_228 : memref<50416x16xf32, #tpu.memory_space<vmem_shared>>) offsets(%dma_start3A_225 : memref<640xi32, #tpu.memory_space<vmem>>) semaphore(%arg28 : memref<!tpu.dma_semaphore, #tpu.memory_space<semaphore_mem>>) {add = true}
    }
    %scan3A_187 = arith.constant 40 : i32
    %dma_wait3A_188 = arith.constant 0 : i32
    %dma_wait3A_189 = arith.constant 0 : i32
    %dma_wait3A_190 = tpu.memref_slice %arg14[%dma_wait3A_188, %dma_wait3A_189] : memref<80x640xi32, #tpu.memory_space<vmem>> -> memref<1x640xi32, #tpu.memory_space<vmem>>
    %dma_wait3A_191 = tpu.memref_squeeze %dma_wait3A_190 : memref<1x640xi32, #tpu.memory_space<vmem>> -> memref<640xi32, #tpu.memory_space<vmem>>
    %dma_wait3A_192 = arith.constant 0 : i32
    %dma_wait3A_193 = arith.constant 0 : i32
    %dma_wait3A_194 = tpu.memref_slice %arg24[%dma_wait3A_192, %dma_wait3A_193] : memref<50416x16xf32, #tpu.memory_space<vmem_shared>> -> memref<50416x16xf32, #tpu.memory_space<vmem_shared>>
    tpu.wait_indirect_dma semaphore(%arg27 : memref<!tpu.dma_semaphore, #tpu.memory_space<semaphore_mem>>) src(%arg21 : memref<640x16xf32, #tpu.memory_space<vmem>>) dst(%dma_wait3A_194 : memref<50416x16xf32, #tpu.memory_space<vmem_shared>>)
    %dma_wait3A_195 = arith.constant 0 : i32
    %dma_wait3A_196 = arith.constant 0 : i32
    %dma_wait3A_197 = tpu.memref_slice %arg14[%dma_wait3A_195, %dma_wait3A_196] : memref<80x640xi32, #tpu.memory_space<vmem>> -> memref<1x640xi32, #tpu.memory_space<vmem>>
    %dma_wait3A_198 = tpu.memref_squeeze %dma_wait3A_197 : memref<1x640xi32, #tpu.memory_space<vmem>> -> memref<640xi32, #tpu.memory_space<vmem>>
    %dma_wait3A_199 = arith.constant 0 : i32
    %dma_wait3A_200 = arith.constant 0 : i32
    %dma_wait3A_201 = tpu.memref_slice %arg24[%dma_wait3A_199, %dma_wait3A_200] : memref<50416x16xf32, #tpu.memory_space<vmem_shared>> -> memref<50416x16xf32, #tpu.memory_space<vmem_shared>>
    tpu.wait_indirect_dma semaphore(%arg28 : memref<!tpu.dma_semaphore, #tpu.memory_space<semaphore_mem>>) src(%arg21 : memref<640x16xf32, #tpu.memory_space<vmem>>) dst(%dma_wait3A_201 : memref<50416x16xf32, #tpu.memory_space<vmem_shared>>)
    %barrier3A_202 = arith.constant 0 : index
    tpu.barrier barrier_id(%barrier3A_202)
    %mul3A_203 = arith.constant 50400 : i32
    %mul3A_204 = arith.muli %arg0, %mul3A_203 : i32
    %add3A_205 = arith.addi %mul3A_204, %mul3A_9 : i32
    "tpu.region"() ({
      %run_scoped3A = tpu.sem_alloc : memref<!tpu.dma_semaphore, #tpu.memory_space<semaphore_mem>>
      %dma_start3A_206 = arith.constant 0 : i32
      %dma_start3A_207 = tpu.memref_slice %arg13[%add3A_205, %dma_start3A_206] : memref<100800x16xf32, #tpu.memory_space<hbm>> -> memref<3150x16xf32, #tpu.memory_space<hbm>>
      %dma_start3A_208 = arith.constant 0 : i32
      %dma_start3A_209 = tpu.memref_slice %arg24[%mul3A_9, %dma_start3A_208] : memref<50416x16xf32, #tpu.memory_space<vmem_shared>> -> memref<3150x16xf32, #tpu.memory_space<vmem_shared>>
      tpu.enqueue_dma source(%dma_start3A_209 : memref<3150x16xf32, #tpu.memory_space<vmem_shared>>) target(%dma_start3A_207 : memref<3150x16xf32, #tpu.memory_space<hbm>>) target_semaphore(%run_scoped3A : memref<!tpu.dma_semaphore, #tpu.memory_space<semaphore_mem>>)
      %dma_wait3A_210 = arith.constant 0 : i32
      %dma_wait3A_211 = tpu.memref_slice %arg13[%add3A_205, %dma_wait3A_210] : memref<100800x16xf32, #tpu.memory_space<hbm>> -> memref<3150x16xf32, #tpu.memory_space<hbm>>
      %dma_wait3A_212 = arith.constant 0 : i32
      %dma_wait3A_213 = tpu.memref_slice %arg24[%mul3A_9, %dma_wait3A_212] : memref<50416x16xf32, #tpu.memory_space<vmem_shared>> -> memref<3150x16xf32, #tpu.memory_space<vmem_shared>>
      tpu.wait_dma2 semaphore(%run_scoped3A : memref<!tpu.dma_semaphore, #tpu.memory_space<semaphore_mem>>) src(%dma_wait3A_213 : memref<3150x16xf32, #tpu.memory_space<vmem_shared>>) dst(%dma_wait3A_211 : memref<3150x16xf32, #tpu.memory_space<hbm>>)
      tpu.yield
    }) : () -> ()
    return
  }
}

module attributes {stable_mosaic.version = 14 : i64} {
  func.func @_p1a_body(%arg0: i32, %arg1: memref<400x768xf32, #tpu.memory_space<vmem>>, %arg2: memref<400x8xf32, #tpu.memory_space<vmem>>, %arg3: memref<400x8xf32, #tpu.memory_space<vmem>>, %arg4: memref<768x64xf32, #tpu.memory_space<vmem>>, %arg5: memref<8x64xf32, #tpu.memory_space<vmem>>, %arg6: memref<8x64xf32, #tpu.memory_space<vmem>>, %arg7: memref<1x64xf32, #tpu.memory_space<vmem>>, %arg8: memref<1x64xf32, #tpu.memory_space<vmem>>, %arg9: memref<1x64xf32, #tpu.memory_space<vmem>>, %arg10: memref<400x64xf32, #tpu.memory_space<vmem>>, %arg11: memref<400x64xf32, #tpu.memory_space<vmem>>, %arg12: memref<400x64xf32, #tpu.memory_space<vmem>>, %arg13: memref<3x64xf32, #tpu.memory_space<vmem>>, %arg14: memref<3x64xf32, #tpu.memory_space<vmem>>) attributes {dimension_semantics = [#tpu.dimension_semantics<arbitrary>], iteration_bounds = array<i64: 125>, scalar_prefetch = 0 : i64, scratch_operands = 0 : i64, tpu.core_type = #tpu.core_type<tc>, window_params = [{transform_indices = @transform_0, window_bounds = array<i64: 400, 768>}, {transform_indices = @transform_1, window_bounds = array<i64: 400, 8>}, {transform_indices = @transform_2, window_bounds = array<i64: 400, 8>}, {pipeline_mode = #tpu.pipeline_mode<synchronous>, transform_indices = @transform_3, window_bounds = array<i64: 768, 64>}, {pipeline_mode = #tpu.pipeline_mode<synchronous>, transform_indices = @transform_4, window_bounds = array<i64: 8, 64>}, {pipeline_mode = #tpu.pipeline_mode<synchronous>, transform_indices = @transform_5, window_bounds = array<i64: 8, 64>}, {pipeline_mode = #tpu.pipeline_mode<synchronous>, transform_indices = @transform_6, window_bounds = array<i64: 1, 64>}, {pipeline_mode = #tpu.pipeline_mode<synchronous>, transform_indices = @transform_7, window_bounds = array<i64: 1, 64>}, {pipeline_mode = #tpu.pipeline_mode<synchronous>, transform_indices = @transform_8, window_bounds = array<i64: 1, 64>}, {transform_indices = @transform_9, window_bounds = array<i64: 400, 64>}, {transform_indices = @transform_10, window_bounds = array<i64: 400, 64>}, {transform_indices = @transform_11, window_bounds = array<i64: 400, 64>}, {pipeline_mode = #tpu.pipeline_mode<synchronous>, transform_indices = @transform_12, window_bounds = array<i64: 3, 64>}, {pipeline_mode = #tpu.pipeline_mode<synchronous>, transform_indices = @transform_13, window_bounds = array<i64: 3, 64>}]} {
    %get3A = arith.constant 0 : index
    %get3A_0 = arith.constant 0 : index
    %get3A_1 = vector.load %arg1[%get3A, %get3A_0] : memref<400x768xf32, #tpu.memory_space<vmem>>, vector<400x768xf32>
    %get3A_2 = arith.constant 0 : index
    %get3A_3 = arith.constant 0 : index
    %get3A_4 = vector.load %arg4[%get3A_2, %get3A_3] : memref<768x64xf32, #tpu.memory_space<vmem>>, vector<768x64xf32>
    %dot_general3A = arith.constant dense<0.000000e+00> : vector<400x64xf32>
    %dot_general3A_5 = tpu.matmul %get3A_1, %get3A_4, %dot_general3A {dimension_numbers = #tpu.dot_dimension_numbers<[1], [0], [0], [1], [0, 0, 1, 1], [], []>, precision = #tpu.contract_precision<fp32>, transpose_lhs_hint = false} : vector<400x768xf32>, vector<768x64xf32>, vector<400x64xf32> -> vector<400x64xf32>
    %get3A_6 = arith.constant 0 : index
    %get3A_7 = arith.constant 0 : index
    %get3A_8 = vector.load %arg7[%get3A_6, %get3A_7] : memref<1x64xf32, #tpu.memory_space<vmem>>, vector<1x64xf32>
    %add3A = vector.broadcast %get3A_8 : vector<1x64xf32> to vector<400x64xf32>
    %add3A_9 = arith.addf %dot_general3A_5, %add3A : vector<400x64xf32>
    %get3A_10 = arith.constant 0 : index
    %get3A_11 = arith.constant 0 : index
    %get3A_12 = vector.load %arg2[%get3A_10, %get3A_11] : memref<400x8xf32, #tpu.memory_space<vmem>>, vector<400x8xf32>
    %get3A_13 = arith.constant 0 : index
    %get3A_14 = arith.constant 0 : index
    %get3A_15 = vector.load %arg5[%get3A_13, %get3A_14] : memref<8x64xf32, #tpu.memory_space<vmem>>, vector<8x64xf32>
    %dot_general3A_16 = arith.constant dense<0.000000e+00> : vector<400x64xf32>
    %dot_general3A_17 = tpu.matmul %get3A_12, %get3A_15, %dot_general3A_16 {dimension_numbers = #tpu.dot_dimension_numbers<[1], [0], [0], [1], [0, 0, 1, 1], [], []>, precision = #tpu.contract_precision<fp32>, transpose_lhs_hint = false} : vector<400x8xf32>, vector<8x64xf32>, vector<400x64xf32> -> vector<400x64xf32>
    %get3A_18 = arith.constant 0 : index
    %get3A_19 = arith.constant 0 : index
    %get3A_20 = vector.load %arg8[%get3A_18, %get3A_19] : memref<1x64xf32, #tpu.memory_space<vmem>>, vector<1x64xf32>
    %add3A_21 = vector.broadcast %get3A_20 : vector<1x64xf32> to vector<400x64xf32>
    %add3A_22 = arith.addf %dot_general3A_17, %add3A_21 : vector<400x64xf32>
    %get3A_23 = arith.constant 0 : index
    %get3A_24 = arith.constant 0 : index
    %get3A_25 = vector.load %arg3[%get3A_23, %get3A_24] : memref<400x8xf32, #tpu.memory_space<vmem>>, vector<400x8xf32>
    %get3A_26 = arith.constant 0 : index
    %get3A_27 = arith.constant 0 : index
    %get3A_28 = vector.load %arg6[%get3A_26, %get3A_27] : memref<8x64xf32, #tpu.memory_space<vmem>>, vector<8x64xf32>
    %dot_general3A_29 = arith.constant dense<0.000000e+00> : vector<400x64xf32>
    %dot_general3A_30 = tpu.matmul %get3A_25, %get3A_28, %dot_general3A_29 {dimension_numbers = #tpu.dot_dimension_numbers<[1], [0], [0], [1], [0, 0, 1, 1], [], []>, precision = #tpu.contract_precision<fp32>, transpose_lhs_hint = false} : vector<400x8xf32>, vector<8x64xf32>, vector<400x64xf32> -> vector<400x64xf32>
    %get3A_31 = arith.constant 0 : index
    %get3A_32 = arith.constant 0 : index
    %get3A_33 = vector.load %arg9[%get3A_31, %get3A_32] : memref<1x64xf32, #tpu.memory_space<vmem>>, vector<1x64xf32>
    %add3A_34 = vector.broadcast %get3A_33 : vector<1x64xf32> to vector<400x64xf32>
    %add3A_35 = arith.addf %dot_general3A_30, %add3A_34 : vector<400x64xf32>
    %swap3A = arith.constant 0 : index
    %swap3A_36 = arith.constant 0 : index
    %swap3A_37 = vector.load %arg10[%swap3A, %swap3A_36] : memref<400x64xf32, #tpu.memory_space<vmem>>, vector<400x64xf32>
    tpu.vector_store %arg10[%swap3A, %swap3A_36], %add3A_9 {strides = array<i32>} : memref<400x64xf32, #tpu.memory_space<vmem>>, vector<400x64xf32>,
    %swap3A_38 = arith.constant 0 : index
    %swap3A_39 = arith.constant 0 : index
    %swap3A_40 = vector.load %arg11[%swap3A_38, %swap3A_39] : memref<400x64xf32, #tpu.memory_space<vmem>>, vector<400x64xf32>
    tpu.vector_store %arg11[%swap3A_38, %swap3A_39], %add3A_22 {strides = array<i32>} : memref<400x64xf32, #tpu.memory_space<vmem>>, vector<400x64xf32>,
    %swap3A_41 = arith.constant 0 : index
    %swap3A_42 = arith.constant 0 : index
    %swap3A_43 = vector.load %arg12[%swap3A_41, %swap3A_42] : memref<400x64xf32, #tpu.memory_space<vmem>>, vector<400x64xf32>
    tpu.vector_store %arg12[%swap3A_41, %swap3A_42], %add3A_35 {strides = array<i32>} : memref<400x64xf32, #tpu.memory_space<vmem>>, vector<400x64xf32>,
    %reduce_sum3A = arith.constant dense<0.000000e+00> : vector<64xf32>
    %reduce_sum3A_44 = vector.multi_reduction <add>, %add3A_9, %reduce_sum3A [0] : vector<400x64xf32> to vector<64xf32>
    %reduce_sum3A_45 = arith.constant dense<0.000000e+00> : vector<64xf32>
    %reduce_sum3A_46 = vector.multi_reduction <add>, %add3A_22, %reduce_sum3A_45 [0] : vector<400x64xf32> to vector<64xf32>
    %reduce_sum3A_47 = arith.constant dense<0.000000e+00> : vector<64xf32>
    %reduce_sum3A_48 = vector.multi_reduction <add>, %add3A_35, %reduce_sum3A_47 [0] : vector<400x64xf32> to vector<64xf32>
    %stack3A = vector.shape_cast %reduce_sum3A_44 : vector<64xf32> to vector<1x64xf32>
    %stack3A_49 = vector.shape_cast %reduce_sum3A_46 : vector<64xf32> to vector<1x64xf32>
    %stack3A_50 = vector.shape_cast %reduce_sum3A_48 : vector<64xf32> to vector<1x64xf32>
    %stack3A_51 = tpu.concatenate %stack3A, %stack3A_49, %stack3A_50 in 0 : vector<1x64xf32>, vector<1x64xf32>, vector<1x64xf32> -> vector<3x64xf32>
    %mul3A = arith.mulf %add3A_9, %add3A_9 : vector<400x64xf32>
    %reduce_sum3A_52 = arith.constant dense<0.000000e+00> : vector<64xf32>
    %reduce_sum3A_53 = vector.multi_reduction <add>, %mul3A, %reduce_sum3A_52 [0] : vector<400x64xf32> to vector<64xf32>
    %mul3A_54 = arith.mulf %add3A_22, %add3A_22 : vector<400x64xf32>
    %reduce_sum3A_55 = arith.constant dense<0.000000e+00> : vector<64xf32>
    %reduce_sum3A_56 = vector.multi_reduction <add>, %mul3A_54, %reduce_sum3A_55 [0] : vector<400x64xf32> to vector<64xf32>
    %mul3A_57 = arith.mulf %add3A_35, %add3A_35 : vector<400x64xf32>
    %reduce_sum3A_58 = arith.constant dense<0.000000e+00> : vector<64xf32>
    %reduce_sum3A_59 = vector.multi_reduction <add>, %mul3A_57, %reduce_sum3A_58 [0] : vector<400x64xf32> to vector<64xf32>
    %stack3A_60 = vector.shape_cast %reduce_sum3A_53 : vector<64xf32> to vector<1x64xf32>
    %stack3A_61 = vector.shape_cast %reduce_sum3A_56 : vector<64xf32> to vector<1x64xf32>
    %stack3A_62 = vector.shape_cast %reduce_sum3A_59 : vector<64xf32> to vector<1x64xf32>
    %stack3A_63 = tpu.concatenate %stack3A_60, %stack3A_61, %stack3A_62 in 0 : vector<1x64xf32>, vector<1x64xf32>, vector<1x64xf32> -> vector<3x64xf32>
    %eq3A = arith.constant 0 : i32
    %eq3A_64 = arith.cmpi eq, %arg0, %eq3A : i32
    %convert_element_type3A = arith.extui %eq3A_64 : i1 to i32
    %cond3A = arith.constant 0 : i32
    %cond3A_65 = arith.cmpi ne, %convert_element_type3A, %cond3A : i32
    scf.if %cond3A_65 {
      %swap3A_70 = arith.constant 0 : index
      %swap3A_71 = arith.constant 0 : index
      %swap3A_72 = vector.load %arg13[%swap3A_70, %swap3A_71] : memref<3x64xf32, #tpu.memory_space<vmem>>, vector<3x64xf32>
      tpu.vector_store %arg13[%swap3A_70, %swap3A_71], %stack3A_51 {strides = array<i32>} : memref<3x64xf32, #tpu.memory_space<vmem>>, vector<3x64xf32>,
      %swap3A_73 = arith.constant 0 : index
      %swap3A_74 = arith.constant 0 : index
      %swap3A_75 = vector.load %arg14[%swap3A_73, %swap3A_74] : memref<3x64xf32, #tpu.memory_space<vmem>>, vector<3x64xf32>
      tpu.vector_store %arg14[%swap3A_73, %swap3A_74], %stack3A_63 {strides = array<i32>} : memref<3x64xf32, #tpu.memory_space<vmem>>, vector<3x64xf32>,
    } else {
    }
    %gt3A = arith.constant 0 : i32
    %gt3A_66 = arith.cmpi sgt, %arg0, %gt3A : i32
    %convert_element_type3A_67 = arith.extui %gt3A_66 : i1 to i32
    %cond3A_68 = arith.constant 0 : i32
    %cond3A_69 = arith.cmpi ne, %convert_element_type3A_67, %cond3A_68 : i32
    scf.if %cond3A_69 {
      %get3A_70 = arith.constant 0 : index
      %get3A_71 = arith.constant 0 : index
      %get3A_72 = vector.load %arg13[%get3A_70, %get3A_71] : memref<3x64xf32, #tpu.memory_space<vmem>>, vector<3x64xf32>
      %add3A_73 = arith.addf %get3A_72, %stack3A_51 : vector<3x64xf32>
      %swap3A_74 = arith.constant 0 : index
      %swap3A_75 = arith.constant 0 : index
      %swap3A_76 = vector.load %arg13[%swap3A_74, %swap3A_75] : memref<3x64xf32, #tpu.memory_space<vmem>>, vector<3x64xf32>
      tpu.vector_store %arg13[%swap3A_74, %swap3A_75], %add3A_73 {strides = array<i32>} : memref<3x64xf32, #tpu.memory_space<vmem>>, vector<3x64xf32>,
      %get3A_77 = arith.constant 0 : index
      %get3A_78 = arith.constant 0 : index
      %get3A_79 = vector.load %arg14[%get3A_77, %get3A_78] : memref<3x64xf32, #tpu.memory_space<vmem>>, vector<3x64xf32>
      %add3A_80 = arith.addf %get3A_79, %stack3A_63 : vector<3x64xf32>
      %swap3A_81 = arith.constant 0 : index
      %swap3A_82 = arith.constant 0 : index
      %swap3A_83 = vector.load %arg14[%swap3A_81, %swap3A_82] : memref<3x64xf32, #tpu.memory_space<vmem>>, vector<3x64xf32>
      tpu.vector_store %arg14[%swap3A_81, %swap3A_82], %add3A_80 {strides = array<i32>} : memref<3x64xf32, #tpu.memory_space<vmem>>, vector<3x64xf32>,
    } else {
    }
    return
  }
  func.func @transform_0(%arg0: i32) -> (i32, i32) {
    %c0_i32 = arith.constant 0 : i32
    %c0_i32_0 = arith.constant 0 : i32
    return %arg0, %c0_i32 : i32, i32
  }
  func.func @transform_1(%arg0: i32) -> (i32, i32) {
    %c0_i32 = arith.constant 0 : i32
    %c0_i32_0 = arith.constant 0 : i32
    return %arg0, %c0_i32 : i32, i32
  }
  func.func @transform_2(%arg0: i32) -> (i32, i32) {
    %c0_i32 = arith.constant 0 : i32
    %c0_i32_0 = arith.constant 0 : i32
    return %arg0, %c0_i32 : i32, i32
  }
  func.func @transform_3(%arg0: i32) -> (i32, i32) {
    %c0_i32 = arith.constant 0 : i32
    %c0_i32_0 = arith.constant 0 : i32
    %c0_i32_1 = arith.constant 0 : i32
    return %c0_i32, %c0_i32_0 : i32, i32
  }
  func.func @transform_4(%arg0: i32) -> (i32, i32) {
    %c0_i32 = arith.constant 0 : i32
    %c0_i32_0 = arith.constant 0 : i32
    %c0_i32_1 = arith.constant 0 : i32
    return %c0_i32, %c0_i32_0 : i32, i32
  }
  func.func @transform_5(%arg0: i32) -> (i32, i32) {
    %c0_i32 = arith.constant 0 : i32
    %c0_i32_0 = arith.constant 0 : i32
    %c0_i32_1 = arith.constant 0 : i32
    return %c0_i32, %c0_i32_0 : i32, i32
  }
  func.func @transform_6(%arg0: i32) -> (i32, i32) {
    %c0_i32 = arith.constant 0 : i32
    %c0_i32_0 = arith.constant 0 : i32
    %c0_i32_1 = arith.constant 0 : i32
    return %c0_i32, %c0_i32_0 : i32, i32
  }
  func.func @transform_7(%arg0: i32) -> (i32, i32) {
    %c0_i32 = arith.constant 0 : i32
    %c0_i32_0 = arith.constant 0 : i32
    %c0_i32_1 = arith.constant 0 : i32
    return %c0_i32, %c0_i32_0 : i32, i32
  }
  func.func @transform_8(%arg0: i32) -> (i32, i32) {
    %c0_i32 = arith.constant 0 : i32
    %c0_i32_0 = arith.constant 0 : i32
    %c0_i32_1 = arith.constant 0 : i32
    return %c0_i32, %c0_i32_0 : i32, i32
  }
  func.func @transform_9(%arg0: i32) -> (i32, i32) {
    %c0_i32 = arith.constant 0 : i32
    %c0_i32_0 = arith.constant 0 : i32
    return %arg0, %c0_i32 : i32, i32
  }
  func.func @transform_10(%arg0: i32) -> (i32, i32) {
    %c0_i32 = arith.constant 0 : i32
    %c0_i32_0 = arith.constant 0 : i32
    return %arg0, %c0_i32 : i32, i32
  }
  func.func @transform_11(%arg0: i32) -> (i32, i32) {
    %c0_i32 = arith.constant 0 : i32
    %c0_i32_0 = arith.constant 0 : i32
    return %arg0, %c0_i32 : i32, i32
  }
  func.func @transform_12(%arg0: i32) -> (i32, i32) {
    %c0_i32 = arith.constant 0 : i32
    %c0_i32_0 = arith.constant 0 : i32
    %c0_i32_1 = arith.constant 0 : i32
    return %c0_i32, %c0_i32_0 : i32, i32
  }
  func.func @transform_13(%arg0: i32) -> (i32, i32) {
    %c0_i32 = arith.constant 0 : i32
    %c0_i32_0 = arith.constant 0 : i32
    %c0_i32_1 = arith.constant 0 : i32
    return %c0_i32, %c0_i32_0 : i32, i32
  }
}

module attributes {stable_mosaic.version = 14 : i64} {
  func.func @_p1b_body(%arg0: i32, %arg1: memref<400x64xf32, #tpu.memory_space<vmem>>, %arg2: memref<400x64xf32, #tpu.memory_space<vmem>>, %arg3: memref<400x64xf32, #tpu.memory_space<vmem>>, %arg4: memref<3x64xf32, #tpu.memory_space<vmem>>, %arg5: memref<3x64xf32, #tpu.memory_space<vmem>>, %arg6: memref<3x64xf32, #tpu.memory_space<vmem>>, %arg7: memref<3x64xf32, #tpu.memory_space<vmem>>, %arg8: memref<400x16xf32, #tpu.memory_space<vmem>>, %arg9: memref<400x16xf32, #tpu.memory_space<vmem>>, %arg10: memref<400x16xf32, #tpu.memory_space<vmem>>, %arg11: memref<400x16xf32, #tpu.memory_space<vmem>>) attributes {dimension_semantics = [#tpu.dimension_semantics<arbitrary>], iteration_bounds = array<i64: 125>, scalar_prefetch = 0 : i64, scratch_operands = 0 : i64, tpu.core_type = #tpu.core_type<tc>, window_params = [{transform_indices = @transform_0, window_bounds = array<i64: 400, 64>}, {transform_indices = @transform_1, window_bounds = array<i64: 400, 64>}, {transform_indices = @transform_2, window_bounds = array<i64: 400, 64>}, {pipeline_mode = #tpu.pipeline_mode<synchronous>, transform_indices = @transform_3, window_bounds = array<i64: 3, 64>}, {pipeline_mode = #tpu.pipeline_mode<synchronous>, transform_indices = @transform_4, window_bounds = array<i64: 3, 64>}, {pipeline_mode = #tpu.pipeline_mode<synchronous>, transform_indices = @transform_5, window_bounds = array<i64: 3, 64>}, {pipeline_mode = #tpu.pipeline_mode<synchronous>, transform_indices = @transform_6, window_bounds = array<i64: 3, 64>}, {transform_indices = @transform_7, window_bounds = array<i64: 400, 16>}, {transform_indices = @transform_8, window_bounds = array<i64: 400, 16>}, {transform_indices = @transform_9, window_bounds = array<i64: 400, 16>}, {transform_indices = @transform_10, window_bounds = array<i64: 400, 16>}]} {
    %get3A = arith.constant 0 : index
    %get3A_0 = arith.constant 0 : index
    %get3A_1 = vector.load %arg4[%get3A, %get3A_0] : memref<3x64xf32, #tpu.memory_space<vmem>>, vector<3x64xf32>
    %mul3A = arith.constant 2.000000e-05 : f32
    %mul3A_2 = vector.broadcast %mul3A : f32 to vector<3x64xf32>
    %mul3A_3 = arith.mulf %get3A_1, %mul3A_2 : vector<3x64xf32>
    %get3A_4 = arith.constant 0 : index
    %get3A_5 = arith.constant 0 : index
    %get3A_6 = vector.load %arg5[%get3A_4, %get3A_5] : memref<3x64xf32, #tpu.memory_space<vmem>>, vector<3x64xf32>
    %mul3A_7 = arith.constant 2.000000e-05 : f32
    %mul3A_8 = vector.broadcast %mul3A_7 : f32 to vector<3x64xf32>
    %mul3A_9 = arith.mulf %get3A_6, %mul3A_8 : vector<3x64xf32>
    %mul3A_10 = arith.mulf %mul3A_3, %mul3A_3 : vector<3x64xf32>
    %sub3A = arith.subf %mul3A_9, %mul3A_10 : vector<3x64xf32>
    %add3A = arith.constant 9.99999974E-6 : f32
    %add3A_11 = vector.broadcast %add3A : f32 to vector<3x64xf32>
    %add3A_12 = arith.addf %sub3A, %add3A_11 : vector<3x64xf32>
    %rsqrt3A = math.rsqrt %add3A_12 : vector<3x64xf32>
    %get3A_13 = arith.constant 0 : index
    %get3A_14 = arith.constant 0 : index
    %get3A_15 = vector.load %arg6[%get3A_13, %get3A_14] : memref<3x64xf32, #tpu.memory_space<vmem>>, vector<3x64xf32>
    %mul3A_16 = arith.mulf %rsqrt3A, %get3A_15 : vector<3x64xf32>
    %broadcast_in_dim3A = arith.constant 0.000000e+00 : f32
    %broadcast_in_dim3A_17 = vector.broadcast %broadcast_in_dim3A : f32 to vector<400x64xf32>
    %get3A_18 = arith.constant 0 : index
    %get3A_19 = arith.constant 0 : index
    %get3A_20 = vector.load %arg1[%get3A_18, %get3A_19] : memref<400x64xf32, #tpu.memory_space<vmem>>, vector<400x64xf32>
    %slice3A = vector.extract_strided_slice %mul3A_3 {offsets = [0, 0], sizes = [1, 64], strides = [1, 1]} : vector<3x64xf32> to vector<1x64xf32>
    %squeeze3A = vector.shape_cast %slice3A : vector<1x64xf32> to vector<64xf32>
    %broadcast_in_dim3A_21 = vector.shape_cast %squeeze3A : vector<64xf32> to vector<1x64xf32>
    %sub3A_22 = vector.broadcast %broadcast_in_dim3A_21 : vector<1x64xf32> to vector<400x64xf32>
    %sub3A_23 = arith.subf %get3A_20, %sub3A_22 : vector<400x64xf32>
    %slice3A_24 = vector.extract_strided_slice %mul3A_16 {offsets = [0, 0], sizes = [1, 64], strides = [1, 1]} : vector<3x64xf32> to vector<1x64xf32>
    %squeeze3A_25 = vector.shape_cast %slice3A_24 : vector<1x64xf32> to vector<64xf32>
    %broadcast_in_dim3A_26 = vector.shape_cast %squeeze3A_25 : vector<64xf32> to vector<1x64xf32>
    %mul3A_27 = vector.broadcast %broadcast_in_dim3A_26 : vector<1x64xf32> to vector<400x64xf32>
    %mul3A_28 = arith.mulf %sub3A_23, %mul3A_27 : vector<400x64xf32>
    %get3A_29 = arith.constant 0 : index
    %get3A_30 = arith.constant 0 : index
    %get3A_31 = vector.load %arg7[%get3A_29, %get3A_30] : memref<3x64xf32, #tpu.memory_space<vmem>>, vector<1x64xf32>
    %get3A_32 = vector.shape_cast %get3A_31 : vector<1x64xf32> to vector<64xf32>
    %broadcast_in_dim3A_33 = vector.shape_cast %get3A_32 : vector<64xf32> to vector<1x64xf32>
    %add3A_34 = vector.broadcast %broadcast_in_dim3A_33 : vector<1x64xf32> to vector<400x64xf32>
    %add3A_35 = arith.addf %mul3A_28, %add3A_34 : vector<400x64xf32>
    %ge3A = arith.constant 0.000000e+00 : f32
    %ge3A_36 = vector.broadcast %ge3A : f32 to vector<400x64xf32>
    %ge3A_37 = arith.cmpf oge, %add3A_35, %ge3A_36 : vector<400x64xf32>
    %mul3A_38 = arith.constant 0.00999999977 : f32
    %mul3A_39 = vector.broadcast %mul3A_38 : f32 to vector<400x64xf32>
    %mul3A_40 = arith.mulf %mul3A_39, %add3A_35 : vector<400x64xf32>
    %select_n3A = arith.select %ge3A_37, %add3A_35, %mul3A_40 : vector<400x64xi1>, vector<400x64xf32>
    %add3A_41 = arith.addf %broadcast_in_dim3A_17, %select_n3A : vector<400x64xf32>
    %get3A_42 = arith.constant 0 : index
    %get3A_43 = arith.constant 0 : index
    %get3A_44 = vector.load %arg2[%get3A_42, %get3A_43] : memref<400x64xf32, #tpu.memory_space<vmem>>, vector<400x64xf32>
    %slice3A_45 = vector.extract_strided_slice %mul3A_3 {offsets = [1, 0], sizes = [1, 64], strides = [1, 1]} : vector<3x64xf32> to vector<1x64xf32>
    %squeeze3A_46 = vector.shape_cast %slice3A_45 : vector<1x64xf32> to vector<64xf32>
    %broadcast_in_dim3A_47 = vector.shape_cast %squeeze3A_46 : vector<64xf32> to vector<1x64xf32>
    %sub3A_48 = vector.broadcast %broadcast_in_dim3A_47 : vector<1x64xf32> to vector<400x64xf32>
    %sub3A_49 = arith.subf %get3A_44, %sub3A_48 : vector<400x64xf32>
    %slice3A_50 = vector.extract_strided_slice %mul3A_16 {offsets = [1, 0], sizes = [1, 64], strides = [1, 1]} : vector<3x64xf32> to vector<1x64xf32>
    %squeeze3A_51 = vector.shape_cast %slice3A_50 : vector<1x64xf32> to vector<64xf32>
    %broadcast_in_dim3A_52 = vector.shape_cast %squeeze3A_51 : vector<64xf32> to vector<1x64xf32>
    %mul3A_53 = vector.broadcast %broadcast_in_dim3A_52 : vector<1x64xf32> to vector<400x64xf32>
    %mul3A_54 = arith.mulf %sub3A_49, %mul3A_53 : vector<400x64xf32>
    %get3A_55 = arith.constant 1 : index
    %get3A_56 = arith.constant 0 : index
    %get3A_57 = vector.load %arg7[%get3A_55, %get3A_56] : memref<3x64xf32, #tpu.memory_space<vmem>>, vector<1x64xf32>
    %get3A_58 = vector.shape_cast %get3A_57 : vector<1x64xf32> to vector<64xf32>
    %broadcast_in_dim3A_59 = vector.shape_cast %get3A_58 : vector<64xf32> to vector<1x64xf32>
    %add3A_60 = vector.broadcast %broadcast_in_dim3A_59 : vector<1x64xf32> to vector<400x64xf32>
    %add3A_61 = arith.addf %mul3A_54, %add3A_60 : vector<400x64xf32>
    %ge3A_62 = arith.constant 0.000000e+00 : f32
    %ge3A_63 = vector.broadcast %ge3A_62 : f32 to vector<400x64xf32>
    %ge3A_64 = arith.cmpf oge, %add3A_61, %ge3A_63 : vector<400x64xf32>
    %mul3A_65 = arith.constant 0.00999999977 : f32
    %mul3A_66 = vector.broadcast %mul3A_65 : f32 to vector<400x64xf32>
    %mul3A_67 = arith.mulf %mul3A_66, %add3A_61 : vector<400x64xf32>
    %select_n3A_68 = arith.select %ge3A_64, %add3A_61, %mul3A_67 : vector<400x64xi1>, vector<400x64xf32>
    %add3A_69 = arith.addf %add3A_41, %select_n3A_68 : vector<400x64xf32>
    %get3A_70 = arith.constant 0 : index
    %get3A_71 = arith.constant 0 : index
    %get3A_72 = vector.load %arg3[%get3A_70, %get3A_71] : memref<400x64xf32, #tpu.memory_space<vmem>>, vector<400x64xf32>
    %slice3A_73 = vector.extract_strided_slice %mul3A_3 {offsets = [2, 0], sizes = [1, 64], strides = [1, 1]} : vector<3x64xf32> to vector<1x64xf32>
    %squeeze3A_74 = vector.shape_cast %slice3A_73 : vector<1x64xf32> to vector<64xf32>
    %broadcast_in_dim3A_75 = vector.shape_cast %squeeze3A_74 : vector<64xf32> to vector<1x64xf32>
    %sub3A_76 = vector.broadcast %broadcast_in_dim3A_75 : vector<1x64xf32> to vector<400x64xf32>
    %sub3A_77 = arith.subf %get3A_72, %sub3A_76 : vector<400x64xf32>
    %slice3A_78 = vector.extract_strided_slice %mul3A_16 {offsets = [2, 0], sizes = [1, 64], strides = [1, 1]} : vector<3x64xf32> to vector<1x64xf32>
    %squeeze3A_79 = vector.shape_cast %slice3A_78 : vector<1x64xf32> to vector<64xf32>
    %broadcast_in_dim3A_80 = vector.shape_cast %squeeze3A_79 : vector<64xf32> to vector<1x64xf32>
    %mul3A_81 = vector.broadcast %broadcast_in_dim3A_80 : vector<1x64xf32> to vector<400x64xf32>
    %mul3A_82 = arith.mulf %sub3A_77, %mul3A_81 : vector<400x64xf32>
    %get3A_83 = arith.constant 2 : index
    %get3A_84 = arith.constant 0 : index
    %get3A_85 = vector.load %arg7[%get3A_83, %get3A_84] : memref<3x64xf32, #tpu.memory_space<vmem>>, vector<1x64xf32>
    %get3A_86 = vector.shape_cast %get3A_85 : vector<1x64xf32> to vector<64xf32>
    %broadcast_in_dim3A_87 = vector.shape_cast %get3A_86 : vector<64xf32> to vector<1x64xf32>
    %add3A_88 = vector.broadcast %broadcast_in_dim3A_87 : vector<1x64xf32> to vector<400x64xf32>
    %add3A_89 = arith.addf %mul3A_82, %add3A_88 : vector<400x64xf32>
    %ge3A_90 = arith.constant 0.000000e+00 : f32
    %ge3A_91 = vector.broadcast %ge3A_90 : f32 to vector<400x64xf32>
    %ge3A_92 = arith.cmpf oge, %add3A_89, %ge3A_91 : vector<400x64xf32>
    %mul3A_93 = arith.constant 0.00999999977 : f32
    %mul3A_94 = vector.broadcast %mul3A_93 : f32 to vector<400x64xf32>
    %mul3A_95 = arith.mulf %mul3A_94, %add3A_89 : vector<400x64xf32>
    %select_n3A_96 = arith.select %ge3A_92, %add3A_89, %mul3A_95 : vector<400x64xi1>, vector<400x64xf32>
    %add3A_97 = arith.addf %add3A_69, %select_n3A_96 : vector<400x64xf32>
    %slice3A_98 = vector.extract_strided_slice %add3A_97 {offsets = [0, 0], sizes = [400, 16], strides = [1, 1]} : vector<400x64xf32> to vector<400x16xf32>
    %swap3A = arith.constant 0 : index
    %swap3A_99 = arith.constant 0 : index
    %swap3A_100 = vector.load %arg8[%swap3A, %swap3A_99] : memref<400x16xf32, #tpu.memory_space<vmem>>, vector<400x16xf32>
    tpu.vector_store %arg8[%swap3A, %swap3A_99], %slice3A_98 {strides = array<i32>} : memref<400x16xf32, #tpu.memory_space<vmem>>, vector<400x16xf32>,
    %slice3A_101 = vector.extract_strided_slice %add3A_97 {offsets = [0, 16], sizes = [400, 16], strides = [1, 1]} : vector<400x64xf32> to vector<400x16xf32>
    %swap3A_102 = arith.constant 0 : index
    %swap3A_103 = arith.constant 0 : index
    %swap3A_104 = vector.load %arg9[%swap3A_102, %swap3A_103] : memref<400x16xf32, #tpu.memory_space<vmem>>, vector<400x16xf32>
    tpu.vector_store %arg9[%swap3A_102, %swap3A_103], %slice3A_101 {strides = array<i32>} : memref<400x16xf32, #tpu.memory_space<vmem>>, vector<400x16xf32>,
    %slice3A_105 = vector.extract_strided_slice %add3A_97 {offsets = [0, 32], sizes = [400, 16], strides = [1, 1]} : vector<400x64xf32> to vector<400x16xf32>
    %swap3A_106 = arith.constant 0 : index
    %swap3A_107 = arith.constant 0 : index
    %swap3A_108 = vector.load %arg10[%swap3A_106, %swap3A_107] : memref<400x16xf32, #tpu.memory_space<vmem>>, vector<400x16xf32>
    tpu.vector_store %arg10[%swap3A_106, %swap3A_107], %slice3A_105 {strides = array<i32>} : memref<400x16xf32, #tpu.memory_space<vmem>>, vector<400x16xf32>,
    %slice3A_109 = vector.extract_strided_slice %add3A_97 {offsets = [0, 48], sizes = [400, 16], strides = [1, 1]} : vector<400x64xf32> to vector<400x16xf32>
    %swap3A_110 = arith.constant 0 : index
    %swap3A_111 = arith.constant 0 : index
    %swap3A_112 = vector.load %arg11[%swap3A_110, %swap3A_111] : memref<400x16xf32, #tpu.memory_space<vmem>>, vector<400x16xf32>
    tpu.vector_store %arg11[%swap3A_110, %swap3A_111], %slice3A_109 {strides = array<i32>} : memref<400x16xf32, #tpu.memory_space<vmem>>, vector<400x16xf32>,
    return
  }
  func.func @transform_0(%arg0: i32) -> (i32, i32) {
    %c0_i32 = arith.constant 0 : i32
    %c0_i32_0 = arith.constant 0 : i32
    return %arg0, %c0_i32 : i32, i32
  }
  func.func @transform_1(%arg0: i32) -> (i32, i32) {
    %c0_i32 = arith.constant 0 : i32
    %c0_i32_0 = arith.constant 0 : i32
    return %arg0, %c0_i32 : i32, i32
  }
  func.func @transform_2(%arg0: i32) -> (i32, i32) {
    %c0_i32 = arith.constant 0 : i32
    %c0_i32_0 = arith.constant 0 : i32
    return %arg0, %c0_i32 : i32, i32
  }
  func.func @transform_3(%arg0: i32) -> (i32, i32) {
    %c0_i32 = arith.constant 0 : i32
    %c0_i32_0 = arith.constant 0 : i32
    %c0_i32_1 = arith.constant 0 : i32
    return %c0_i32, %c0_i32_0 : i32, i32
  }
  func.func @transform_4(%arg0: i32) -> (i32, i32) {
    %c0_i32 = arith.constant 0 : i32
    %c0_i32_0 = arith.constant 0 : i32
    %c0_i32_1 = arith.constant 0 : i32
    return %c0_i32, %c0_i32_0 : i32, i32
  }
  func.func @transform_5(%arg0: i32) -> (i32, i32) {
    %c0_i32 = arith.constant 0 : i32
    %c0_i32_0 = arith.constant 0 : i32
    %c0_i32_1 = arith.constant 0 : i32
    return %c0_i32, %c0_i32_0 : i32, i32
  }
  func.func @transform_6(%arg0: i32) -> (i32, i32) {
    %c0_i32 = arith.constant 0 : i32
    %c0_i32_0 = arith.constant 0 : i32
    %c0_i32_1 = arith.constant 0 : i32
    return %c0_i32, %c0_i32_0 : i32, i32
  }
  func.func @transform_7(%arg0: i32) -> (i32, i32) {
    %c0_i32 = arith.constant 0 : i32
    %c0_i32_0 = arith.constant 0 : i32
    return %arg0, %c0_i32 : i32, i32
  }
  func.func @transform_8(%arg0: i32) -> (i32, i32) {
    %c0_i32 = arith.constant 0 : i32
    %c0_i32_0 = arith.constant 0 : i32
    return %arg0, %c0_i32 : i32, i32
  }
  func.func @transform_9(%arg0: i32) -> (i32, i32) {
    %c0_i32 = arith.constant 0 : i32
    %c0_i32_0 = arith.constant 0 : i32
    return %arg0, %c0_i32 : i32, i32
  }
  func.func @transform_10(%arg0: i32) -> (i32, i32) {
    %c0_i32 = arith.constant 0 : i32
    %c0_i32_0 = arith.constant 0 : i32
    return %arg0, %c0_i32 : i32, i32
  }
}

module attributes {stable_mosaic.version = 14 : i64} {
  func.func @_p3_body(%arg0: i32, %arg1: memref<1x2x400x16xf32, #tpu.memory_space<vmem>>, %arg2: memref<1x2x400x16xf32, #tpu.memory_space<vmem>>, %arg3: memref<1x2x400x16xf32, #tpu.memory_space<vmem>>, %arg4: memref<1x2x400x16xf32, #tpu.memory_space<vmem>>, %arg5: memref<1x2x400x16xf32, #tpu.memory_space<vmem>>, %arg6: memref<64x64xf32, #tpu.memory_space<vmem>>, %arg7: memref<64x64xf32, #tpu.memory_space<vmem>>, %arg8: memref<64x32xf32, #tpu.memory_space<vmem>>, %arg9: memref<1x32xf32, #tpu.memory_space<vmem>>, %arg10: memref<32x2xf32, #tpu.memory_space<vmem>>, %arg11: memref<1x2xf32, #tpu.memory_space<vmem>>, %arg12: memref<400x2xf32, #tpu.memory_space<vmem>>) attributes {dimension_semantics = [#tpu.dimension_semantics<arbitrary>], iteration_bounds = array<i64: 125>, scalar_prefetch = 0 : i64, scratch_operands = 0 : i64, tpu.core_type = #tpu.core_type<tc>, window_params = [{transform_indices = @transform_0, window_bounds = array<i64: 1, 2, 400, 16>}, {transform_indices = @transform_1, window_bounds = array<i64: 1, 2, 400, 16>}, {transform_indices = @transform_2, window_bounds = array<i64: 1, 2, 400, 16>}, {transform_indices = @transform_3, window_bounds = array<i64: 1, 2, 400, 16>}, {transform_indices = @transform_4, window_bounds = array<i64: 1, 2, 400, 16>}, {pipeline_mode = #tpu.pipeline_mode<synchronous>, transform_indices = @transform_5, window_bounds = array<i64: 64, 64>}, {pipeline_mode = #tpu.pipeline_mode<synchronous>, transform_indices = @transform_6, window_bounds = array<i64: 64, 64>}, {pipeline_mode = #tpu.pipeline_mode<synchronous>, transform_indices = @transform_7, window_bounds = array<i64: 64, 32>}, {pipeline_mode = #tpu.pipeline_mode<synchronous>, transform_indices = @transform_8, window_bounds = array<i64: 1, 32>}, {pipeline_mode = #tpu.pipeline_mode<synchronous>, transform_indices = @transform_9, window_bounds = array<i64: 32, 2>}, {pipeline_mode = #tpu.pipeline_mode<synchronous>, transform_indices = @transform_10, window_bounds = array<i64: 1, 2>}, {transform_indices = @transform_11, window_bounds = array<i64: 400, 2>}]} {
    %get3A = arith.constant 0 : index
    %get3A_0 = arith.constant 0 : index
    %get3A_1 = arith.constant 0 : index
    %get3A_2 = arith.constant 0 : index
    %get3A_3 = vector.load %arg1[%get3A, %get3A_0, %get3A_1, %get3A_2] : memref<1x2x400x16xf32, #tpu.memory_space<vmem>>, vector<1x2x400x16xf32>
    %get3A_4 = vector.shape_cast %get3A_3 : vector<1x2x400x16xf32> to vector<2x400x16xf32>
    %get3A_5 = arith.constant 0 : index
    %get3A_6 = arith.constant 0 : index
    %get3A_7 = arith.constant 0 : index
    %get3A_8 = arith.constant 0 : index
    %get3A_9 = vector.load %arg2[%get3A_5, %get3A_6, %get3A_7, %get3A_8] : memref<1x2x400x16xf32, #tpu.memory_space<vmem>>, vector<1x2x400x16xf32>
    %get3A_10 = vector.shape_cast %get3A_9 : vector<1x2x400x16xf32> to vector<2x400x16xf32>
    %get3A_11 = arith.constant 0 : index
    %get3A_12 = arith.constant 0 : index
    %get3A_13 = arith.constant 0 : index
    %get3A_14 = arith.constant 0 : index
    %get3A_15 = vector.load %arg3[%get3A_11, %get3A_12, %get3A_13, %get3A_14] : memref<1x2x400x16xf32, #tpu.memory_space<vmem>>, vector<1x2x400x16xf32>
    %get3A_16 = vector.shape_cast %get3A_15 : vector<1x2x400x16xf32> to vector<2x400x16xf32>
    %get3A_17 = arith.constant 0 : index
    %get3A_18 = arith.constant 0 : index
    %get3A_19 = arith.constant 0 : index
    %get3A_20 = arith.constant 0 : index
    %get3A_21 = vector.load %arg4[%get3A_17, %get3A_18, %get3A_19, %get3A_20] : memref<1x2x400x16xf32, #tpu.memory_space<vmem>>, vector<1x2x400x16xf32>
    %get3A_22 = vector.shape_cast %get3A_21 : vector<1x2x400x16xf32> to vector<2x400x16xf32>
    %get3A_23 = arith.constant 0 : index
    %get3A_24 = arith.constant 0 : index
    %get3A_25 = arith.constant 0 : index
    %get3A_26 = arith.constant 0 : index
    %get3A_27 = vector.load %arg5[%get3A_23, %get3A_24, %get3A_25, %get3A_26] : memref<1x2x400x16xf32, #tpu.memory_space<vmem>>, vector<1x2x400x16xf32>
    %get3A_28 = vector.shape_cast %get3A_27 : vector<1x2x400x16xf32> to vector<2x400x16xf32>
    %slice3A = vector.extract_strided_slice %get3A_4 {offsets = [0, 0, 0], sizes = [1, 400, 16], strides = [1, 1, 1]} : vector<2x400x16xf32> to vector<1x400x16xf32>
    %squeeze3A = vector.shape_cast %slice3A : vector<1x400x16xf32> to vector<400x16xf32>
    %slice3A_29 = vector.extract_strided_slice %get3A_10 {offsets = [0, 0, 0], sizes = [1, 400, 16], strides = [1, 1, 1]} : vector<2x400x16xf32> to vector<1x400x16xf32>
    %squeeze3A_30 = vector.shape_cast %slice3A_29 : vector<1x400x16xf32> to vector<400x16xf32>
    %slice3A_31 = vector.extract_strided_slice %get3A_16 {offsets = [0, 0, 0], sizes = [1, 400, 16], strides = [1, 1, 1]} : vector<2x400x16xf32> to vector<1x400x16xf32>
    %squeeze3A_32 = vector.shape_cast %slice3A_31 : vector<1x400x16xf32> to vector<400x16xf32>
    %slice3A_33 = vector.extract_strided_slice %get3A_22 {offsets = [0, 0, 0], sizes = [1, 400, 16], strides = [1, 1, 1]} : vector<2x400x16xf32> to vector<1x400x16xf32>
    %squeeze3A_34 = vector.shape_cast %slice3A_33 : vector<1x400x16xf32> to vector<400x16xf32>
    %concatenate3A = tpu.concatenate %squeeze3A, %squeeze3A_30, %squeeze3A_32, %squeeze3A_34 in 1 : vector<400x16xf32>, vector<400x16xf32>, vector<400x16xf32>, vector<400x16xf32> -> vector<400x64xf32>
    %slice3A_35 = vector.extract_strided_slice %get3A_28 {offsets = [0, 0, 0], sizes = [1, 400, 16], strides = [1, 1, 1]} : vector<2x400x16xf32> to vector<1x400x16xf32>
    %squeeze3A_36 = vector.shape_cast %slice3A_35 : vector<1x400x16xf32> to vector<400x16xf32>
    %slice3A_37 = vector.extract_strided_slice %squeeze3A_36 {offsets = [0, 0], sizes = [400, 1], strides = [1, 1]} : vector<400x16xf32> to vector<400x1xf32>
    %max3A = arith.constant 1.000000e+00 : f32
    %max3A_38 = vector.broadcast %max3A : f32 to vector<400x1xf32>
    %max3A_39 = arith.maximumf %slice3A_37, %max3A_38 : vector<400x1xf32>
    %get3A_40 = arith.constant 0 : index
    %get3A_41 = arith.constant 0 : index
    %get3A_42 = vector.load %arg6[%get3A_40, %get3A_41] : memref<64x64xf32, #tpu.memory_space<vmem>>, vector<64x64xf32>
    %dot_general3A = arith.constant dense<0.000000e+00> : vector<400x64xf32>
    %dot_general3A_43 = tpu.matmul %concatenate3A, %get3A_42, %dot_general3A {dimension_numbers = #tpu.dot_dimension_numbers<[1], [0], [0], [1], [0, 0, 1, 1], [], []>, precision = #tpu.contract_precision<fp32>, transpose_lhs_hint = false} : vector<400x64xf32>, vector<64x64xf32>, vector<400x64xf32> -> vector<400x64xf32>
    %div3A = vector.broadcast %max3A_39 : vector<400x1xf32> to vector<400x64xf32>
    %div3A_44 = arith.divf %dot_general3A_43, %div3A : vector<400x64xf32>
    %slice3A_45 = vector.extract_strided_slice %get3A_4 {offsets = [1, 0, 0], sizes = [1, 400, 16], strides = [1, 1, 1]} : vector<2x400x16xf32> to vector<1x400x16xf32>
    %squeeze3A_46 = vector.shape_cast %slice3A_45 : vector<1x400x16xf32> to vector<400x16xf32>
    %slice3A_47 = vector.extract_strided_slice %get3A_10 {offsets = [1, 0, 0], sizes = [1, 400, 16], strides = [1, 1, 1]} : vector<2x400x16xf32> to vector<1x400x16xf32>
    %squeeze3A_48 = vector.shape_cast %slice3A_47 : vector<1x400x16xf32> to vector<400x16xf32>
    %slice3A_49 = vector.extract_strided_slice %get3A_16 {offsets = [1, 0, 0], sizes = [1, 400, 16], strides = [1, 1, 1]} : vector<2x400x16xf32> to vector<1x400x16xf32>
    %squeeze3A_50 = vector.shape_cast %slice3A_49 : vector<1x400x16xf32> to vector<400x16xf32>
    %slice3A_51 = vector.extract_strided_slice %get3A_22 {offsets = [1, 0, 0], sizes = [1, 400, 16], strides = [1, 1, 1]} : vector<2x400x16xf32> to vector<1x400x16xf32>
    %squeeze3A_52 = vector.shape_cast %slice3A_51 : vector<1x400x16xf32> to vector<400x16xf32>
    %concatenate3A_53 = tpu.concatenate %squeeze3A_46, %squeeze3A_48, %squeeze3A_50, %squeeze3A_52 in 1 : vector<400x16xf32>, vector<400x16xf32>, vector<400x16xf32>, vector<400x16xf32> -> vector<400x64xf32>
    %slice3A_54 = vector.extract_strided_slice %get3A_28 {offsets = [1, 0, 0], sizes = [1, 400, 16], strides = [1, 1, 1]} : vector<2x400x16xf32> to vector<1x400x16xf32>
    %squeeze3A_55 = vector.shape_cast %slice3A_54 : vector<1x400x16xf32> to vector<400x16xf32>
    %slice3A_56 = vector.extract_strided_slice %squeeze3A_55 {offsets = [0, 0], sizes = [400, 1], strides = [1, 1]} : vector<400x16xf32> to vector<400x1xf32>
    %max3A_57 = arith.constant 1.000000e+00 : f32
    %max3A_58 = vector.broadcast %max3A_57 : f32 to vector<400x1xf32>
    %max3A_59 = arith.maximumf %slice3A_56, %max3A_58 : vector<400x1xf32>
    %get3A_60 = arith.constant 0 : index
    %get3A_61 = arith.constant 0 : index
    %get3A_62 = vector.load %arg7[%get3A_60, %get3A_61] : memref<64x64xf32, #tpu.memory_space<vmem>>, vector<64x64xf32>
    %dot_general3A_63 = arith.constant dense<0.000000e+00> : vector<400x64xf32>
    %dot_general3A_64 = tpu.matmul %concatenate3A_53, %get3A_62, %dot_general3A_63 {dimension_numbers = #tpu.dot_dimension_numbers<[1], [0], [0], [1], [0, 0, 1, 1], [], []>, precision = #tpu.contract_precision<fp32>, transpose_lhs_hint = false} : vector<400x64xf32>, vector<64x64xf32>, vector<400x64xf32> -> vector<400x64xf32>
    %div3A_65 = vector.broadcast %max3A_59 : vector<400x1xf32> to vector<400x64xf32>
    %div3A_66 = arith.divf %dot_general3A_64, %div3A_65 : vector<400x64xf32>
    %add3A = arith.addf %div3A_44, %div3A_66 : vector<400x64xf32>
    %mul3A = arith.constant 5.000000e-01 : f32
    %mul3A_67 = vector.broadcast %mul3A : f32 to vector<400x64xf32>
    %mul3A_68 = arith.mulf %add3A, %mul3A_67 : vector<400x64xf32>
    %ge3A = arith.constant 0.000000e+00 : f32
    %ge3A_69 = vector.broadcast %ge3A : f32 to vector<400x64xf32>
    %ge3A_70 = arith.cmpf oge, %mul3A_68, %ge3A_69 : vector<400x64xf32>
    %mul3A_71 = arith.constant 0.00999999977 : f32
    %mul3A_72 = vector.broadcast %mul3A_71 : f32 to vector<400x64xf32>
    %mul3A_73 = arith.mulf %mul3A_72, %mul3A_68 : vector<400x64xf32>
    %select_n3A = arith.select %ge3A_70, %mul3A_68, %mul3A_73 : vector<400x64xi1>, vector<400x64xf32>
    %get3A_74 = arith.constant 0 : index
    %get3A_75 = arith.constant 0 : index
    %get3A_76 = vector.load %arg8[%get3A_74, %get3A_75] : memref<64x32xf32, #tpu.memory_space<vmem>>, vector<64x32xf32>
    %dot_general3A_77 = arith.constant dense<0.000000e+00> : vector<400x32xf32>
    %dot_general3A_78 = tpu.matmul %select_n3A, %get3A_76, %dot_general3A_77 {dimension_numbers = #tpu.dot_dimension_numbers<[1], [0], [0], [1], [0, 0, 1, 1], [], []>, precision = #tpu.contract_precision<fp32>, transpose_lhs_hint = false} : vector<400x64xf32>, vector<64x32xf32>, vector<400x32xf32> -> vector<400x32xf32>
    %get3A_79 = arith.constant 0 : index
    %get3A_80 = arith.constant 0 : index
    %get3A_81 = vector.load %arg9[%get3A_79, %get3A_80] : memref<1x32xf32, #tpu.memory_space<vmem>>, vector<1x32xf32>
    %add3A_82 = vector.broadcast %get3A_81 : vector<1x32xf32> to vector<400x32xf32>
    %add3A_83 = arith.addf %dot_general3A_78, %add3A_82 : vector<400x32xf32>
    %ge3A_84 = arith.constant 0.000000e+00 : f32
    %ge3A_85 = vector.broadcast %ge3A_84 : f32 to vector<400x32xf32>
    %ge3A_86 = arith.cmpf oge, %add3A_83, %ge3A_85 : vector<400x32xf32>
    %mul3A_87 = arith.constant 0.00999999977 : f32
    %mul3A_88 = vector.broadcast %mul3A_87 : f32 to vector<400x32xf32>
    %mul3A_89 = arith.mulf %mul3A_88, %add3A_83 : vector<400x32xf32>
    %select_n3A_90 = arith.select %ge3A_86, %add3A_83, %mul3A_89 : vector<400x32xi1>, vector<400x32xf32>
    %get3A_91 = arith.constant 0 : index
    %get3A_92 = arith.constant 0 : index
    %get3A_93 = vector.load %arg10[%get3A_91, %get3A_92] : memref<32x2xf32, #tpu.memory_space<vmem>>, vector<32x2xf32>
    %dot_general3A_94 = arith.constant dense<0.000000e+00> : vector<400x2xf32>
    %dot_general3A_95 = tpu.matmul %select_n3A_90, %get3A_93, %dot_general3A_94 {dimension_numbers = #tpu.dot_dimension_numbers<[1], [0], [0], [1], [0, 0, 1, 1], [], []>, precision = #tpu.contract_precision<fp32>, transpose_lhs_hint = false} : vector<400x32xf32>, vector<32x2xf32>, vector<400x2xf32> -> vector<400x2xf32>
    %get3A_96 = arith.constant 0 : index
    %get3A_97 = arith.constant 0 : index
    %get3A_98 = vector.load %arg11[%get3A_96, %get3A_97] : memref<1x2xf32, #tpu.memory_space<vmem>>, vector<1x2xf32>
    %add3A_99 = vector.broadcast %get3A_98 : vector<1x2xf32> to vector<400x2xf32>
    %add3A_100 = arith.addf %dot_general3A_95, %add3A_99 : vector<400x2xf32>
    %swap3A = arith.constant 0 : index
    %swap3A_101 = arith.constant 0 : index
    %swap3A_102 = vector.load %arg12[%swap3A, %swap3A_101] : memref<400x2xf32, #tpu.memory_space<vmem>>, vector<400x2xf32>
    tpu.vector_store %arg12[%swap3A, %swap3A_101], %add3A_100 {strides = array<i32>} : memref<400x2xf32, #tpu.memory_space<vmem>>, vector<400x2xf32>,
    return
  }
  func.func @transform_0(%arg0: i32) -> (i32, i32, i32, i32) {
    %jit3A = arith.constant 63 : i32
    %div3A = arith.divsi %arg0, %jit3A : i32
    %sign3A = arith.constant 0 : i32
    %sign3A_0 = arith.cmpi sgt, %arg0, %sign3A : i32
    %sign3A_1 = arith.extui %sign3A_0 : i1 to i32
    %sign3A_2 = arith.constant 0 : i32
    %sign3A_3 = arith.cmpi slt, %arg0, %sign3A_2 : i32
    %sign3A_4 = arith.extui %sign3A_3 : i1 to i32
    %sign3A_5 = arith.subi %sign3A_1, %sign3A_4 : i32
    %sign3A_6 = arith.constant 0 : i32
    %sign3A_7 = arith.cmpi sgt, %jit3A, %sign3A_6 : i32
    %sign3A_8 = arith.extui %sign3A_7 : i1 to i32
    %sign3A_9 = arith.constant 0 : i32
    %sign3A_10 = arith.cmpi slt, %jit3A, %sign3A_9 : i32
    %sign3A_11 = arith.extui %sign3A_10 : i1 to i32
    %sign3A_12 = arith.subi %sign3A_8, %sign3A_11 : i32
    %ne3A = arith.cmpi ne, %sign3A_5, %sign3A_12 : i32
    %rem3A = arith.remsi %arg0, %jit3A : i32
    %ne3A_13 = arith.constant 0 : i32
    %ne3A_14 = arith.cmpi ne, %rem3A, %ne3A_13 : i32
    %and3A = arith.andi %ne3A, %ne3A_14 : i1
    %sub3A = arith.constant 1 : i32
    %sub3A_15 = arith.subi %div3A, %sub3A : i32
    %select_n3A = arith.select %and3A, %sub3A_15, %div3A : i32
    %jit3A_16 = arith.constant 63 : i32
    %eq3A = arith.constant 0 : i32
    %eq3A_17 = arith.cmpi eq, %jit3A_16, %eq3A : i32
    %jit3A_18 = arith.constant 1 : i32
    %select_n3A_19 = arith.select %eq3A_17, %jit3A_18, %jit3A_16 : i32
    %rem3A_20 = arith.remsi %arg0, %select_n3A_19 : i32
    %ne3A_21 = arith.constant 0 : i32
    %ne3A_22 = arith.cmpi ne, %rem3A_20, %ne3A_21 : i32
    %lt3A = arith.constant 0 : i32
    %lt3A_23 = arith.cmpi slt, %rem3A_20, %lt3A : i32
    %lt3A_24 = arith.constant 0 : i32
    %lt3A_25 = arith.cmpi slt, %select_n3A_19, %lt3A_24 : i32
    %ne3A_26 = arith.xori %lt3A_23, %lt3A_25 : i1
    %and3A_27 = arith.andi %ne3A_26, %ne3A_22 : i1
    %add3A = arith.addi %rem3A_20, %select_n3A_19 : i32
    %select_n3A_28 = arith.select %and3A_27, %add3A, %rem3A_20 : i32
    %c0_i32 = arith.constant 0 : i32
    %c0_i32_29 = arith.constant 0 : i32
    %c0_i32_30 = arith.constant 0 : i32
    return %select_n3A, %c0_i32, %select_n3A_28, %c0_i32_29 : i32, i32, i32, i32
  }
  func.func @transform_1(%arg0: i32) -> (i32, i32, i32, i32) {
    %jit3A = arith.constant 63 : i32
    %div3A = arith.divsi %arg0, %jit3A : i32
    %sign3A = arith.constant 0 : i32
    %sign3A_0 = arith.cmpi sgt, %arg0, %sign3A : i32
    %sign3A_1 = arith.extui %sign3A_0 : i1 to i32
    %sign3A_2 = arith.constant 0 : i32
    %sign3A_3 = arith.cmpi slt, %arg0, %sign3A_2 : i32
    %sign3A_4 = arith.extui %sign3A_3 : i1 to i32
    %sign3A_5 = arith.subi %sign3A_1, %sign3A_4 : i32
    %sign3A_6 = arith.constant 0 : i32
    %sign3A_7 = arith.cmpi sgt, %jit3A, %sign3A_6 : i32
    %sign3A_8 = arith.extui %sign3A_7 : i1 to i32
    %sign3A_9 = arith.constant 0 : i32
    %sign3A_10 = arith.cmpi slt, %jit3A, %sign3A_9 : i32
    %sign3A_11 = arith.extui %sign3A_10 : i1 to i32
    %sign3A_12 = arith.subi %sign3A_8, %sign3A_11 : i32
    %ne3A = arith.cmpi ne, %sign3A_5, %sign3A_12 : i32
    %rem3A = arith.remsi %arg0, %jit3A : i32
    %ne3A_13 = arith.constant 0 : i32
    %ne3A_14 = arith.cmpi ne, %rem3A, %ne3A_13 : i32
    %and3A = arith.andi %ne3A, %ne3A_14 : i1
    %sub3A = arith.constant 1 : i32
    %sub3A_15 = arith.subi %div3A, %sub3A : i32
    %select_n3A = arith.select %and3A, %sub3A_15, %div3A : i32
    %jit3A_16 = arith.constant 63 : i32
    %eq3A = arith.constant 0 : i32
    %eq3A_17 = arith.cmpi eq, %jit3A_16, %eq3A : i32
    %jit3A_18 = arith.constant 1 : i32
    %select_n3A_19 = arith.select %eq3A_17, %jit3A_18, %jit3A_16 : i32
    %rem3A_20 = arith.remsi %arg0, %select_n3A_19 : i32
    %ne3A_21 = arith.constant 0 : i32
    %ne3A_22 = arith.cmpi ne, %rem3A_20, %ne3A_21 : i32
    %lt3A = arith.constant 0 : i32
    %lt3A_23 = arith.cmpi slt, %rem3A_20, %lt3A : i32
    %lt3A_24 = arith.constant 0 : i32
    %lt3A_25 = arith.cmpi slt, %select_n3A_19, %lt3A_24 : i32
    %ne3A_26 = arith.xori %lt3A_23, %lt3A_25 : i1
    %and3A_27 = arith.andi %ne3A_26, %ne3A_22 : i1
    %add3A = arith.addi %rem3A_20, %select_n3A_19 : i32
    %select_n3A_28 = arith.select %and3A_27, %add3A, %rem3A_20 : i32
    %c0_i32 = arith.constant 0 : i32
    %c0_i32_29 = arith.constant 0 : i32
    %c0_i32_30 = arith.constant 0 : i32
    return %select_n3A, %c0_i32, %select_n3A_28, %c0_i32_29 : i32, i32, i32, i32
  }
  func.func @transform_2(%arg0: i32) -> (i32, i32, i32, i32) {
    %jit3A = arith.constant 63 : i32
    %div3A = arith.divsi %arg0, %jit3A : i32
    %sign3A = arith.constant 0 : i32
    %sign3A_0 = arith.cmpi sgt, %arg0, %sign3A : i32
    %sign3A_1 = arith.extui %sign3A_0 : i1 to i32
    %sign3A_2 = arith.constant 0 : i32
    %sign3A_3 = arith.cmpi slt, %arg0, %sign3A_2 : i32
    %sign3A_4 = arith.extui %sign3A_3 : i1 to i32
    %sign3A_5 = arith.subi %sign3A_1, %sign3A_4 : i32
    %sign3A_6 = arith.constant 0 : i32
    %sign3A_7 = arith.cmpi sgt, %jit3A, %sign3A_6 : i32
    %sign3A_8 = arith.extui %sign3A_7 : i1 to i32
    %sign3A_9 = arith.constant 0 : i32
    %sign3A_10 = arith.cmpi slt, %jit3A, %sign3A_9 : i32
    %sign3A_11 = arith.extui %sign3A_10 : i1 to i32
    %sign3A_12 = arith.subi %sign3A_8, %sign3A_11 : i32
    %ne3A = arith.cmpi ne, %sign3A_5, %sign3A_12 : i32
    %rem3A = arith.remsi %arg0, %jit3A : i32
    %ne3A_13 = arith.constant 0 : i32
    %ne3A_14 = arith.cmpi ne, %rem3A, %ne3A_13 : i32
    %and3A = arith.andi %ne3A, %ne3A_14 : i1
    %sub3A = arith.constant 1 : i32
    %sub3A_15 = arith.subi %div3A, %sub3A : i32
    %select_n3A = arith.select %and3A, %sub3A_15, %div3A : i32
    %jit3A_16 = arith.constant 63 : i32
    %eq3A = arith.constant 0 : i32
    %eq3A_17 = arith.cmpi eq, %jit3A_16, %eq3A : i32
    %jit3A_18 = arith.constant 1 : i32
    %select_n3A_19 = arith.select %eq3A_17, %jit3A_18, %jit3A_16 : i32
    %rem3A_20 = arith.remsi %arg0, %select_n3A_19 : i32
    %ne3A_21 = arith.constant 0 : i32
    %ne3A_22 = arith.cmpi ne, %rem3A_20, %ne3A_21 : i32
    %lt3A = arith.constant 0 : i32
    %lt3A_23 = arith.cmpi slt, %rem3A_20, %lt3A : i32
    %lt3A_24 = arith.constant 0 : i32
    %lt3A_25 = arith.cmpi slt, %select_n3A_19, %lt3A_24 : i32
    %ne3A_26 = arith.xori %lt3A_23, %lt3A_25 : i1
    %and3A_27 = arith.andi %ne3A_26, %ne3A_22 : i1
    %add3A = arith.addi %rem3A_20, %select_n3A_19 : i32
    %select_n3A_28 = arith.select %and3A_27, %add3A, %rem3A_20 : i32
    %c0_i32 = arith.constant 0 : i32
    %c0_i32_29 = arith.constant 0 : i32
    %c0_i32_30 = arith.constant 0 : i32
    return %select_n3A, %c0_i32, %select_n3A_28, %c0_i32_29 : i32, i32, i32, i32
  }
  func.func @transform_3(%arg0: i32) -> (i32, i32, i32, i32) {
    %jit3A = arith.constant 63 : i32
    %div3A = arith.divsi %arg0, %jit3A : i32
    %sign3A = arith.constant 0 : i32
    %sign3A_0 = arith.cmpi sgt, %arg0, %sign3A : i32
    %sign3A_1 = arith.extui %sign3A_0 : i1 to i32
    %sign3A_2 = arith.constant 0 : i32
    %sign3A_3 = arith.cmpi slt, %arg0, %sign3A_2 : i32
    %sign3A_4 = arith.extui %sign3A_3 : i1 to i32
    %sign3A_5 = arith.subi %sign3A_1, %sign3A_4 : i32
    %sign3A_6 = arith.constant 0 : i32
    %sign3A_7 = arith.cmpi sgt, %jit3A, %sign3A_6 : i32
    %sign3A_8 = arith.extui %sign3A_7 : i1 to i32
    %sign3A_9 = arith.constant 0 : i32
    %sign3A_10 = arith.cmpi slt, %jit3A, %sign3A_9 : i32
    %sign3A_11 = arith.extui %sign3A_10 : i1 to i32
    %sign3A_12 = arith.subi %sign3A_8, %sign3A_11 : i32
    %ne3A = arith.cmpi ne, %sign3A_5, %sign3A_12 : i32
    %rem3A = arith.remsi %arg0, %jit3A : i32
    %ne3A_13 = arith.constant 0 : i32
    %ne3A_14 = arith.cmpi ne, %rem3A, %ne3A_13 : i32
    %and3A = arith.andi %ne3A, %ne3A_14 : i1
    %sub3A = arith.constant 1 : i32
    %sub3A_15 = arith.subi %div3A, %sub3A : i32
    %select_n3A = arith.select %and3A, %sub3A_15, %div3A : i32
    %jit3A_16 = arith.constant 63 : i32
    %eq3A = arith.constant 0 : i32
    %eq3A_17 = arith.cmpi eq, %jit3A_16, %eq3A : i32
    %jit3A_18 = arith.constant 1 : i32
    %select_n3A_19 = arith.select %eq3A_17, %jit3A_18, %jit3A_16 : i32
    %rem3A_20 = arith.remsi %arg0, %select_n3A_19 : i32
    %ne3A_21 = arith.constant 0 : i32
    %ne3A_22 = arith.cmpi ne, %rem3A_20, %ne3A_21 : i32
    %lt3A = arith.constant 0 : i32
    %lt3A_23 = arith.cmpi slt, %rem3A_20, %lt3A : i32
    %lt3A_24 = arith.constant 0 : i32
    %lt3A_25 = arith.cmpi slt, %select_n3A_19, %lt3A_24 : i32
    %ne3A_26 = arith.xori %lt3A_23, %lt3A_25 : i1
    %and3A_27 = arith.andi %ne3A_26, %ne3A_22 : i1
    %add3A = arith.addi %rem3A_20, %select_n3A_19 : i32
    %select_n3A_28 = arith.select %and3A_27, %add3A, %rem3A_20 : i32
    %c0_i32 = arith.constant 0 : i32
    %c0_i32_29 = arith.constant 0 : i32
    %c0_i32_30 = arith.constant 0 : i32
    return %select_n3A, %c0_i32, %select_n3A_28, %c0_i32_29 : i32, i32, i32, i32
  }
  func.func @transform_4(%arg0: i32) -> (i32, i32, i32, i32) {
    %jit3A = arith.constant 63 : i32
    %div3A = arith.divsi %arg0, %jit3A : i32
    %sign3A = arith.constant 0 : i32
    %sign3A_0 = arith.cmpi sgt, %arg0, %sign3A : i32
    %sign3A_1 = arith.extui %sign3A_0 : i1 to i32
    %sign3A_2 = arith.constant 0 : i32
    %sign3A_3 = arith.cmpi slt, %arg0, %sign3A_2 : i32
    %sign3A_4 = arith.extui %sign3A_3 : i1 to i32
    %sign3A_5 = arith.subi %sign3A_1, %sign3A_4 : i32
    %sign3A_6 = arith.constant 0 : i32
    %sign3A_7 = arith.cmpi sgt, %jit3A, %sign3A_6 : i32
    %sign3A_8 = arith.extui %sign3A_7 : i1 to i32
    %sign3A_9 = arith.constant 0 : i32
    %sign3A_10 = arith.cmpi slt, %jit3A, %sign3A_9 : i32
    %sign3A_11 = arith.extui %sign3A_10 : i1 to i32
    %sign3A_12 = arith.subi %sign3A_8, %sign3A_11 : i32
    %ne3A = arith.cmpi ne, %sign3A_5, %sign3A_12 : i32
    %rem3A = arith.remsi %arg0, %jit3A : i32
    %ne3A_13 = arith.constant 0 : i32
    %ne3A_14 = arith.cmpi ne, %rem3A, %ne3A_13 : i32
    %and3A = arith.andi %ne3A, %ne3A_14 : i1
    %sub3A = arith.constant 1 : i32
    %sub3A_15 = arith.subi %div3A, %sub3A : i32
    %select_n3A = arith.select %and3A, %sub3A_15, %div3A : i32
    %jit3A_16 = arith.constant 63 : i32
    %eq3A = arith.constant 0 : i32
    %eq3A_17 = arith.cmpi eq, %jit3A_16, %eq3A : i32
    %jit3A_18 = arith.constant 1 : i32
    %select_n3A_19 = arith.select %eq3A_17, %jit3A_18, %jit3A_16 : i32
    %rem3A_20 = arith.remsi %arg0, %select_n3A_19 : i32
    %ne3A_21 = arith.constant 0 : i32
    %ne3A_22 = arith.cmpi ne, %rem3A_20, %ne3A_21 : i32
    %lt3A = arith.constant 0 : i32
    %lt3A_23 = arith.cmpi slt, %rem3A_20, %lt3A : i32
    %lt3A_24 = arith.constant 0 : i32
    %lt3A_25 = arith.cmpi slt, %select_n3A_19, %lt3A_24 : i32
    %ne3A_26 = arith.xori %lt3A_23, %lt3A_25 : i1
    %and3A_27 = arith.andi %ne3A_26, %ne3A_22 : i1
    %add3A = arith.addi %rem3A_20, %select_n3A_19 : i32
    %select_n3A_28 = arith.select %and3A_27, %add3A, %rem3A_20 : i32
    %c0_i32 = arith.constant 0 : i32
    %c0_i32_29 = arith.constant 0 : i32
    %c0_i32_30 = arith.constant 0 : i32
    return %select_n3A, %c0_i32, %select_n3A_28, %c0_i32_29 : i32, i32, i32, i32
  }
  func.func @transform_5(%arg0: i32) -> (i32, i32) {
    %c0_i32 = arith.constant 0 : i32
    %c0_i32_0 = arith.constant 0 : i32
    %c0_i32_1 = arith.constant 0 : i32
    return %c0_i32, %c0_i32_0 : i32, i32
  }
  func.func @transform_6(%arg0: i32) -> (i32, i32) {
    %c0_i32 = arith.constant 0 : i32
    %c0_i32_0 = arith.constant 0 : i32
    %c0_i32_1 = arith.constant 0 : i32
    return %c0_i32, %c0_i32_0 : i32, i32
  }
  func.func @transform_7(%arg0: i32) -> (i32, i32) {
    %c0_i32 = arith.constant 0 : i32
    %c0_i32_0 = arith.constant 0 : i32
    %c0_i32_1 = arith.constant 0 : i32
    return %c0_i32, %c0_i32_0 : i32, i32
  }
  func.func @transform_8(%arg0: i32) -> (i32, i32) {
    %c0_i32 = arith.constant 0 : i32
    %c0_i32_0 = arith.constant 0 : i32
    %c0_i32_1 = arith.constant 0 : i32
    return %c0_i32, %c0_i32_0 : i32, i32
  }
  func.func @transform_9(%arg0: i32) -> (i32, i32) {
    %c0_i32 = arith.constant 0 : i32
    %c0_i32_0 = arith.constant 0 : i32
    %c0_i32_1 = arith.constant 0 : i32
    return %c0_i32, %c0_i32_0 : i32, i32
  }
  func.func @transform_10(%arg0: i32) -> (i32, i32) {
    %c0_i32 = arith.constant 0 : i32
    %c0_i32_0 = arith.constant 0 : i32
    %c0_i32_1 = arith.constant 0 : i32
    return %c0_i32, %c0_i32_0 : i32, i32
  }
  func.func @transform_11(%arg0: i32) -> (i32, i32) {
    %c0_i32 = arith.constant 0 : i32
    %c0_i32_0 = arith.constant 0 : i32
    return %arg0, %c0_i32 : i32, i32
  }
}

</mosaic_0001>

<sc_bundles>
// kernel: kernel.6.cloned.1.call-start
scs
__scs_entry_jumppad:
0x0: {  	(pc) =	sbr.rel $0x88, $3  }
0x1: {  	(tag) =	ssettag $0x0;
	lr =	simm.s32 $0x1  }
0x2: {  	[smem:$0x3F8B] =	sst lr;
	_ =	strace $0xD0000000  }
0x3: {  	_ = 	snop  }
0x4: {  	_ = 	snop  }
0x5: {  	_ = 	snop  }
0x6: {  	_ = 	snop  }
0x7: {  	_ = 	snop  }
__scs_overlays_trampoline_lowered:
0x8: {  	[smem:$0x3F9A] =	sst s0  }
0x9: {  	[smem:$0x3F9B] =	sst s1  }
0xa: {  	[smem:$0x3F9C] =	sst s2  }
0xb: {  	[smem:$0x3F9D] =	sst s3  }
0xc: {  	[smem:$0x3F9E] =	sst s4  }
0xd: {  	[smem:$0x3F9F] =	sst s5  }
0xe: {  	[smem:$0x3FA0] =	sst s6  }
0xf: {  	[smem:$0x3FA1] =	sst s7  }
0x10: {  	[smem:$0x3FA2] =	sst s8  }
0x11: {  	[smem:$0x3FA3] =	sst s9;
	s0 =	simm.s32 @!p0 $0x0  }
0x12: {  	s1 =	sld [smem:$0x3F89];
	s0 =	simm.s32 @p0 $0x1  }
0x13: {  	[smem:$0x3FA4] =	sst s0;
	s0 =	simm.s32 @!p1 $0x0  }
0x14: {  	s2 =	sld [smem:$0x3F88];
	s0 =	simm.s32 @p1 $0x1  }
0x15: {  	[smem:$0x3FA5] =	sst s0;
	s0 =	simm.s32 @!p2 $0x0  }
0x16: {  	s3 =	sld [smem:$0x3FDB];
	s0 =	simm.s32 @p2 $0x1  }
0x17: {  	s4 =	simm.s32 $0x1BF5;
	[smem:$0x3FA7] =	sst s0  }
0x18: {  	s0 =	sld [smem:$0x3F8A];
	_ =	swait.ge [sflag:s4], $0x0  }
0x19: {  	s7 =	sld [smem:$0x3F8B]  }
0x1a: {  	s8 =	sadd.s32 $0xFFFFE003, lr  }
0x1b: {  	s9 =	sadd.s32 $0xFFFFFEF7, lr;
	s5 =	simm.s32 $0xFFFFFFFF;
	p2 =	slt.u32 s8, $0xFFFFF086  }
0x1c: {  	p1 =	slt.u32 s9, $0xF7A;
	s5 =	simm.s32 @!p2 $0x0  }
0x1d: {  	s5 =	simm.s32 @p1 $0x1;
	p0 =	seq.s32 s7, s2  }
0x1e: {  	s7 =	smul.u32 @!p0 $0xF7A, s2;
	p2 =	seq.s32 @!p0 s5, $0x0  }
0x1f: {  	s9 =	smul.u32 $0xF7A, s1;
	s8 =	simm.s32 @!p0 $0x1BF5;
	p2 =	por !p2, p0  }
0x20: {  	[sflag:s8] =	ssyncset.s32 @!p0 $0xFFFFF086;
	s6 =	sadd.s32 @!p0 s3, s7;
	s7 =	simm.s32 @!p0 $0x108  }
0x21: {  	s3 =	sadd.s32 s3, s9;
	s6 =	sadd.s32 @!p0 $0x88, s6;
	s7 =	simm.s32 @p2 $0x1082  }
0x22: {  	[simem:s7], [sflag:s8] =	dma.local @!p0 [hbm:s6], $0xF7A  }
0x23: {  	s9 =	sor.u32 $0xD0000000, s2;
	s6 =	simm.s32 $0x108;
	_ =	swait.ge @!p0 [sflag:s8], $0x0  }
0x24: {  	s3 =	sadd.s32 $0x88, s3;
	s6 =	simm.s32 @!p1 $0x1082;
	[sflag:s4] =	ssyncset.s32 $0xFFFFF086  }
0x25: {  	[simem:s6], [sflag:s4] =	dma.local [hbm:s3], $0xF7A  }
0x26: {  	[smem:$0x3F8B] =	sst s1;
	(tag) =	ssettag s2;
	_ =	strace s9  }
0x27: {  	s1 =	sld [smem:$0x3F9B]  }
0x28: {  	s2 =	sld [smem:$0x3F9C]  }
0x29: {  	s4 =	sld [smem:$0x3F9E]  }
0x2a: {  	p0 =	seq.s32 s5, $0x0;
	s5 =	sld [smem:$0x3F9F]  }
0x2b: {  	s6 =	sld [smem:$0x3FA0]  }
0x2c: {  	s7 =	sld [smem:$0x3FA1]  }
0x2d: {  	s3 =	simm.s32 $0x108;
	s8 =	sld [smem:$0x3FA2]  }
0x2e: {  	s3 =	simm.s32 @!p0 $0x1082;
	s9 =	sld [smem:$0x3FA3]  }
0x2f: {  	lr =	sadd.s32 s0, s3;
	s0 =	sld [smem:$0x3F9A]  }
0x30: {  	s3 =	sld [smem:$0x3F9D]  }
0x31: {  	[smem:$0x3FA6] =	sst s10  }
0x32: {  	s10 =	sld [smem:$0x3FA4];
	_ =	sdelay $0x3  }
0x33: {  	p0 =	seq.s32 s10, $0x1;
	s10 =	sld [smem:$0x3FA6];
	_ =	sdelay $0x3  }
0x34: {  	[smem:$0x3FA6] =	sst s10  }
0x35: {  	s10 =	sld [smem:$0x3FA5];
	_ =	sdelay $0x3  }
0x36: {  	p1 =	seq.s32 s10, $0x1;
	s10 =	sld [smem:$0x3FA6];
	_ =	sdelay $0x3  }
0x37: {  	[smem:$0x3FA6] =	sst s10  }
0x38: {  	s10 =	sld [smem:$0x3FA7]  }
0x39: {  	_ = 	snop;
	(pc) =	sbr.ind lr, $3  }
0x3a: {  	_ = 	snop  }
0x3b: {  	_ = 	snop  }
0x3c: {  	p2 =	seq.s32 s10, $0x1;
	s10 =	sld [smem:$0x3FA6]  }
0x3d: {  	_ =	shalt  }
0x3e: {  	_ =	shalt  }
0x3f: {  	_ =	shalt  }
0x40: {  	_ =	shalt  }
0x41: {  	_ =	shalt  }
0x42: {  	_ =	shalt  }
0x43: {  	_ =	shalt  }
0x44: {  	_ =	shalt  }
0x45: {  	_ =	shalt  }
0x46: {  	_ =	shalt  }
0x47: {  	_ =	shalt  }
0x48: {  	_ =	shalt  }
0x49: {  	_ =	shalt  }
0x4a: {  	_ =	shalt  }
0x4b: {  	_ =	shalt  }
0x4c: {  	_ =	shalt  }
0x4d: {  	_ =	shalt  }
0x4e: {  	_ =	shalt  }
0x4f: {  	_ =	shalt  }
0x50: {  	_ =	shalt  }
0x51: {  	_ =	shalt  }
0x52: {  	_ =	shalt  }
0x53: {  	_ =	shalt  }
0x54: {  	_ =	shalt  }
0x55: {  	_ =	shalt  }
0x56: {  	_ =	shalt  }
0x57: {  	_ =	shalt  }
0x58: {  	_ =	shalt  }
0x59: {  	_ =	shalt  }
0x5a: {  	_ =	shalt  }
0x5b: {  	_ =	shalt  }
0x5c: {  	_ =	shalt  }
0x5d: {  	_ =	shalt  }
0x5e: {  	_ =	shalt  }
0x5f: {  	_ =	shalt  }
0x60: {  	_ =	shalt  }
0x61: {  	_ =	shalt  }
0x62: {  	_ =	shalt  }
0x63: {  	_ =	shalt  }
0x64: {  	_ =	shalt  }
0x65: {  	_ =	shalt  }
0x66: {  	_ =	shalt  }
0x67: {  	_ =	shalt  }
0x68: {  	_ =	shalt  }
0x69: {  	_ =	shalt  }
0x6a: {  	_ =	shalt  }
0x6b: {  	_ =	shalt  }
0x6c: {  	_ =	shalt  }
0x6d: {  	_ =	shalt  }
0x6e: {  	_ =	shalt  }
0x6f: {  	_ =	shalt  }
0x70: {  	_ =	shalt  }
0x71: {  	_ =	shalt  }
0x72: {  	_ =	shalt  }
0x73: {  	_ =	shalt  }
0x74: {  	_ =	shalt  }
0x75: {  	_ =	shalt  }
0x76: {  	_ =	shalt  }
0x77: {  	_ =	shalt  }
0x78: {  	_ =	shalt  }
0x79: {  	_ =	shalt  }
0x7a: {  	_ =	shalt  }
0x7b: {  	_ =	shalt  }
0x7c: {  	_ =	shalt  }
0x7d: {  	_ =	shalt  }
0x7e: {  	_ =	shalt  }
0x7f: {  	_ =	shalt  }
0x80: {  	_ =	shalt  }
0x81: {  	_ =	shalt  }
0x82: {  	_ =	shalt  }
0x83: {  	_ =	shalt  }
0x84: {  	_ =	shalt  }
0x85: {  	_ =	shalt  }
0x86: {  	_ =	shalt  }
0x87: {  	_ =	shalt  }
.Lfunc_end0:
.L_simem_size_0:
called_computation_lowered:
.L_overlay_start_0:
0x88: {  	s2 =	sld [smem:$0x3FD9]  }
0x89: {  	s3 =	sld [smem:$0x3FFE];
	_ =	sdelay $0x1  }
0x8a: {  	s1 =	srdreg.scid  }
0x8b: {  	s0 =	sand.u32 $0x1, s1  }
0x8c: {  	s16 =	sshll.u32 s0, $0xA;
	s2 =	sadd.s32 s3, s2  }
0x8d: {  	s2 =	sadd.s32 s2, s16  }
0x8e: {  	[smem:$0x3FB2] =	sst s2  }
0x8f: {  	_ = 	snop  }
0x90: {  	(tm) =	ssettm $0x1  }
0x91: {  	s17 =	sld [smem:$0x3FFB];
	_ =	sdelay $0x3  }
0x92: {  	_ =	strace s17  }
0x93: {  	s2 =	sld [smem:$0x3FFC];
	_ =	sdelay $0x3  }
0x94: {  	_ =	strace s2  }
0x95: {  	s2 =	sld [smem:$0x3FFD];
	_ =	sdelay $0x3  }
0x96: {  	_ =	strace s2  }
0x97: {  	_ =	strace $0x8FFFFFFF  }
0x98: {  	s18 =	sld [smem:$0x3FDB];
	_ =	sdelay $0x1  }
0x99: {  	s19 =	simm.s32 $_scs_section_size  }
0x9a: {  	s4 =	simm.s32 $_size__tile_overlayer_lowered;
	s5 =	simm.s32 $_tile_overlayer_lowered  }
0x9b: {  	s22 =	simm.s32 $0x1BFF;
	s21 =	sshll.u32 s5, $0x1;
	s2 =	sadd.s32 s19, s18  }
0x9c: {  	s6 =	simm.s32 $0x0;
	s20 =	sshll.u32 s4, $0x1;
	s4 =	sadd.s32 s21, s2  }
0x9d: {  	[timem:s6], [sflag:s22] =	dma.local [hbm:s4], s20  }
0x9e: {  	_ =	swait.ge [sflag:s22], s20  }
0x9f: {  	s3 =	ssub.s32 $0x0, s20;
	[sflag:s22] =	ssyncset.done $0x0  }
0xa0: {  	[sflag:s22] =	ssyncadd.s32 s3;
	_ =	sdelay $0x1  }
0xa1: {  	s23 =	simm.s32 $0x1B8B  }
0xa2: {  	_ =	swait.ge [sflag:s23], $0x1  }
0xa3: {  	[sflag:s23] =	ssyncset.done $0x0  }
0xa4: {  	s25 =	simm.s32 $0x1B8E;
	s24 =	sld [smem:$0x3FFE];
	[sflag:s23] =	ssyncadd.s32 $0xFFFFFFFF  }
0xa5: {  	s26 =	simm.s32 $execute0_lowered;
	[smem:$0x3FD2] =	sst s25  }
0xa6: {  	s4 =	sshll.u32 s26, $0x1;
	_ =	strace $0x80000046;
	[dreg:$0x1] =	wrdreg $0xFFFFFFFF  }
0xa7: {  	s28 =	simm.s32 $_size_execute0_lowered;
	s2 =	sadd.s32 s2, s4;
	[dreg:$0x0] =	wrdreg $0x0  }
0xa8: {  	s4 =	sshll.u32 s28, $0x1;
	[dreg:$0x2] =	wrdreg s2  }
0xa9: {  	[dreg:$0x3] =	wrdreg s4  }
0xaa: {  	[dreg:$0x4] =	wrdreg $0xC0  }
0xab: {  	_ =	task [dreg:s6], $0x5FFFF  }
0xac: {  	[dreg:$0x1] =	wrdreg $0xFFFFFFFF  }
0xad: {  	[dreg:$0x0] =	wrdreg $0x60  }
0xae: {  	[dreg:$0x2] =	wrdreg s24  }
0xaf: {  	[dreg:$0x3] =	wrdreg $0x12EE00  }
0xb0: {  	[dreg:$0x4] =	wrdreg $0x9  }
0xb1: {  	_ =	task.clear_ibuf [dreg:s6], $0x5FFFF;
	_ =	strace $0x90000046  }
0xb2: {  	s29 =	simm.s32 $0x9;
	_ =	strace $0x80000048  }
0xb3: {  	_ =	swait.ge [sflag:s29], $0x1  }
0xb4: {  	[sflag:s29] =	ssyncadd.s32 $0xFFFFFFFF  }
0xb5: {  	_ =	strace $0x90000048  }
0xb6: {  	_ =	sfence  }
0xb7: {  	s30 =	sld [smem:$0x0];
	_ =	sdelay $0x2  }
0xb8: {  	s31 =	sshll.u32 s1, $0xD;
	s1 =	sshrl.u32 s1, $0x2  }
0xb9: {  	s3 =	sand.u32 $0x4000, s31;
	s1 =	sadd.s32 s1, s30  }
0xba: {  	s0 =	sor.u32 s3, s0;
	s1 =	sshll.u32 s1, $0x11  }
0xbb: {  	s0 =	sor.u32 s1, s0  }
0xbc: {  	s0 =	sadd.s32 $0x8F2B, s0  }
0xbd: {  	[sflag:s0] =	ssyncadd.remote.s32 $0x1  }
0xbe: {  	_ =	sfence.sel $0xFFFF  }
0xbf: {  	[dreg:$0x0] =	wrdreg $0xFFFFFFFF;
	(pc) =	sbr.abs _section_cstart, $3  }
0xc0: {  	[dreg:$0x1] =	wrdreg $0xFFFFFFFF  }
0xc1: {  	_ =	task.clear_ibuf [dreg:s6], $0x2FFFF;
	_ =	strace $0x9FFFFFFF  }
0xc2: {  	(tm) =	ssettm $0x7FFFFFFF  }
0xc3: {  	_ =	shalt  }
tec
execute0_lowered:
.L_overlay_start_1:
0x0: {  	(tag) =	ssettag $0x1  }
0x1: {  	s0 =	rddreg [dreg:$0x0]  }
0x2: {  	s2 =	rddreg [dreg:$0x1];
	s3 =	simm.s32 $0x0;
	s1 =	srdreg.scid  }
0x3: {  	s13 =	stileid.u32;
	s28 =	simm.s32 $0x7;
	s31 =	simm.s32 $0x5  }
0x4: {  	s30 =	simm.s32 $0x6;
	[smem:$0x7FF] =	sst s3;
	s8 =	smul.u32 $0xC4E, s13  }
0x5: {  	s1 =	sand.u32 $0x1, s1;
	s4 =	sadd.s32 $0x1D6A00, s0;
	s15 =	smul.u32 $0xC800, s13  }
0x6: {  	s5 =	sadd.s32 $0x4FE00, s0;
	s6 =	sadd.s32 $0x68600, s0;
	s26 =	smul.u32 $0x31380, s13  }
0x7: {  	s7 =	sadd.s32 $0x80E00, s0;
	s11 =	sadd.s32 $0x36E00, s0;
	s20 =	smul.u32 $0x1900, s13  }
0x8: {  	s10 =	sadd.s32 $0x1DE00, s0;
	s9 =	smul.u32 $0xC4E0, s1;
	s23 =	ssub.s32 $0x2, s1  }
0x9: {  	_ =	strace $0x80000047;
	s14 =	smul.u32 $0x6270, s1;
	s12 =	sshrl.u32 s23, $0x1  }
0xa: {  	s24 =	sshrl.u32 s15, $0x3;
	s17 =	sor.u32 $0x500, s15;
	[dreg:$0x3] =	wrdreg s15  }
0xb: {  	s29 =	sor.u32 $0x780, s15;
	s9 =	sadd.s32 s8, s9;
	s8 =	sadd.s32 $0x99600, s0  }
0xc: {  	s16 =	sadd.s32 s10, s24;
	s18 =	sadd.s32 s11, s24;
	[dreg:$0x6] =	wrdreg s17  }
0xd: {  	s22 =	sshrl.u32 s17, $0x3;
	s1 =	sshrl.u32 s29, $0x3;
	s17 =	simm.s32 $0x1  }
0xe: {  	s9 =	sshll.u32 s9, $0x1;
	s25 =	sadd.s32 s8, s24;
	[dreg:$0x5] =	wrdreg s16  }
0xf: {  	s15 =	sadd.s32 s11, s22;
	s1 =	sadd.s32 s11, s1;
	[dreg:$0x7] =	wrdreg s18  }
0x10: {  	s29 =	sadd.s32 $0x50, s18;
	s18 =	simm.s32 $0xFF00;
	[dreg:$0x4] =	wrdreg s25  }
0x11: {  	s22 =	simm.s32 $0x2;
	s0 =	sadd.s32 s9, s0;
	[dreg:$0xb] =	wrdreg s15  }
0x12: {  	s9 =	ssub.s32 s23, s12;
	s12 =	sshrl.u32 s26, $0x2;
	[dreg:$0xc] =	wrdreg s1  }
0x13: {  	s25 =	sor.u32 $0xC4E0, s13;
	[dreg:$0x10] =	wrdreg s29;
	s16 =	sadd.s32 $0xE3A00, s0  }
0x14: {  	s26 =	simm.s32 $0x12700;
	s19 =	sadd.s32 $0xB2600, s0;
	[dreg:$0x8] =	wrdreg s16  }
0x15: {  	s1 =	simm.s32 $0xC800;
	s21 =	sadd.s32 $0x114E00, s0;
	[dreg:$0x9] =	wrdreg s19  }
0x16: {  	s15 =	simm.s32 $0xD700;
	s23 =	sadd.s32 $0x146200, s0;
	[dreg:$0xa] =	wrdreg s21  }
0x17: {  	s0 =	sadd.s32 $0x177600, s0;
	s24 =	smax.u32 s9, $0x1;
	[dreg:$0xd] =	wrdreg s23  }
0x18: {  	s9 =	simm.s32 $0x0;
	s16 =	sadd.s32 s12, s2;
	[dreg:$0xe] =	wrdreg s0  }
0x19: {  	v0 =	vimm.f32 $0.0e+00;
	vm0 =	vcmask $0x300;
	s21 =	sadd.s32 s20, s11;
	[dreg:$0xf] =	wrdreg s24;
	s11 =	simm.s32 $0xCA80  }
0x1a: {  	v3 =	vsel vm0, $0x3F800000, v0;
	v1 =	vmov s14;
	v2 =	vmov s25;
	s12 =	simm.s32 $0x280;
	s23 =	simm.s32 $0x3;
	s24 =	simm.s32 $0x4  }
.LBB2_1:
0x1b: {  	[dreg:$0x11] =	wrdreg s9;
	s0 =	simm.s32 $0x0  }
.LBB2_2:
0x1c: {  	p0 =	sne.s32 s0, $0x1F40  }
.Ltmp0:
0x1d: {  	_ = 	snop;
	(pc) =	sbr.rel @p0 .LBB2_2-.Ltmp0, $3  }
0x1e: {  	_ =	sdelay $0x1  }
0x1f: {  	s9 =	sshra.s32 s0, $0x2  }
0x20: {  	s0 =	sadd.s32 $0x40, s0;
	[tilespmem:s9+$0x12700] =	vst v0  }
0x21: {  	s0 =	sadd.s32 $0x0, s16  }
0x22: {  	[spmem:s0] =	stream.linear.scatter [tilespmem:s26], [sflag:$0x7], $0x7E0, $0x38;
	[tilespmem:$0x1F3D0] =	vst v63  }
0x23: {  	s0 =	simm.s32 $0x1F80;
	_ =	swait.ge [sflag:s28], $0x7E0  }
.LBB2_4:
0x24: {  	s9 =	sshra.s32 s0, $0x2;
	[sflag:s28] =	ssyncset.done $0x0;
	p0 =	sne.s32 s0, $0x2F400  }
.Ltmp1:
0x25: {  	s9 =	sadd.s32 s9, s16;
	[sflag:s28] =	ssyncadd.s32 $0xFFFFF820;
	(pc) =	sbr.rel @p0 .LBB2_4-.Ltmp1, $3  }
0x26: {  	[spmem:s9] =	stream.linear.scatter [tilespmem:s26], [sflag:$0x7], $0x7E0, $0x38;
	[tilespmem:$0x1F3D0] =	vst v63  }
0x27: {  	s0 =	sadd.s32 $0x1F80, s0;
	_ =	sdelay $0x1  }
0x28: {  	_ =	swait.ge [sflag:s28], $0x7E0  }
0x29: {  	[sflag:s28] =	ssyncset.done $0x0;
	s19 =	simm.s32 $0x0  }
0x2a: {  	s0 =	rddreg [dreg:$0x4];
	s9 =	simm.s32 $0xCD00;
	[sflag:s28] =	ssyncadd.s32 $0xFFFFF820  }
0x2b: {  	[tilespmem:s9], [sflag:$0x5] =	stream.linear.gather [hbm4b:s0+s19], $0x280, $0x38;
	[tilespmem:$0x1F3D0] =	vst v63  }
0x2c: {  	s25 =	rddreg [dreg:$0x5];
	s29 =	simm.s32 $0xD200  }
0x2d: {  	[tilespmem:s29], [sflag:$0x5] =	stream.linear.gather [hbm4b:s25+s19], $0x280, $0x38;
	[tilespmem:$0x1F3D0] =	vst v63  }
0x2e: {  	s20 =	simm.s32 $0x280;
	s14 =	simm.s32 $0x0;
	s25 =	simm.s32 $0x0  }
.LBB2_6:
0x2f: {  	_ =	swait.ge [sflag:s31], $0x280;
	s0 =	smul.u32 $0x500, s14  }
0x30: {  	[sflag:s31] =	ssyncset.done $0x0;
	s9 =	rddreg [dreg:$0x3]  }
0x31: {  	[sflag:s31] =	ssyncadd.s32 $0xFFFFFD80;
	s9 =	sadd.s32 s9, s0  }
0x32: {  	_ =	swait.ge [sflag:s31], $0x280;
	s9 =	sshrl.u32 s9, $0x3  }
0x33: {  	[sflag:s31] =	ssyncset.done $0x0;
	s9 =	sadd.s32 $0x50, s9  }
0x34: {  	s13 =	simm.s32 $0xCF80;
	[sflag:s31] =	ssyncadd.s32 $0xFFFFFD80;
	s29 =	sadd.s32 s8, s9  }
0x35: {  	[tilespmem:s13], [sflag:$0x6] =	stream.linear.gather [hbm4b:s29+s19], $0x280, $0x38;
	[tilespmem:$0x1F3D0] =	vst v63  }
0x36: {  	s9 =	sadd.s32 s10, s9;
	s13 =	simm.s32 $0xD480  }
0x37: {  	[tilespmem:s13], [sflag:$0x6] =	stream.linear.gather [hbm4b:s9+s19], $0x280, $0x38;
	[tilespmem:$0x1F3D0] =	vst v63  }
0x38: {  	v4 =	vmov s25;
	s29 =	simm.s32 $0x0;
	s9 =	simm.s32 $0x40  }
.LBB2_7:
0x39: {  	p0 =	sne.s32 s9, $0x9C0;
	v5 =	vld [tilespmem:s29+$0xD200]  }
0x3a: {  	v6 =	vld [tilespmem:s29+$0xCD00];
	_ =	sdelay $0x3  }
.Ltmp2:
0x3b: {  	v5 =	vmul.u32 $0x6270, v5;
	(pc) =	sbr.rel @p0 .LBB2_7-.Ltmp2, $4  }
0x3c: {  	v6 =	vsub.s32 v6, v1  }
0x3d: {  	vm0 =	vlt.u32 v6, $0x6270;
	v5 =	vadd.s32 v6, v5  }
0x3e: {  	v5 =	vsel vm0, v5, v2  }
0x3f: {  	[tilespmem:v4+s29+$0x0 ss:$0x1] =	vst.idx.msk $0xffff, v5;
	s29 =	sshra.s32 s9, $0x2;
	s9 =	sadd.s32 $0x40, s9  }
0x40: {  	v5 =	vld [tilespmem:s29+$0xD200]  }
0x41: {  	v6 =	vld [tilespmem:s29+$0xCD00];
	_ =	sdelay $0x3  }
0x42: {  	v5 =	vmul.u32 $0x6270, v5  }
0x43: {  	v6 =	vsub.s32 v6, v1  }
0x44: {  	vm0 =	vlt.u32 v6, $0x6270;
	v5 =	vadd.s32 v6, v5  }
0x45: {  	v5 =	vsel vm0, v5, v2  }
0x46: {  	[tilespmem:v4+s29+$0x0 ss:$0x1] =	vst.idx.msk $0xffff, v5  }
0x47: {  	_ =	swait.ge [sflag:s30], $0x280  }
0x48: {  	[sflag:s30] =	ssyncset.done $0x0  }
0x49: {  	[sflag:s30] =	ssyncadd.s32 $0xFFFFFD80  }
0x4a: {  	_ =	swait.ge [sflag:s30], $0x280  }
0x4b: {  	p0 =	seq.s32 s14, $0x27;
	s9 =	rddreg [dreg:$0x6]  }
0x4c: {  	s0 =	sadd.s32 @!p0 s0, s9  }
0x4d: {  	s13 =	simm.s32 @!p0 $0xCD00;
	[sflag:s30] =	ssyncset.done $0x0;
	s0 =	sshrl.u32 @!p0 s0, $0x3  }
0x4e: {  	s29 =	simm.s32 @!p0 $0x0;
	[sflag:s30] =	ssyncadd.s32 $0xFFFFFD80;
	s9 =	sadd.s32 @!p0 s8, s0  }
0x4f: {  	[tilespmem:s13], [sflag:$0x5] =	stream.linear.gather @!p0 [hbm4b:s9+s29], $0x280, $0x38;
	[tilespmem:$0x1F3D0] =	vst v63  }
0x50: {  	s0 =	sadd.s32 @!p0 s10, s0;
	s9 =	simm.s32 @!p0 $0xD200  }
0x51: {  	[tilespmem:s9], [sflag:$0x5] =	stream.linear.gather @!p0 [hbm4b:s0+s29], $0x280, $0x38;
	[tilespmem:$0x1F3D0] =	vst v63  }
0x52: {  	v4 =	vmov s20;
	s0 =	simm.s32 $0x0;
	s9 =	simm.s32 $0x40  }
.LBB2_9:
0x53: {  	p0 =	sne.s32 s9, $0x9C0;
	v5 =	vld [tilespmem:s0+$0xD480]  }
0x54: {  	v6 =	vld [tilespmem:s0+$0xCF80];
	_ =	sdelay $0x3  }
.Ltmp3:
0x55: {  	v5 =	vmul.u32 $0x6270, v5;
	(pc) =	sbr.rel @p0 .LBB2_9-.Ltmp3, $4  }
0x56: {  	v6 =	vsub.s32 v6, v1  }
0x57: {  	vm0 =	vlt.u32 v6, $0x6270;
	v5 =	vadd.s32 v6, v5  }
0x58: {  	v5 =	vsel vm0, v5, v2  }
0x59: {  	[tilespmem:v4+s0+$0x0 ss:$0x1] =	vst.idx.msk $0xffff, v5;
	s0 =	sshra.s32 s9, $0x2;
	s9 =	sadd.s32 $0x40, s9  }
0x5a: {  	v5 =	vld [tilespmem:s0+$0xD480]  }
0x5b: {  	v6 =	vld [tilespmem:s0+$0xCF80];
	_ =	sdelay $0x1  }
0x5c: {  	s14 =	sadd.s32 $0x1, s14  }
0x5d: {  	p0 =	sne.s32 s14, $0x28  }
.Ltmp4:
0x5e: {  	v5 =	vmul.u32 $0x6270, v5;
	(pc) =	sbr.rel @p0 .LBB2_6-.Ltmp4, $4  }
0x5f: {  	v6 =	vsub.s32 v6, v1  }
0x60: {  	vm0 =	vlt.u32 v6, $0x6270;
	v5 =	vadd.s32 v6, v5  }
0x61: {  	v5 =	vsel vm0, v5, v2  }
0x62: {  	s25 =	sadd.s32 $0x500, s25;
	s20 =	sadd.s32 $0x500, s20;
	[tilespmem:v4+s0+$0x0 ss:$0x1] =	vst.idx.msk $0xffff, v5  }
0x63: {  	[bflag:$0x0] =	sbarrier.arrive $0xFFFF  }
0x64: {  	s0 =	rddreg [dreg:$0x7]  }
0x65: {  	[tilespmem:s1], [sflag:$0x5] =	stream.linear.gather [hbm4b:s0+s3], $0x280, $0x38;
	[tilespmem:$0x1F3D0] =	vst v63  }
0x66: {  	s9 =	rddreg [dreg:$0x10]  }
0x67: {  	[tilespmem:s11], [sflag:$0x6] =	stream.linear.gather [hbm4b:s9+s3], $0x280, $0x38;
	[tilespmem:$0x1F3D0] =	vst v63  }
0x68: {  	_ =	swait.ge [sflag:s31], $0x280  }
0x69: {  	[sflag:s31] =	ssyncset.done $0x0  }
0x6a: {  	[sflag:s31] =	ssyncadd.s32 $0xFFFFFD80  }
0x6b: {  	[tilespmem:s15], [sflag:$0x1] =	stream.indirect.gather [hbm4b:s4+s12], $0x10, s1, s12, $0xb8;
	[tilespmem:$0x1F3D0] =	vst v63  }
0x6c: {  	_ =	swait.ge [sflag:s17], $0x2800  }
0x6d: {  	[sflag:s17] =	ssyncset.done $0x0  }
0x6e: {  	[sflag:s17] =	ssyncadd.s32 $0xFFFFD800  }
0x6f: {  	[spmem:s2] =	stream.indirect.scatter.add.f32 [tilespmem:s15], [sflag:$0x3], $0x10, s3, s12, $0xb8;
	[tilespmem:$0x1F3D0] =	vst v63  }
0x70: {  	_ =	swait.ge [sflag:s30], $0x280  }
0x71: {  	[sflag:s30] =	ssyncset.done $0x0  }
0x72: {  	[sflag:s30] =	ssyncadd.s32 $0xFFFFFD80  }
0x73: {  	[tilespmem:s18], [sflag:$0x2] =	stream.indirect.gather [hbm4b:s4+s12], $0x10, s11, s12, $0xb8;
	[tilespmem:$0x1F3D0] =	vst v63  }
0x74: {  	s13 =	rddreg [dreg:$0xb]  }
0x75: {  	[tilespmem:s1], [sflag:$0x5] =	stream.linear.gather [hbm4b:s13+s3], $0x280, $0x38;
	[tilespmem:$0x1F3D0] =	vst v63  }
0x76: {  	_ =	swait.ge [sflag:s22], $0x2800  }
0x77: {  	[sflag:s22] =	ssyncset.done $0x0  }
0x78: {  	[sflag:s22] =	ssyncadd.s32 $0xFFFFD800  }
0x79: {  	[spmem:s2] =	stream.indirect.scatter.add.f32 [tilespmem:s18], [sflag:$0x4], $0x10, s12, s12, $0xb8;
	[tilespmem:$0x1F3D0] =	vst v63  }
0x7a: {  	_ =	swait.ge [sflag:s23], $0x2800  }
0x7b: {  	[sflag:s23] =	ssyncset.done $0x0  }
0x7c: {  	[sflag:s23] =	ssyncadd.s32 $0xFFFFD800  }
0x7d: {  	_ =	swait.ge [sflag:s31], $0x280  }
0x7e: {  	[sflag:s31] =	ssyncset.done $0x0  }
0x7f: {  	[sflag:s31] =	ssyncadd.s32 $0xFFFFFD80  }
0x80: {  	[tilespmem:s15], [sflag:$0x1] =	stream.indirect.gather [hbm4b:s4+s12], $0x10, s1, s12, $0xb8;
	[tilespmem:$0x1F3D0] =	vst v63  }
0x81: {  	s14 =	rddreg [dreg:$0xc]  }
0x82: {  	[tilespmem:s11], [sflag:$0x6] =	stream.linear.gather [hbm4b:s14+s3], $0x280, $0x38;
	[tilespmem:$0x1F3D0] =	vst v63  }
0x83: {  	_ =	swait.ge [sflag:s17], $0x2800  }
0x84: {  	[sflag:s17] =	ssyncset.done $0x0  }
0x85: {  	s19 =	simm.s32 $0x500;
	[sflag:s17] =	ssyncadd.s32 $0xFFFFD800  }
0x86: {  	[spmem:s2] =	stream.indirect.scatter.add.f32 [tilespmem:s15], [sflag:$0x3], $0x10, s19, s12, $0xb8;
	[tilespmem:$0x1F3D0] =	vst v63  }
0x87: {  	_ =	swait.ge [sflag:s30], $0x280  }
0x88: {  	[sflag:s30] =	ssyncset.done $0x0  }
0x89: {  	[sflag:s30] =	ssyncadd.s32 $0xFFFFFD80  }
0x8a: {  	_ =	swait.ge [sflag:s24], $0x2800  }
0x8b: {  	[sflag:s24] =	ssyncset.done $0x0  }
0x8c: {  	s20 =	sadd.s32 $0xFFFFE840, s21;
	[sflag:s24] =	ssyncadd.s32 $0xFFFFD800  }
0x8d: {  	[tilespmem:s18], [sflag:$0x2] =	stream.indirect.gather [hbm4b:s4+s12], $0x10, s11, s12, $0xb8;
	[tilespmem:$0x1F3D0] =	vst v63  }
0x8e: {  	s9 =	sadd.s32 $0x1900, s20  }
0x8f: {  	[tilespmem:s1], [sflag:$0x5] =	stream.linear.gather [hbm4b:s9+s3], $0x280, $0x38;
	[tilespmem:$0x1F3D0] =	vst v63  }
0x90: {  	_ =	swait.ge [sflag:s22], $0x2800  }
0x91: {  	[sflag:s22] =	ssyncset.done $0x0  }
0x92: {  	s25 =	simm.s32 $0x780;
	[sflag:s22] =	ssyncadd.s32 $0xFFFFD800  }
0x93: {  	[spmem:s2] =	stream.indirect.scatter.add.f32 [tilespmem:s18], [sflag:$0x4], $0x10, s25, s12, $0xb8;
	[tilespmem:$0x1F3D0] =	vst v63  }
0x94: {  	_ =	swait.ge [sflag:s23], $0x2800  }
0x95: {  	[sflag:s23] =	ssyncset.done $0x0  }
0x96: {  	[sflag:s23] =	ssyncadd.s32 $0xFFFFD800  }
0x97: {  	_ =	swait.ge [sflag:s31], $0x280  }
0x98: {  	[sflag:s31] =	ssyncset.done $0x0  }
0x99: {  	[sflag:s31] =	ssyncadd.s32 $0xFFFFFD80  }
0x9a: {  	[tilespmem:s15], [sflag:$0x1] =	stream.indirect.gather [hbm4b:s4+s12], $0x10, s1, s12, $0xb8;
	[tilespmem:$0x1F3D0] =	vst v63  }
0x9b: {  	s0 =	sadd.s32 $0x1950, s20  }
0x9c: {  	[tilespmem:s11], [sflag:$0x6] =	stream.linear.gather [hbm4b:s0+s3], $0x280, $0x38;
	[tilespmem:$0x1F3D0] =	vst v63  }
0x9d: {  	_ =	swait.ge [sflag:s17], $0x2800  }
0x9e: {  	[sflag:s17] =	ssyncset.done $0x0  }
0x9f: {  	s29 =	simm.s32 $0xA00;
	[sflag:s17] =	ssyncadd.s32 $0xFFFFD800  }
0xa0: {  	[spmem:s2] =	stream.indirect.scatter.add.f32 [tilespmem:s15], [sflag:$0x3], $0x10, s29, s12, $0xb8;
	[tilespmem:$0x1F3D0] =	vst v63  }
0xa1: {  	_ =	swait.ge [sflag:s30], $0x280  }
0xa2: {  	[sflag:s30] =	ssyncset.done $0x0  }
0xa3: {  	[sflag:s30] =	ssyncadd.s32 $0xFFFFFD80  }
0xa4: {  	_ =	swait.ge [sflag:s24], $0x2800  }
0xa5: {  	s14 =	simm.s32 $0xC80;
	[sflag:s24] =	ssyncset.done $0x0  }
0xa6: {  	s19 =	sadd.s32 $0xFFFFE8E0, s21;
	s0 =	simm.s32 $0xFFFFE980;
	[sflag:s24] =	ssyncadd.s32 $0xFFFFD800  }
.LBB2_12:
0xa7: {  	[tilespmem:s18], [sflag:$0x2] =	stream.indirect.gather [hbm4b:s4+s12], $0x10, s11, s12, $0xb8;
	[tilespmem:$0x1F3D0] =	vst v63  }
0xa8: {  	s9 =	smov.u32 s0  }
0xa9: {  	s13 =	sadd.s32 $0xA0, s0;
	s20 =	sadd.s32 $0x1900, s19;
	s9 =	sadd.s32 s9, s21  }
0xaa: {  	[tilespmem:s1], [sflag:$0x5] =	stream.linear.gather [hbm4b:s20+s3], $0x280, $0x38;
	[tilespmem:$0x1F3D0] =	vst v63  }
0xab: {  	p0 =	sne.s32 s0, $0xFFFFFF60;
	_ =	swait.ge [sflag:s22], $0x2800  }
0xac: {  	[sflag:s22] =	ssyncset.done $0x0  }
0xad: {  	[sflag:s22] =	ssyncadd.s32 $0xFFFFD800  }
0xae: {  	[spmem:s2] =	stream.indirect.scatter.add.f32 [tilespmem:s18], [sflag:$0x4], $0x10, s14, s12, $0xb8;
	[tilespmem:$0x1F3D0] =	vst v63  }
0xaf: {  	_ =	swait.ge [sflag:s23], $0x2800  }
0xb0: {  	[sflag:s23] =	ssyncset.done $0x0  }
0xb1: {  	[sflag:s23] =	ssyncadd.s32 $0xFFFFD800  }
0xb2: {  	_ =	swait.ge [sflag:s31], $0x280  }
0xb3: {  	[sflag:s31] =	ssyncset.done $0x0  }
0xb4: {  	[sflag:s31] =	ssyncadd.s32 $0xFFFFFD80  }
0xb5: {  	[tilespmem:s15], [sflag:$0x1] =	stream.indirect.gather [hbm4b:s4+s12], $0x10, s1, s12, $0xb8;
	[tilespmem:$0x1F3D0] =	vst v63  }
0xb6: {  	s0 =	sadd.s32 $0x1950, s19;
	s19 =	smov.u32 s9  }
0xb7: {  	[tilespmem:s11], [sflag:$0x6] =	stream.linear.gather [hbm4b:s0+s3], $0x280, $0x38;
	[tilespmem:$0x1F3D0] =	vst v63  }
0xb8: {  	_ =	swait.ge [sflag:s17], $0x2800  }
0xb9: {  	[sflag:s17] =	ssyncset.done $0x0  }
0xba: {  	s0 =	sadd.s32 $0x280, s14;
	[sflag:s17] =	ssyncadd.s32 $0xFFFFD800  }
0xbb: {  	[spmem:s2] =	stream.indirect.scatter.add.f32 [tilespmem:s15], [sflag:$0x3], $0x10, s0, s12, $0xb8;
	[tilespmem:$0x1F3D0] =	vst v63  }
0xbc: {  	_ =	swait.ge [sflag:s30], $0x280  }
.Ltmp5:
0xbd: {  	[sflag:s30] =	ssyncset.done $0x0;
	(pc) =	sbr.rel @p0 .LBB2_12-.Ltmp5, $4  }
0xbe: {  	[sflag:s30] =	ssyncadd.s32 $0xFFFFFD80  }
0xbf: {  	_ =	swait.ge [sflag:s24], $0x2800  }
0xc0: {  	[sflag:s24] =	ssyncset.done $0x0  }
0xc1: {  	s14 =	sadd.s32 $0x500, s14;
	s0 =	smov.u32 s13;
	[sflag:s24] =	ssyncadd.s32 $0xFFFFD800  }
0xc2: {  	[tilespmem:s18], [sflag:$0x2] =	stream.indirect.gather [hbm4b:s4+s12], $0x10, s11, s12, $0xb8;
	[tilespmem:$0x1F3D0] =	vst v63  }
0xc3: {  	s0 =	sadd.s32 $0x1900, s19  }
0xc4: {  	[tilespmem:s1], [sflag:$0x5] =	stream.linear.gather [hbm4b:s0+s3], $0x280, $0x38;
	[tilespmem:$0x1F3D0] =	vst v63  }
0xc5: {  	_ =	swait.ge [sflag:s22], $0x2800  }
0xc6: {  	[sflag:s22] =	ssyncset.done $0x0  }
0xc7: {  	[sflag:s22] =	ssyncadd.s32 $0xFFFFD800  }
0xc8: {  	[spmem:s2] =	stream.indirect.scatter.add.f32 [tilespmem:s18], [sflag:$0x4], $0x10, s14, s12, $0xb8;
	[tilespmem:$0x1F3D0] =	vst v63  }
0xc9: {  	_ =	swait.ge [sflag:s23], $0x2800  }
0xca: {  	[sflag:s23] =	ssyncset.done $0x0  }
0xcb: {  	[sflag:s23] =	ssyncadd.s32 $0xFFFFD800  }
0xcc: {  	_ =	swait.ge [sflag:s31], $0x280  }
0xcd: {  	[sflag:s31] =	ssyncset.done $0x0  }
0xce: {  	[sflag:s31] =	ssyncadd.s32 $0xFFFFFD80  }
0xcf: {  	[tilespmem:s15], [sflag:$0x1] =	stream.indirect.gather [hbm4b:s4+s12], $0x10, s1, s12, $0xb8;
	[tilespmem:$0x1F3D0] =	vst v63  }
0xd0: {  	s9 =	sadd.s32 $0x1950, s19  }
0xd1: {  	[tilespmem:s11], [sflag:$0x6] =	stream.linear.gather [hbm4b:s9+s3], $0x280, $0x38;
	[tilespmem:$0x1F3D0] =	vst v63  }
0xd2: {  	_ =	swait.ge [sflag:s17], $0x2800  }
0xd3: {  	[sflag:s17] =	ssyncset.done $0x0  }
0xd4: {  	s13 =	sadd.s32 $0x280, s14;
	[sflag:s17] =	ssyncadd.s32 $0xFFFFD800  }
0xd5: {  	[spmem:s2] =	stream.indirect.scatter.add.f32 [tilespmem:s15], [sflag:$0x3], $0x10, s13, s12, $0xb8;
	[tilespmem:$0x1F3D0] =	vst v63  }
0xd6: {  	_ =	swait.ge [sflag:s30], $0x280  }
0xd7: {  	[sflag:s30] =	ssyncset.done $0x0  }
0xd8: {  	[sflag:s30] =	ssyncadd.s32 $0xFFFFFD80  }
0xd9: {  	_ =	swait.ge [sflag:s24], $0x2800  }
0xda: {  	[sflag:s24] =	ssyncset.done $0x0  }
0xdb: {  	[sflag:s24] =	ssyncadd.s32 $0xFFFFD800  }
0xdc: {  	[tilespmem:s18], [sflag:$0x2] =	stream.indirect.gather [hbm4b:s4+s12], $0x10, s11, s12, $0xb8;
	[tilespmem:$0x1F3D0] =	vst v63  }
0xdd: {  	_ =	swait.ge [sflag:s22], $0x2800  }
0xde: {  	[sflag:s22] =	ssyncset.done $0x0  }
0xdf: {  	s19 =	sadd.s32 $0x500, s14;
	[sflag:s22] =	ssyncadd.s32 $0xFFFFD800  }
0xe0: {  	[spmem:s2] =	stream.indirect.scatter.add.f32 [tilespmem:s18], [sflag:$0x4], $0x10, s19, s12, $0xb8;
	[tilespmem:$0x1F3D0] =	vst v63  }
0xe1: {  	_ =	swait.ge [sflag:s23], $0x2800  }
0xe2: {  	[sflag:s23] =	ssyncset.done $0x0  }
0xe3: {  	[sflag:s23] =	ssyncadd.s32 $0xFFFFD800  }
0xe4: {  	_ =	swait.ge [sflag:s24], $0x2800  }
0xe5: {  	[sflag:s24] =	ssyncset.done $0x0  }
0xe6: {  	s20 =	stileid.u32;
	[sflag:s24] =	ssyncadd.s32 $0xFFFFD800  }
0xe7: {  	s0 =	sshll.u32 s20, $0x6;
	[bflag:$0x0] =	sbarrier.arrive $0xFFFF  }
0xe8: {  	s20 =	sshrl.u32 s16, $0x3;
	s19 =	sor.u32 $0x1C07, s0;
	s25 =	rddreg [dreg:$0x8]  }
0xe9: {  	[hbm:s25], [sflag:s19] =	dma.local [spmem:s20], $0x189C  }
0xea: {  	_ =	swait.ge [sflag:s28], $0x189C  }
0xeb: {  	[sflag:s28] =	ssyncset.done $0x0  }
0xec: {  	s29 =	sadd.s32 $0x0, s16;
	[sflag:s28] =	ssyncadd.s32 $0xFFFFE764  }
0xed: {  	[spmem:s29] =	stream.linear.scatter [tilespmem:s26], [sflag:$0x7], $0x7E0, $0x38;
	[tilespmem:$0x1F3D0] =	vst v63  }
0xee: {  	s0 =	simm.s32 $0x1F80;
	_ =	swait.ge [sflag:s28], $0x7E0  }
.LBB2_14:
0xef: {  	s9 =	sshra.s32 s0, $0x2;
	[sflag:s28] =	ssyncset.done $0x0;
	p0 =	sne.s32 s0, $0x2F400  }
.Ltmp6:
0xf0: {  	s9 =	sadd.s32 s9, s16;
	[sflag:s28] =	ssyncadd.s32 $0xFFFFF820;
	(pc) =	sbr.rel @p0 .LBB2_14-.Ltmp6, $3  }
0xf1: {  	[spmem:s9] =	stream.linear.scatter [tilespmem:s26], [sflag:$0x7], $0x7E0, $0x38;
	[tilespmem:$0x1F3D0] =	vst v63  }
0xf2: {  	s0 =	sadd.s32 $0x1F80, s0;
	_ =	sdelay $0x1  }
0xf3: {  	_ =	swait.ge [sflag:s28], $0x7E0  }
0xf4: {  	[sflag:s28] =	ssyncset.done $0x0  }
0xf5: {  	[sflag:s28] =	ssyncadd.s32 $0xFFFFF820  }
0xf6: {  	[bflag:$0x0] =	sbarrier.arrive $0xFFFF  }
0xf7: {  	s0 =	rddreg [dreg:$0x7]  }
0xf8: {  	[tilespmem:s1], [sflag:$0x5] =	stream.linear.gather [hbm4b:s0+s3], $0x280, $0x38;
	[tilespmem:$0x1F3D0] =	vst v63  }
0xf9: {  	s25 =	rddreg [dreg:$0x10]  }
0xfa: {  	[tilespmem:s11], [sflag:$0x6] =	stream.linear.gather [hbm4b:s25+s3], $0x280, $0x38;
	[tilespmem:$0x1F3D0] =	vst v63  }
0xfb: {  	_ =	swait.ge [sflag:s31], $0x280  }
0xfc: {  	[sflag:s31] =	ssyncset.done $0x0  }
0xfd: {  	[sflag:s31] =	ssyncadd.s32 $0xFFFFFD80  }
0xfe: {  	[tilespmem:s15], [sflag:$0x1] =	stream.indirect.gather [hbm4b:s5+s12], $0x10, s1, s12, $0xb8;
	[tilespmem:$0x1F3D0] =	vst v63  }
0xff: {  	_ =	swait.ge [sflag:s17], $0x2800  }
0x100: {  	[sflag:s17] =	ssyncset.done $0x0  }
0x101: {  	[sflag:s17] =	ssyncadd.s32 $0xFFFFD800  }
0x102: {  	[spmem:s2] =	stream.indirect.scatter.add.f32 [tilespmem:s15], [sflag:$0x3], $0x10, s3, s12, $0xb8;
	[tilespmem:$0x1F3D0] =	vst v63  }
0x103: {  	_ =	swait.ge [sflag:s30], $0x280  }
0x104: {  	[sflag:s30] =	ssyncset.done $0x0  }
0x105: {  	[sflag:s30] =	ssyncadd.s32 $0xFFFFFD80  }
0x106: {  	[tilespmem:s18], [sflag:$0x2] =	stream.indirect.gather [hbm4b:s5+s12], $0x10, s11, s12, $0xb8;
	[tilespmem:$0x1F3D0] =	vst v63  }
0x107: {  	s29 =	rddreg [dreg:$0xb]  }
0x108: {  	[tilespmem:s1], [sflag:$0x5] =	stream.linear.gather [hbm4b:s29+s3], $0x280, $0x38;
	[tilespmem:$0x1F3D0] =	vst v63  }
0x109: {  	_ =	swait.ge [sflag:s22], $0x2800  }
0x10a: {  	[sflag:s22] =	ssyncset.done $0x0  }
0x10b: {  	[sflag:s22] =	ssyncadd.s32 $0xFFFFD800  }
0x10c: {  	[spmem:s2] =	stream.indirect.scatter.add.f32 [tilespmem:s18], [sflag:$0x4], $0x10, s12, s12, $0xb8;
	[tilespmem:$0x1F3D0] =	vst v63  }
0x10d: {  	_ =	swait.ge [sflag:s23], $0x2800  }
0x10e: {  	[sflag:s23] =	ssyncset.done $0x0  }
0x10f: {  	[sflag:s23] =	ssyncadd.s32 $0xFFFFD800  }
0x110: {  	_ =	swait.ge [sflag:s31], $0x280  }
0x111: {  	[sflag:s31] =	ssyncset.done $0x0  }
0x112: {  	[sflag:s31] =	ssyncadd.s32 $0xFFFFFD80  }
0x113: {  	[tilespmem:s15], [sflag:$0x1] =	stream.indirect.gather [hbm4b:s5+s12], $0x10, s1, s12, $0xb8;
	[tilespmem:$0x1F3D0] =	vst v63  }
0x114: {  	s9 =	rddreg [dreg:$0xc]  }
0x115: {  	[tilespmem:s11], [sflag:$0x6] =	stream.linear.gather [hbm4b:s9+s3], $0x280, $0x38;
	[tilespmem:$0x1F3D0] =	vst v63  }
0x116: {  	_ =	swait.ge [sflag:s17], $0x2800  }
0x117: {  	[sflag:s17] =	ssyncset.done $0x0  }
0x118: {  	s13 =	simm.s32 $0x500;
	[sflag:s17] =	ssyncadd.s32 $0xFFFFD800  }
0x119: {  	[spmem:s2] =	stream.indirect.scatter.add.f32 [tilespmem:s15], [sflag:$0x3], $0x10, s13, s12, $0xb8;
	[tilespmem:$0x1F3D0] =	vst v63  }
0x11a: {  	_ =	swait.ge [sflag:s30], $0x280  }
0x11b: {  	[sflag:s30] =	ssyncset.done $0x0  }
0x11c: {  	[sflag:s30] =	ssyncadd.s32 $0xFFFFFD80  }
0x11d: {  	_ =	swait.ge [sflag:s24], $0x2800  }
0x11e: {  	[sflag:s24] =	ssyncset.done $0x0  }
0x11f: {  	s14 =	sadd.s32 $0xFFFFE840, s21;
	[sflag:s24] =	ssyncadd.s32 $0xFFFFD800  }
0x120: {  	[tilespmem:s18], [sflag:$0x2] =	stream.indirect.gather [hbm4b:s5+s12], $0x10, s11, s12, $0xb8;
	[tilespmem:$0x1F3D0] =	vst v63  }
0x121: {  	s9 =	sadd.s32 $0x1900, s14  }
0x122: {  	[tilespmem:s1], [sflag:$0x5] =	stream.linear.gather [hbm4b:s9+s3], $0x280, $0x38;
	[tilespmem:$0x1F3D0] =	vst v63  }
0x123: {  	_ =	swait.ge [sflag:s22], $0x2800  }
0x124: {  	[sflag:s22] =	ssyncset.done $0x0  }
0x125: {  	s25 =	simm.s32 $0x780;
	[sflag:s22] =	ssyncadd.s32 $0xFFFFD800  }
0x126: {  	[spmem:s2] =	stream.indirect.scatter.add.f32 [tilespmem:s18], [sflag:$0x4], $0x10, s25, s12, $0xb8;
	[tilespmem:$0x1F3D0] =	vst v63  }
0x127: {  	_ =	swait.ge [sflag:s23], $0x2800  }
0x128: {  	[sflag:s23] =	ssyncset.done $0x0  }
0x129: {  	[sflag:s23] =	ssyncadd.s32 $0xFFFFD800  }
0x12a: {  	_ =	swait.ge [sflag:s31], $0x280  }
0x12b: {  	[sflag:s31] =	ssyncset.done $0x0  }
0x12c: {  	[sflag:s31] =	ssyncadd.s32 $0xFFFFFD80  }
0x12d: {  	[tilespmem:s15], [sflag:$0x1] =	stream.indirect.gather [hbm4b:s5+s12], $0x10, s1, s12, $0xb8;
	[tilespmem:$0x1F3D0] =	vst v63  }
0x12e: {  	s0 =	sadd.s32 $0x1950, s14  }
0x12f: {  	[tilespmem:s11], [sflag:$0x6] =	stream.linear.gather [hbm4b:s0+s3], $0x280, $0x38;
	[tilespmem:$0x1F3D0] =	vst v63  }
0x130: {  	_ =	swait.ge [sflag:s17], $0x2800  }
0x131: {  	[sflag:s17] =	ssyncset.done $0x0  }
0x132: {  	s29 =	simm.s32 $0xA00;
	[sflag:s17] =	ssyncadd.s32 $0xFFFFD800  }
0x133: {  	[spmem:s2] =	stream.indirect.scatter.add.f32 [tilespmem:s15], [sflag:$0x3], $0x10, s29, s12, $0xb8;
	[tilespmem:$0x1F3D0] =	vst v63  }
0x134: {  	_ =	swait.ge [sflag:s30], $0x280  }
0x135: {  	[sflag:s30] =	ssyncset.done $0x0  }
0x136: {  	[sflag:s30] =	ssyncadd.s32 $0xFFFFFD80  }
0x137: {  	_ =	swait.ge [sflag:s24], $0x2800  }
0x138: {  	s14 =	simm.s32 $0xC80;
	[sflag:s24] =	ssyncset.done $0x0  }
0x139: {  	s25 =	sadd.s32 $0xFFFFE8E0, s21;
	s0 =	simm.s32 $0xFFFFE980;
	[sflag:s24] =	ssyncadd.s32 $0xFFFFD800  }
.LBB2_16:
0x13a: {  	[tilespmem:s18], [sflag:$0x2] =	stream.indirect.gather [hbm4b:s5+s12], $0x10, s11, s12, $0xb8;
	[tilespmem:$0x1F3D0] =	vst v63  }
0x13b: {  	s9 =	smov.u32 s0  }
0x13c: {  	s13 =	sadd.s32 $0xA0, s0;
	s29 =	sadd.s32 $0x1900, s25;
	s9 =	sadd.s32 s9, s21  }
0x13d: {  	[tilespmem:s1], [sflag:$0x5] =	stream.linear.gather [hbm4b:s29+s3], $0x280, $0x38;
	[tilespmem:$0x1F3D0] =	vst v63  }
0x13e: {  	p0 =	sne.s32 s0, $0xFFFFFF60;
	_ =	swait.ge [sflag:s22], $0x2800  }
0x13f: {  	[sflag:s22] =	ssyncset.done $0x0  }
0x140: {  	[sflag:s22] =	ssyncadd.s32 $0xFFFFD800  }
0x141: {  	[spmem:s2] =	stream.indirect.scatter.add.f32 [tilespmem:s18], [sflag:$0x4], $0x10, s14, s12, $0xb8;
	[tilespmem:$0x1F3D0] =	vst v63  }
0x142: {  	_ =	swait.ge [sflag:s23], $0x2800  }
0x143: {  	[sflag:s23] =	ssyncset.done $0x0  }
0x144: {  	[sflag:s23] =	ssyncadd.s32 $0xFFFFD800  }
0x145: {  	_ =	swait.ge [sflag:s31], $0x280  }
0x146: {  	[sflag:s31] =	ssyncset.done $0x0  }
0x147: {  	[sflag:s31] =	ssyncadd.s32 $0xFFFFFD80  }
0x148: {  	[tilespmem:s15], [sflag:$0x1] =	stream.indirect.gather [hbm4b:s5+s12], $0x10, s1, s12, $0xb8;
	[tilespmem:$0x1F3D0] =	vst v63  }
0x149: {  	s0 =	sadd.s32 $0x1950, s25;
	s25 =	smov.u32 s9  }
0x14a: {  	[tilespmem:s11], [sflag:$0x6] =	stream.linear.gather [hbm4b:s0+s3], $0x280, $0x38;
	[tilespmem:$0x1F3D0] =	vst v63  }
0x14b: {  	_ =	swait.ge [sflag:s17], $0x2800  }
0x14c: {  	[sflag:s17] =	ssyncset.done $0x0  }
0x14d: {  	s0 =	sadd.s32 $0x280, s14;
	[sflag:s17] =	ssyncadd.s32 $0xFFFFD800  }
0x14e: {  	[spmem:s2] =	stream.indirect.scatter.add.f32 [tilespmem:s15], [sflag:$0x3], $0x10, s0, s12, $0xb8;
	[tilespmem:$0x1F3D0] =	vst v63  }
0x14f: {  	_ =	swait.ge [sflag:s30], $0x280  }
.Ltmp7:
0x150: {  	[sflag:s30] =	ssyncset.done $0x0;
	(pc) =	sbr.rel @p0 .LBB2_16-.Ltmp7, $4  }
0x151: {  	[sflag:s30] =	ssyncadd.s32 $0xFFFFFD80  }
0x152: {  	_ =	swait.ge [sflag:s24], $0x2800  }
0x153: {  	[sflag:s24] =	ssyncset.done $0x0  }
0x154: {  	s14 =	sadd.s32 $0x500, s14;
	s0 =	smov.u32 s13;
	[sflag:s24] =	ssyncadd.s32 $0xFFFFD800  }
0x155: {  	[tilespmem:s18], [sflag:$0x2] =	stream.indirect.gather [hbm4b:s5+s12], $0x10, s11, s12, $0xb8;
	[tilespmem:$0x1F3D0] =	vst v63  }
0x156: {  	s0 =	sadd.s32 $0x1900, s25  }
0x157: {  	[tilespmem:s1], [sflag:$0x5] =	stream.linear.gather [hbm4b:s0+s3], $0x280, $0x38;
	[tilespmem:$0x1F3D0] =	vst v63  }
0x158: {  	_ =	swait.ge [sflag:s22], $0x2800  }
0x159: {  	[sflag:s22] =	ssyncset.done $0x0  }
0x15a: {  	[sflag:s22] =	ssyncadd.s32 $0xFFFFD800  }
0x15b: {  	[spmem:s2] =	stream.indirect.scatter.add.f32 [tilespmem:s18], [sflag:$0x4], $0x10, s14, s12, $0xb8;
	[tilespmem:$0x1F3D0] =	vst v63  }
0x15c: {  	_ =	swait.ge [sflag:s23], $0x2800  }
0x15d: {  	[sflag:s23] =	ssyncset.done $0x0  }
0x15e: {  	[sflag:s23] =	ssyncadd.s32 $0xFFFFD800  }
0x15f: {  	_ =	swait.ge [sflag:s31], $0x280  }
0x160: {  	[sflag:s31] =	ssyncset.done $0x0  }
0x161: {  	[sflag:s31] =	ssyncadd.s32 $0xFFFFFD80  }
0x162: {  	[tilespmem:s15], [sflag:$0x1] =	stream.indirect.gather [hbm4b:s5+s12], $0x10, s1, s12, $0xb8;
	[tilespmem:$0x1F3D0] =	vst v63  }
0x163: {  	s9 =	sadd.s32 $0x1950, s25  }
0x164: {  	[tilespmem:s11], [sflag:$0x6] =	stream.linear.gather [hbm4b:s9+s3], $0x280, $0x38;
	[tilespmem:$0x1F3D0] =	vst v63  }
0x165: {  	_ =	swait.ge [sflag:s17], $0x2800  }
0x166: {  	[sflag:s17] =	ssyncset.done $0x0  }
0x167: {  	s13 =	sadd.s32 $0x280, s14;
	[sflag:s17] =	ssyncadd.s32 $0xFFFFD800  }
0x168: {  	[spmem:s2] =	stream.indirect.scatter.add.f32 [tilespmem:s15], [sflag:$0x3], $0x10, s13, s12, $0xb8;
	[tilespmem:$0x1F3D0] =	vst v63  }
0x169: {  	_ =	swait.ge [sflag:s30], $0x280  }
0x16a: {  	[sflag:s30] =	ssyncset.done $0x0  }
0x16b: {  	[sflag:s30] =	ssyncadd.s32 $0xFFFFFD80  }
0x16c: {  	_ =	swait.ge [sflag:s24], $0x2800  }
0x16d: {  	[sflag:s24] =	ssyncset.done $0x0  }
0x16e: {  	[sflag:s24] =	ssyncadd.s32 $0xFFFFD800  }
0x16f: {  	[tilespmem:s18], [sflag:$0x2] =	stream.indirect.gather [hbm4b:s5+s12], $0x10, s11, s12, $0xb8;
	[tilespmem:$0x1F3D0] =	vst v63  }
0x170: {  	_ =	swait.ge [sflag:s22], $0x2800  }
0x171: {  	[sflag:s22] =	ssyncset.done $0x0  }
0x172: {  	s14 =	sadd.s32 $0x500, s14;
	[sflag:s22] =	ssyncadd.s32 $0xFFFFD800  }
0x173: {  	[spmem:s2] =	stream.indirect.scatter.add.f32 [tilespmem:s18], [sflag:$0x4], $0x10, s14, s12, $0xb8;
	[tilespmem:$0x1F3D0] =	vst v63  }
0x174: {  	_ =	swait.ge [sflag:s23], $0x2800  }
0x175: {  	[sflag:s23] =	ssyncset.done $0x0  }
0x176: {  	[sflag:s23] =	ssyncadd.s32 $0xFFFFD800  }
0x177: {  	_ =	swait.ge [sflag:s24], $0x2800  }
0x178: {  	[sflag:s24] =	ssyncset.done $0x0  }
0x179: {  	[sflag:s24] =	ssyncadd.s32 $0xFFFFD800  }
0x17a: {  	[bflag:$0x0] =	sbarrier.arrive $0xFFFF  }
0x17b: {  	s25 =	rddreg [dreg:$0x9]  }
0x17c: {  	[hbm:s25], [sflag:s19] =	dma.local [spmem:s20], $0x189C  }
0x17d: {  	_ =	swait.ge [sflag:s28], $0x189C  }
0x17e: {  	[sflag:s28] =	ssyncset.done $0x0  }
0x17f: {  	s29 =	sadd.s32 $0x0, s16;
	[sflag:s28] =	ssyncadd.s32 $0xFFFFE764  }
0x180: {  	[spmem:s29] =	stream.linear.scatter [tilespmem:s26], [sflag:$0x7], $0x7E0, $0x38;
	[tilespmem:$0x1F3D0] =	vst v63  }
0x181: {  	s0 =	simm.s32 $0x1F80;
	_ =	swait.ge [sflag:s28], $0x7E0  }
.LBB2_18:
0x182: {  	s9 =	sshra.s32 s0, $0x2;
	[sflag:s28] =	ssyncset.done $0x0;
	p0 =	sne.s32 s0, $0x2F400  }
.Ltmp8:
0x183: {  	s9 =	sadd.s32 s9, s16;
	[sflag:s28] =	ssyncadd.s32 $0xFFFFF820;
	(pc) =	sbr.rel @p0 .LBB2_18-.Ltmp8, $3  }
0x184: {  	[spmem:s9] =	stream.linear.scatter [tilespmem:s26], [sflag:$0x7], $0x7E0, $0x38;
	[tilespmem:$0x1F3D0] =	vst v63  }
0x185: {  	s0 =	sadd.s32 $0x1F80, s0;
	_ =	sdelay $0x1  }
0x186: {  	_ =	swait.ge [sflag:s28], $0x7E0  }
0x187: {  	[sflag:s28] =	ssyncset.done $0x0  }
0x188: {  	[sflag:s28] =	ssyncadd.s32 $0xFFFFF820  }
0x189: {  	[bflag:$0x0] =	sbarrier.arrive $0xFFFF  }
0x18a: {  	s0 =	rddreg [dreg:$0x7]  }
0x18b: {  	[tilespmem:s1], [sflag:$0x5] =	stream.linear.gather [hbm4b:s0+s3], $0x280, $0x38;
	[tilespmem:$0x1F3D0] =	vst v63  }
0x18c: {  	s25 =	rddreg [dreg:$0x10]  }
0x18d: {  	[tilespmem:s11], [sflag:$0x6] =	stream.linear.gather [hbm4b:s25+s3], $0x280, $0x38;
	[tilespmem:$0x1F3D0] =	vst v63  }
0x18e: {  	_ =	swait.ge [sflag:s31], $0x280  }
0x18f: {  	[sflag:s31] =	ssyncset.done $0x0  }
0x190: {  	[sflag:s31] =	ssyncadd.s32 $0xFFFFFD80  }
0x191: {  	[tilespmem:s15], [sflag:$0x1] =	stream.indirect.gather [hbm4b:s6+s12], $0x10, s1, s12, $0xb8;
	[tilespmem:$0x1F3D0] =	vst v63  }
0x192: {  	_ =	swait.ge [sflag:s17], $0x2800  }
0x193: {  	[sflag:s17] =	ssyncset.done $0x0  }
0x194: {  	[sflag:s17] =	ssyncadd.s32 $0xFFFFD800  }
0x195: {  	[spmem:s2] =	stream.indirect.scatter.add.f32 [tilespmem:s15], [sflag:$0x3], $0x10, s3, s12, $0xb8;
	[tilespmem:$0x1F3D0] =	vst v63  }
0x196: {  	_ =	swait.ge [sflag:s30], $0x280  }
0x197: {  	[sflag:s30] =	ssyncset.done $0x0  }
0x198: {  	[sflag:s30] =	ssyncadd.s32 $0xFFFFFD80  }
0x199: {  	[tilespmem:s18], [sflag:$0x2] =	stream.indirect.gather [hbm4b:s6+s12], $0x10, s11, s12, $0xb8;
	[tilespmem:$0x1F3D0] =	vst v63  }
0x19a: {  	s29 =	rddreg [dreg:$0xb]  }
0x19b: {  	[tilespmem:s1], [sflag:$0x5] =	stream.linear.gather [hbm4b:s29+s3], $0x280, $0x38;
	[tilespmem:$0x1F3D0] =	vst v63  }
0x19c: {  	_ =	swait.ge [sflag:s22], $0x2800  }
0x19d: {  	[sflag:s22] =	ssyncset.done $0x0  }
0x19e: {  	[sflag:s22] =	ssyncadd.s32 $0xFFFFD800  }
0x19f: {  	[spmem:s2] =	stream.indirect.scatter.add.f32 [tilespmem:s18], [sflag:$0x4], $0x10, s12, s12, $0xb8;
	[tilespmem:$0x1F3D0] =	vst v63  }
0x1a0: {  	_ =	swait.ge [sflag:s23], $0x2800  }
0x1a1: {  	[sflag:s23] =	ssyncset.done $0x0  }
0x1a2: {  	[sflag:s23] =	ssyncadd.s32 $0xFFFFD800  }
0x1a3: {  	_ =	swait.ge [sflag:s31], $0x280  }
0x1a4: {  	[sflag:s31] =	ssyncset.done $0x0  }
0x1a5: {  	[sflag:s31] =	ssyncadd.s32 $0xFFFFFD80  }
0x1a6: {  	[tilespmem:s15], [sflag:$0x1] =	stream.indirect.gather [hbm4b:s6+s12], $0x10, s1, s12, $0xb8;
	[tilespmem:$0x1F3D0] =	vst v63  }
0x1a7: {  	s9 =	rddreg [dreg:$0xc]  }
0x1a8: {  	[tilespmem:s11], [sflag:$0x6] =	stream.linear.gather [hbm4b:s9+s3], $0x280, $0x38;
	[tilespmem:$0x1F3D0] =	vst v63  }
0x1a9: {  	_ =	swait.ge [sflag:s17], $0x2800  }
0x1aa: {  	[sflag:s17] =	ssyncset.done $0x0  }
0x1ab: {  	s13 =	simm.s32 $0x500;
	[sflag:s17] =	ssyncadd.s32 $0xFFFFD800  }
0x1ac: {  	[spmem:s2] =	stream.indirect.scatter.add.f32 [tilespmem:s15], [sflag:$0x3], $0x10, s13, s12, $0xb8;
	[tilespmem:$0x1F3D0] =	vst v63  }
0x1ad: {  	_ =	swait.ge [sflag:s30], $0x280  }
0x1ae: {  	[sflag:s30] =	ssyncset.done $0x0  }
0x1af: {  	[sflag:s30] =	ssyncadd.s32 $0xFFFFFD80  }
0x1b0: {  	_ =	swait.ge [sflag:s24], $0x2800  }
0x1b1: {  	[sflag:s24] =	ssyncset.done $0x0  }
0x1b2: {  	s14 =	sadd.s32 $0xFFFFE840, s21;
	[sflag:s24] =	ssyncadd.s32 $0xFFFFD800  }
0x1b3: {  	[tilespmem:s18], [sflag:$0x2] =	stream.indirect.gather [hbm4b:s6+s12], $0x10, s11, s12, $0xb8;
	[tilespmem:$0x1F3D0] =	vst v63  }
0x1b4: {  	s9 =	sadd.s32 $0x1900, s14  }
0x1b5: {  	[tilespmem:s1], [sflag:$0x5] =	stream.linear.gather [hbm4b:s9+s3], $0x280, $0x38;
	[tilespmem:$0x1F3D0] =	vst v63  }
0x1b6: {  	_ =	swait.ge [sflag:s22], $0x2800  }
0x1b7: {  	[sflag:s22] =	ssyncset.done $0x0  }
0x1b8: {  	s25 =	simm.s32 $0x780;
	[sflag:s22] =	ssyncadd.s32 $0xFFFFD800  }
0x1b9: {  	[spmem:s2] =	stream.indirect.scatter.add.f32 [tilespmem:s18], [sflag:$0x4], $0x10, s25, s12, $0xb8;
	[tilespmem:$0x1F3D0] =	vst v63  }
0x1ba: {  	_ =	swait.ge [sflag:s23], $0x2800  }
0x1bb: {  	[sflag:s23] =	ssyncset.done $0x0  }
0x1bc: {  	[sflag:s23] =	ssyncadd.s32 $0xFFFFD800  }
0x1bd: {  	_ =	swait.ge [sflag:s31], $0x280  }
0x1be: {  	[sflag:s31] =	ssyncset.done $0x0  }
0x1bf: {  	[sflag:s31] =	ssyncadd.s32 $0xFFFFFD80  }
0x1c0: {  	[tilespmem:s15], [sflag:$0x1] =	stream.indirect.gather [hbm4b:s6+s12], $0x10, s1, s12, $0xb8;
	[tilespmem:$0x1F3D0] =	vst v63  }
0x1c1: {  	s0 =	sadd.s32 $0x1950, s14  }
0x1c2: {  	[tilespmem:s11], [sflag:$0x6] =	stream.linear.gather [hbm4b:s0+s3], $0x280, $0x38;
	[tilespmem:$0x1F3D0] =	vst v63  }
0x1c3: {  	_ =	swait.ge [sflag:s17], $0x2800  }
0x1c4: {  	[sflag:s17] =	ssyncset.done $0x0  }
0x1c5: {  	s29 =	simm.s32 $0xA00;
	[sflag:s17] =	ssyncadd.s32 $0xFFFFD800  }
0x1c6: {  	[spmem:s2] =	stream.indirect.scatter.add.f32 [tilespmem:s15], [sflag:$0x3], $0x10, s29, s12, $0xb8;
	[tilespmem:$0x1F3D0] =	vst v63  }
0x1c7: {  	_ =	swait.ge [sflag:s30], $0x280  }
0x1c8: {  	[sflag:s30] =	ssyncset.done $0x0  }
0x1c9: {  	[sflag:s30] =	ssyncadd.s32 $0xFFFFFD80  }
0x1ca: {  	_ =	swait.ge [sflag:s24], $0x2800  }
0x1cb: {  	s14 =	simm.s32 $0xC80;
	[sflag:s24] =	ssyncset.done $0x0  }
0x1cc: {  	s25 =	sadd.s32 $0xFFFFE8E0, s21;
	s0 =	simm.s32 $0xFFFFE980;
	[sflag:s24] =	ssyncadd.s32 $0xFFFFD800  }
.LBB2_20:
0x1cd: {  	[tilespmem:s18], [sflag:$0x2] =	stream.indirect.gather [hbm4b:s6+s12], $0x10, s11, s12, $0xb8;
	[tilespmem:$0x1F3D0] =	vst v63  }
0x1ce: {  	s9 =	smov.u32 s0  }
0x1cf: {  	s13 =	sadd.s32 $0xA0, s0;
	s29 =	sadd.s32 $0x1900, s25;
	s9 =	sadd.s32 s9, s21  }
0x1d0: {  	[tilespmem:s1], [sflag:$0x5] =	stream.linear.gather [hbm4b:s29+s3], $0x280, $0x38;
	[tilespmem:$0x1F3D0] =	vst v63  }
0x1d1: {  	p0 =	sne.s32 s0, $0xFFFFFF60;
	_ =	swait.ge [sflag:s22], $0x2800  }
0x1d2: {  	[sflag:s22] =	ssyncset.done $0x0  }
0x1d3: {  	[sflag:s22] =	ssyncadd.s32 $0xFFFFD800  }
0x1d4: {  	[spmem:s2] =	stream.indirect.scatter.add.f32 [tilespmem:s18], [sflag:$0x4], $0x10, s14, s12, $0xb8;
	[tilespmem:$0x1F3D0] =	vst v63  }
0x1d5: {  	_ =	swait.ge [sflag:s23], $0x2800  }
0x1d6: {  	[sflag:s23] =	ssyncset.done $0x0  }
0x1d7: {  	[sflag:s23] =	ssyncadd.s32 $0xFFFFD800  }
0x1d8: {  	_ =	swait.ge [sflag:s31], $0x280  }
0x1d9: {  	[sflag:s31] =	ssyncset.done $0x0  }
0x1da: {  	[sflag:s31] =	ssyncadd.s32 $0xFFFFFD80  }
0x1db: {  	[tilespmem:s15], [sflag:$0x1] =	stream.indirect.gather [hbm4b:s6+s12], $0x10, s1, s12, $0xb8;
	[tilespmem:$0x1F3D0] =	vst v63  }
0x1dc: {  	s0 =	sadd.s32 $0x1950, s25;
	s25 =	smov.u32 s9  }
0x1dd: {  	[tilespmem:s11], [sflag:$0x6] =	stream.linear.gather [hbm4b:s0+s3], $0x280, $0x38;
	[tilespmem:$0x1F3D0] =	vst v63  }
0x1de: {  	_ =	swait.ge [sflag:s17], $0x2800  }
0x1df: {  	[sflag:s17] =	ssyncset.done $0x0  }
0x1e0: {  	s0 =	sadd.s32 $0x280, s14;
	[sflag:s17] =	ssyncadd.s32 $0xFFFFD800  }
0x1e1: {  	[spmem:s2] =	stream.indirect.scatter.add.f32 [tilespmem:s15], [sflag:$0x3], $0x10, s0, s12, $0xb8;
	[tilespmem:$0x1F3D0] =	vst v63  }
0x1e2: {  	_ =	swait.ge [sflag:s30], $0x280  }
.Ltmp9:
0x1e3: {  	[sflag:s30] =	ssyncset.done $0x0;
	(pc) =	sbr.rel @p0 .LBB2_20-.Ltmp9, $4  }
0x1e4: {  	[sflag:s30] =	ssyncadd.s32 $0xFFFFFD80  }
0x1e5: {  	_ =	swait.ge [sflag:s24], $0x2800  }
0x1e6: {  	[sflag:s24] =	ssyncset.done $0x0  }
0x1e7: {  	s14 =	sadd.s32 $0x500, s14;
	s0 =	smov.u32 s13;
	[sflag:s24] =	ssyncadd.s32 $0xFFFFD800  }
0x1e8: {  	[tilespmem:s18], [sflag:$0x2] =	stream.indirect.gather [hbm4b:s6+s12], $0x10, s11, s12, $0xb8;
	[tilespmem:$0x1F3D0] =	vst v63  }
0x1e9: {  	s0 =	sadd.s32 $0x1900, s25  }
0x1ea: {  	[tilespmem:s1], [sflag:$0x5] =	stream.linear.gather [hbm4b:s0+s3], $0x280, $0x38;
	[tilespmem:$0x1F3D0] =	vst v63  }
0x1eb: {  	_ =	swait.ge [sflag:s22], $0x2800  }
0x1ec: {  	[sflag:s22] =	ssyncset.done $0x0  }
0x1ed: {  	[sflag:s22] =	ssyncadd.s32 $0xFFFFD800  }
0x1ee: {  	[spmem:s2] =	stream.indirect.scatter.add.f32 [tilespmem:s18], [sflag:$0x4], $0x10, s14, s12, $0xb8;
	[tilespmem:$0x1F3D0] =	vst v63  }
0x1ef: {  	_ =	swait.ge [sflag:s23], $0x2800  }
0x1f0: {  	[sflag:s23] =	ssyncset.done $0x0  }
0x1f1: {  	[sflag:s23] =	ssyncadd.s32 $0xFFFFD800  }
0x1f2: {  	_ =	swait.ge [sflag:s31], $0x280  }
0x1f3: {  	[sflag:s31] =	ssyncset.done $0x0  }
0x1f4: {  	[sflag:s31] =	ssyncadd.s32 $0xFFFFFD80  }
0x1f5: {  	[tilespmem:s15], [sflag:$0x1] =	stream.indirect.gather [hbm4b:s6+s12], $0x10, s1, s12, $0xb8;
	[tilespmem:$0x1F3D0] =	vst v63  }
0x1f6: {  	s9 =	sadd.s32 $0x1950, s25  }
0x1f7: {  	[tilespmem:s11], [sflag:$0x6] =	stream.linear.gather [hbm4b:s9+s3], $0x280, $0x38;
	[tilespmem:$0x1F3D0] =	vst v63  }
0x1f8: {  	_ =	swait.ge [sflag:s17], $0x2800  }
0x1f9: {  	[sflag:s17] =	ssyncset.done $0x0  }
0x1fa: {  	s13 =	sadd.s32 $0x280, s14;
	[sflag:s17] =	ssyncadd.s32 $0xFFFFD800  }
0x1fb: {  	[spmem:s2] =	stream.indirect.scatter.add.f32 [tilespmem:s15], [sflag:$0x3], $0x10, s13, s12, $0xb8;
	[tilespmem:$0x1F3D0] =	vst v63  }
0x1fc: {  	_ =	swait.ge [sflag:s30], $0x280  }
0x1fd: {  	[sflag:s30] =	ssyncset.done $0x0  }
0x1fe: {  	[sflag:s30] =	ssyncadd.s32 $0xFFFFFD80  }
0x1ff: {  	_ =	swait.ge [sflag:s24], $0x2800  }
0x200: {  	[sflag:s24] =	ssyncset.done $0x0  }
0x201: {  	[sflag:s24] =	ssyncadd.s32 $0xFFFFD800  }
0x202: {  	[tilespmem:s18], [sflag:$0x2] =	stream.indirect.gather [hbm4b:s6+s12], $0x10, s11, s12, $0xb8;
	[tilespmem:$0x1F3D0] =	vst v63  }
0x203: {  	_ =	swait.ge [sflag:s22], $0x2800  }
0x204: {  	[sflag:s22] =	ssyncset.done $0x0  }
0x205: {  	s14 =	sadd.s32 $0x500, s14;
	[sflag:s22] =	ssyncadd.s32 $0xFFFFD800  }
0x206: {  	[spmem:s2] =	stream.indirect.scatter.add.f32 [tilespmem:s18], [sflag:$0x4], $0x10, s14, s12, $0xb8;
	[tilespmem:$0x1F3D0] =	vst v63  }
0x207: {  	_ =	swait.ge [sflag:s23], $0x2800  }
0x208: {  	[sflag:s23] =	ssyncset.done $0x0  }
0x209: {  	[sflag:s23] =	ssyncadd.s32 $0xFFFFD800  }
0x20a: {  	_ =	swait.ge [sflag:s24], $0x2800  }
0x20b: {  	[sflag:s24] =	ssyncset.done $0x0  }
0x20c: {  	[sflag:s24] =	ssyncadd.s32 $0xFFFFD800  }
0x20d: {  	[bflag:$0x0] =	sbarrier.arrive $0xFFFF  }
0x20e: {  	s25 =	rddreg [dreg:$0xa]  }
0x20f: {  	[hbm:s25], [sflag:s19] =	dma.local [spmem:s20], $0x189C  }
0x210: {  	_ =	swait.ge [sflag:s28], $0x189C  }
0x211: {  	[sflag:s28] =	ssyncset.done $0x0  }
0x212: {  	s29 =	sadd.s32 $0x0, s16;
	[sflag:s28] =	ssyncadd.s32 $0xFFFFE764  }
0x213: {  	[spmem:s29] =	stream.linear.scatter [tilespmem:s26], [sflag:$0x7], $0x7E0, $0x38;
	[tilespmem:$0x1F3D0] =	vst v63  }
0x214: {  	s0 =	simm.s32 $0x1F80;
	_ =	swait.ge [sflag:s28], $0x7E0  }
.LBB2_22:
0x215: {  	s9 =	sshra.s32 s0, $0x2;
	[sflag:s28] =	ssyncset.done $0x0;
	p0 =	sne.s32 s0, $0x2F400  }
.Ltmp10:
0x216: {  	s9 =	sadd.s32 s9, s16;
	[sflag:s28] =	ssyncadd.s32 $0xFFFFF820;
	(pc) =	sbr.rel @p0 .LBB2_22-.Ltmp10, $3  }
0x217: {  	[spmem:s9] =	stream.linear.scatter [tilespmem:s26], [sflag:$0x7], $0x7E0, $0x38;
	[tilespmem:$0x1F3D0] =	vst v63  }
0x218: {  	s0 =	sadd.s32 $0x1F80, s0;
	_ =	sdelay $0x1  }
0x219: {  	_ =	swait.ge [sflag:s28], $0x7E0  }
0x21a: {  	[sflag:s28] =	ssyncset.done $0x0  }
0x21b: {  	[sflag:s28] =	ssyncadd.s32 $0xFFFFF820  }
0x21c: {  	[bflag:$0x0] =	sbarrier.arrive $0xFFFF  }
0x21d: {  	s0 =	rddreg [dreg:$0x7]  }
0x21e: {  	[tilespmem:s1], [sflag:$0x5] =	stream.linear.gather [hbm4b:s0+s3], $0x280, $0x38;
	[tilespmem:$0x1F3D0] =	vst v63  }
0x21f: {  	s25 =	rddreg [dreg:$0x10]  }
0x220: {  	[tilespmem:s11], [sflag:$0x6] =	stream.linear.gather [hbm4b:s25+s3], $0x280, $0x38;
	[tilespmem:$0x1F3D0] =	vst v63  }
0x221: {  	_ =	swait.ge [sflag:s31], $0x280  }
0x222: {  	[sflag:s31] =	ssyncset.done $0x0  }
0x223: {  	[sflag:s31] =	ssyncadd.s32 $0xFFFFFD80  }
0x224: {  	[tilespmem:s15], [sflag:$0x1] =	stream.indirect.gather [hbm4b:s7+s12], $0x10, s1, s12, $0xb8;
	[tilespmem:$0x1F3D0] =	vst v63  }
0x225: {  	_ =	swait.ge [sflag:s17], $0x2800  }
0x226: {  	[sflag:s17] =	ssyncset.done $0x0  }
0x227: {  	[sflag:s17] =	ssyncadd.s32 $0xFFFFD800  }
0x228: {  	[spmem:s2] =	stream.indirect.scatter.add.f32 [tilespmem:s15], [sflag:$0x3], $0x10, s3, s12, $0xb8;
	[tilespmem:$0x1F3D0] =	vst v63  }
0x229: {  	_ =	swait.ge [sflag:s30], $0x280  }
0x22a: {  	[sflag:s30] =	ssyncset.done $0x0  }
0x22b: {  	[sflag:s30] =	ssyncadd.s32 $0xFFFFFD80  }
0x22c: {  	[tilespmem:s18], [sflag:$0x2] =	stream.indirect.gather [hbm4b:s7+s12], $0x10, s11, s12, $0xb8;
	[tilespmem:$0x1F3D0] =	vst v63  }
0x22d: {  	s29 =	rddreg [dreg:$0xb]  }
0x22e: {  	[tilespmem:s1], [sflag:$0x5] =	stream.linear.gather [hbm4b:s29+s3], $0x280, $0x38;
	[tilespmem:$0x1F3D0] =	vst v63  }
0x22f: {  	_ =	swait.ge [sflag:s22], $0x2800  }
0x230: {  	[sflag:s22] =	ssyncset.done $0x0  }
0x231: {  	[sflag:s22] =	ssyncadd.s32 $0xFFFFD800  }
0x232: {  	[spmem:s2] =	stream.indirect.scatter.add.f32 [tilespmem:s18], [sflag:$0x4], $0x10, s12, s12, $0xb8;
	[tilespmem:$0x1F3D0] =	vst v63  }
0x233: {  	_ =	swait.ge [sflag:s23], $0x2800  }
0x234: {  	[sflag:s23] =	ssyncset.done $0x0  }
0x235: {  	[sflag:s23] =	ssyncadd.s32 $0xFFFFD800  }
0x236: {  	_ =	swait.ge [sflag:s31], $0x280  }
0x237: {  	[sflag:s31] =	ssyncset.done $0x0  }
0x238: {  	[sflag:s31] =	ssyncadd.s32 $0xFFFFFD80  }
0x239: {  	[tilespmem:s15], [sflag:$0x1] =	stream.indirect.gather [hbm4b:s7+s12], $0x10, s1, s12, $0xb8;
	[tilespmem:$0x1F3D0] =	vst v63  }
0x23a: {  	s9 =	rddreg [dreg:$0xc]  }
0x23b: {  	[tilespmem:s11], [sflag:$0x6] =	stream.linear.gather [hbm4b:s9+s3], $0x280, $0x38;
	[tilespmem:$0x1F3D0] =	vst v63  }
0x23c: {  	_ =	swait.ge [sflag:s17], $0x2800  }
0x23d: {  	[sflag:s17] =	ssyncset.done $0x0  }
0x23e: {  	s13 =	simm.s32 $0x500;
	[sflag:s17] =	ssyncadd.s32 $0xFFFFD800  }
0x23f: {  	[spmem:s2] =	stream.indirect.scatter.add.f32 [tilespmem:s15], [sflag:$0x3], $0x10, s13, s12, $0xb8;
	[tilespmem:$0x1F3D0] =	vst v63  }
0x240: {  	_ =	swait.ge [sflag:s30], $0x280  }
0x241: {  	[sflag:s30] =	ssyncset.done $0x0  }
0x242: {  	[sflag:s30] =	ssyncadd.s32 $0xFFFFFD80  }
0x243: {  	_ =	swait.ge [sflag:s24], $0x2800  }
0x244: {  	[sflag:s24] =	ssyncset.done $0x0  }
0x245: {  	s14 =	sadd.s32 $0xFFFFE840, s21;
	[sflag:s24] =	ssyncadd.s32 $0xFFFFD800  }
0x246: {  	[tilespmem:s18], [sflag:$0x2] =	stream.indirect.gather [hbm4b:s7+s12], $0x10, s11, s12, $0xb8;
	[tilespmem:$0x1F3D0] =	vst v63  }
0x247: {  	s9 =	sadd.s32 $0x1900, s14  }
0x248: {  	[tilespmem:s1], [sflag:$0x5] =	stream.linear.gather [hbm4b:s9+s3], $0x280, $0x38;
	[tilespmem:$0x1F3D0] =	vst v63  }
0x249: {  	_ =	swait.ge [sflag:s22], $0x2800  }
0x24a: {  	[sflag:s22] =	ssyncset.done $0x0  }
0x24b: {  	s25 =	simm.s32 $0x780;
	[sflag:s22] =	ssyncadd.s32 $0xFFFFD800  }
0x24c: {  	[spmem:s2] =	stream.indirect.scatter.add.f32 [tilespmem:s18], [sflag:$0x4], $0x10, s25, s12, $0xb8;
	[tilespmem:$0x1F3D0] =	vst v63  }
0x24d: {  	_ =	swait.ge [sflag:s23], $0x2800  }
0x24e: {  	[sflag:s23] =	ssyncset.done $0x0  }
0x24f: {  	[sflag:s23] =	ssyncadd.s32 $0xFFFFD800  }
0x250: {  	_ =	swait.ge [sflag:s31], $0x280  }
0x251: {  	[sflag:s31] =	ssyncset.done $0x0  }
0x252: {  	[sflag:s31] =	ssyncadd.s32 $0xFFFFFD80  }
0x253: {  	[tilespmem:s15], [sflag:$0x1] =	stream.indirect.gather [hbm4b:s7+s12], $0x10, s1, s12, $0xb8;
	[tilespmem:$0x1F3D0] =	vst v63  }
0x254: {  	s0 =	sadd.s32 $0x1950, s14  }
0x255: {  	[tilespmem:s11], [sflag:$0x6] =	stream.linear.gather [hbm4b:s0+s3], $0x280, $0x38;
	[tilespmem:$0x1F3D0] =	vst v63  }
0x256: {  	_ =	swait.ge [sflag:s17], $0x2800  }
0x257: {  	[sflag:s17] =	ssyncset.done $0x0  }
0x258: {  	s29 =	simm.s32 $0xA00;
	[sflag:s17] =	ssyncadd.s32 $0xFFFFD800  }
0x259: {  	[spmem:s2] =	stream.indirect.scatter.add.f32 [tilespmem:s15], [sflag:$0x3], $0x10, s29, s12, $0xb8;
	[tilespmem:$0x1F3D0] =	vst v63  }
0x25a: {  	_ =	swait.ge [sflag:s30], $0x280  }
0x25b: {  	[sflag:s30] =	ssyncset.done $0x0  }
0x25c: {  	[sflag:s30] =	ssyncadd.s32 $0xFFFFFD80  }
0x25d: {  	_ =	swait.ge [sflag:s24], $0x2800  }
0x25e: {  	s14 =	simm.s32 $0xC80;
	[sflag:s24] =	ssyncset.done $0x0  }
0x25f: {  	s25 =	sadd.s32 $0xFFFFE8E0, s21;
	s0 =	simm.s32 $0xFFFFE980;
	[sflag:s24] =	ssyncadd.s32 $0xFFFFD800  }
.LBB2_24:
0x260: {  	[tilespmem:s18], [sflag:$0x2] =	stream.indirect.gather [hbm4b:s7+s12], $0x10, s11, s12, $0xb8;
	[tilespmem:$0x1F3D0] =	vst v63  }
0x261: {  	s9 =	smov.u32 s0  }
0x262: {  	s13 =	sadd.s32 $0xA0, s0;
	s29 =	sadd.s32 $0x1900, s25;
	s9 =	sadd.s32 s9, s21  }
0x263: {  	[tilespmem:s1], [sflag:$0x5] =	stream.linear.gather [hbm4b:s29+s3], $0x280, $0x38;
	[tilespmem:$0x1F3D0] =	vst v63  }
0x264: {  	p0 =	sne.s32 s0, $0xFFFFFF60;
	_ =	swait.ge [sflag:s22], $0x2800  }
0x265: {  	[sflag:s22] =	ssyncset.done $0x0  }
0x266: {  	[sflag:s22] =	ssyncadd.s32 $0xFFFFD800  }
0x267: {  	[spmem:s2] =	stream.indirect.scatter.add.f32 [tilespmem:s18], [sflag:$0x4], $0x10, s14, s12, $0xb8;
	[tilespmem:$0x1F3D0] =	vst v63  }
0x268: {  	_ =	swait.ge [sflag:s23], $0x2800  }
0x269: {  	[sflag:s23] =	ssyncset.done $0x0  }
0x26a: {  	[sflag:s23] =	ssyncadd.s32 $0xFFFFD800  }
0x26b: {  	_ =	swait.ge [sflag:s31], $0x280  }
0x26c: {  	[sflag:s31] =	ssyncset.done $0x0  }
0x26d: {  	[sflag:s31] =	ssyncadd.s32 $0xFFFFFD80  }
0x26e: {  	[tilespmem:s15], [sflag:$0x1] =	stream.indirect.gather [hbm4b:s7+s12], $0x10, s1, s12, $0xb8;
	[tilespmem:$0x1F3D0] =	vst v63  }
0x26f: {  	s0 =	sadd.s32 $0x1950, s25;
	s25 =	smov.u32 s9  }
0x270: {  	[tilespmem:s11], [sflag:$0x6] =	stream.linear.gather [hbm4b:s0+s3], $0x280, $0x38;
	[tilespmem:$0x1F3D0] =	vst v63  }
0x271: {  	_ =	swait.ge [sflag:s17], $0x2800  }
0x272: {  	[sflag:s17] =	ssyncset.done $0x0  }
0x273: {  	s0 =	sadd.s32 $0x280, s14;
	[sflag:s17] =	ssyncadd.s32 $0xFFFFD800  }
0x274: {  	[spmem:s2] =	stream.indirect.scatter.add.f32 [tilespmem:s15], [sflag:$0x3], $0x10, s0, s12, $0xb8;
	[tilespmem:$0x1F3D0] =	vst v63  }
0x275: {  	_ =	swait.ge [sflag:s30], $0x280  }
.Ltmp11:
0x276: {  	[sflag:s30] =	ssyncset.done $0x0;
	(pc) =	sbr.rel @p0 .LBB2_24-.Ltmp11, $4  }
0x277: {  	[sflag:s30] =	ssyncadd.s32 $0xFFFFFD80  }
0x278: {  	_ =	swait.ge [sflag:s24], $0x2800  }
0x279: {  	[sflag:s24] =	ssyncset.done $0x0  }
0x27a: {  	s14 =	sadd.s32 $0x500, s14;
	s0 =	smov.u32 s13;
	[sflag:s24] =	ssyncadd.s32 $0xFFFFD800  }
0x27b: {  	[tilespmem:s18], [sflag:$0x2] =	stream.indirect.gather [hbm4b:s7+s12], $0x10, s11, s12, $0xb8;
	[tilespmem:$0x1F3D0] =	vst v63  }
0x27c: {  	s0 =	sadd.s32 $0x1900, s25  }
0x27d: {  	[tilespmem:s1], [sflag:$0x5] =	stream.linear.gather [hbm4b:s0+s3], $0x280, $0x38;
	[tilespmem:$0x1F3D0] =	vst v63  }
0x27e: {  	_ =	swait.ge [sflag:s22], $0x2800  }
0x27f: {  	[sflag:s22] =	ssyncset.done $0x0  }
0x280: {  	[sflag:s22] =	ssyncadd.s32 $0xFFFFD800  }
0x281: {  	[spmem:s2] =	stream.indirect.scatter.add.f32 [tilespmem:s18], [sflag:$0x4], $0x10, s14, s12, $0xb8;
	[tilespmem:$0x1F3D0] =	vst v63  }
0x282: {  	_ =	swait.ge [sflag:s23], $0x2800  }
0x283: {  	[sflag:s23] =	ssyncset.done $0x0  }
0x284: {  	[sflag:s23] =	ssyncadd.s32 $0xFFFFD800  }
0x285: {  	_ =	swait.ge [sflag:s31], $0x280  }
0x286: {  	[sflag:s31] =	ssyncset.done $0x0  }
0x287: {  	[sflag:s31] =	ssyncadd.s32 $0xFFFFFD80  }
0x288: {  	[tilespmem:s15], [sflag:$0x1] =	stream.indirect.gather [hbm4b:s7+s12], $0x10, s1, s12, $0xb8;
	[tilespmem:$0x1F3D0] =	vst v63  }
0x289: {  	s9 =	sadd.s32 $0x1950, s25  }
0x28a: {  	[tilespmem:s11], [sflag:$0x6] =	stream.linear.gather [hbm4b:s9+s3], $0x280, $0x38;
	[tilespmem:$0x1F3D0] =	vst v63  }
0x28b: {  	_ =	swait.ge [sflag:s17], $0x2800  }
0x28c: {  	[sflag:s17] =	ssyncset.done $0x0  }
0x28d: {  	s13 =	sadd.s32 $0x280, s14;
	[sflag:s17] =	ssyncadd.s32 $0xFFFFD800  }
0x28e: {  	[spmem:s2] =	stream.indirect.scatter.add.f32 [tilespmem:s15], [sflag:$0x3], $0x10, s13, s12, $0xb8;
	[tilespmem:$0x1F3D0] =	vst v63  }
0x28f: {  	_ =	swait.ge [sflag:s30], $0x280  }
0x290: {  	[sflag:s30] =	ssyncset.done $0x0  }
0x291: {  	[sflag:s30] =	ssyncadd.s32 $0xFFFFFD80  }
0x292: {  	_ =	swait.ge [sflag:s24], $0x2800  }
0x293: {  	[sflag:s24] =	ssyncset.done $0x0  }
0x294: {  	[sflag:s24] =	ssyncadd.s32 $0xFFFFD800  }
0x295: {  	[tilespmem:s18], [sflag:$0x2] =	stream.indirect.gather [hbm4b:s7+s12], $0x10, s11, s12, $0xb8;
	[tilespmem:$0x1F3D0] =	vst v63  }
0x296: {  	_ =	swait.ge [sflag:s22], $0x2800  }
0x297: {  	[sflag:s22] =	ssyncset.done $0x0  }
0x298: {  	s14 =	sadd.s32 $0x500, s14;
	[sflag:s22] =	ssyncadd.s32 $0xFFFFD800  }
0x299: {  	[spmem:s2] =	stream.indirect.scatter.add.f32 [tilespmem:s18], [sflag:$0x4], $0x10, s14, s12, $0xb8;
	[tilespmem:$0x1F3D0] =	vst v63  }
0x29a: {  	_ =	swait.ge [sflag:s23], $0x2800  }
0x29b: {  	[sflag:s23] =	ssyncset.done $0x0  }
0x29c: {  	[sflag:s23] =	ssyncadd.s32 $0xFFFFD800  }
0x29d: {  	_ =	swait.ge [sflag:s24], $0x2800  }
0x29e: {  	[sflag:s24] =	ssyncset.done $0x0  }
0x29f: {  	[sflag:s24] =	ssyncadd.s32 $0xFFFFD800  }
0x2a0: {  	[bflag:$0x0] =	sbarrier.arrive $0xFFFF  }
0x2a1: {  	s25 =	rddreg [dreg:$0xd]  }
0x2a2: {  	[hbm:s25], [sflag:s19] =	dma.local [spmem:s20], $0x189C  }
0x2a3: {  	_ =	swait.ge [sflag:s28], $0x189C  }
0x2a4: {  	[sflag:s28] =	ssyncset.done $0x0  }
0x2a5: {  	s29 =	sadd.s32 $0x0, s16;
	[sflag:s28] =	ssyncadd.s32 $0xFFFFE764  }
0x2a6: {  	[spmem:s29] =	stream.linear.scatter [tilespmem:s26], [sflag:$0x7], $0x7E0, $0x38;
	[tilespmem:$0x1F3D0] =	vst v63  }
0x2a7: {  	s0 =	simm.s32 $0x1F80;
	_ =	swait.ge [sflag:s28], $0x7E0  }
.LBB2_26:
0x2a8: {  	s9 =	sshra.s32 s0, $0x2;
	[sflag:s28] =	ssyncset.done $0x0;
	p0 =	sne.s32 s0, $0x2F400  }
.Ltmp12:
0x2a9: {  	s9 =	sadd.s32 s9, s16;
	[sflag:s28] =	ssyncadd.s32 $0xFFFFF820;
	(pc) =	sbr.rel @p0 .LBB2_26-.Ltmp12, $3  }
0x2aa: {  	[spmem:s9] =	stream.linear.scatter [tilespmem:s26], [sflag:$0x7], $0x7E0, $0x38;
	[tilespmem:$0x1F3D0] =	vst v63  }
0x2ab: {  	s0 =	sadd.s32 $0x1F80, s0;
	_ =	sdelay $0x1  }
0x2ac: {  	_ =	swait.ge [sflag:s28], $0x7E0  }
0x2ad: {  	[sflag:s28] =	ssyncset.done $0x0  }
0x2ae: {  	[sflag:s28] =	ssyncadd.s32 $0xFFFFF820  }
0x2af: {  	s0 =	simm.s32 $0x40;
	s9 =	simm.s32 $0x0;
	[bflag:$0x0] =	sbarrier.arrive $0xFFFF  }
.LBB2_28:
0x2b0: {  	p0 =	sne.s32 s0, $0x9FC0;
	[tilespmem:s9+$0xD700] =	vst v3;
	s9 =	smov.u32 s0;
	s0 =	sadd.s32 $0x40, s0  }
.Ltmp13:
0x2b1: {  	(pc) =	sbr.rel @p0 .LBB2_28-.Ltmp13, $2  }
0x2b2: {  	_ =	sdelay $0x2  }
0x2b3: {  	s9 =	sshra.s32 s9, $0x2  }
0x2b4: {  	[tilespmem:s9+$0xD700] =	vst v3  }
0x2b5: {  	[spmem:s2] =	stream.indirect.scatter.add.f32 [tilespmem:s15], [sflag:$0x3], $0x10, s3, s12, $0xb8;
	[tilespmem:$0x1F3D0] =	vst v63  }
0x2b6: {  	_ = 	snop  }
0x2b7: {  	[spmem:s2] =	stream.indirect.scatter.add.f32 [tilespmem:s15], [sflag:$0x4], $0x10, s12, s12, $0xb8;
	[tilespmem:$0x1F3D0] =	vst v63  }
0x2b8: {  	_ =	swait.ge [sflag:s23], $0x2800  }
0x2b9: {  	[sflag:s23] =	ssyncset.done $0x0  }
0x2ba: {  	[sflag:s23] =	ssyncadd.s32 $0xFFFFD800  }
0x2bb: {  	_ =	swait.ge [sflag:s24], $0x2800  }
0x2bc: {  	[sflag:s24] =	ssyncset.done $0x0  }
0x2bd: {  	s0 =	simm.s32 $0x500;
	[sflag:s24] =	ssyncadd.s32 $0xFFFFD800  }
0x2be: {  	[spmem:s2] =	stream.indirect.scatter.add.f32 [tilespmem:s15], [sflag:$0x3], $0x10, s0, s12, $0xb8;
	[tilespmem:$0x1F3D0] =	vst v63  }
0x2bf: {  	s9 =	simm.s32 $0x780;
	s0 =	simm.s32 $0xFFFD0800  }
.LBB2_30:
0x2c0: {  	[spmem:s2] =	stream.indirect.scatter.add.f32 [tilespmem:s15], [sflag:$0x4], $0x10, s9, s12, $0xb8;
	[tilespmem:$0x1F3D0] =	vst v63  }
0x2c1: {  	s9 =	smov.u32 s0  }
0x2c2: {  	p0 =	sne.s32 s0, $0xFFFFEC00;
	s0 =	sadd.s32 $0x1400, s0;
	_ =	swait.ge [sflag:s23], $0x2800  }
0x2c3: {  	[sflag:s23] =	ssyncset.done $0x0  }
0x2c4: {  	[sflag:s23] =	ssyncadd.s32 $0xFFFFD800  }
.Ltmp14:
0x2c5: {  	_ =	swait.ge [sflag:s24], $0x2800;
	(pc) =	sbr.rel @p0 .LBB2_30-.Ltmp14, $4  }
0x2c6: {  	s9 =	sshra.s32 s9, $0x2;
	[sflag:s24] =	ssyncset.done $0x0  }
0x2c7: {  	s13 =	sadd.s32 $0xC800, s9;
	[sflag:s24] =	ssyncadd.s32 $0xFFFFD800  }
0x2c8: {  	[spmem:s2] =	stream.indirect.scatter.add.f32 [tilespmem:s15], [sflag:$0x3], $0x10, s13, s12, $0xb8;
	[tilespmem:$0x1F3D0] =	vst v63  }
0x2c9: {  	s9 =	sadd.s32 $0xCA80, s9  }
0x2ca: {  	[spmem:s2] =	stream.indirect.scatter.add.f32 [tilespmem:s15], [sflag:$0x4], $0x10, s9, s12, $0xb8;
	[tilespmem:$0x1F3D0] =	vst v63  }
0x2cb: {  	_ =	swait.ge [sflag:s23], $0x2800  }
0x2cc: {  	[sflag:s23] =	ssyncset.done $0x0  }
0x2cd: {  	[sflag:s23] =	ssyncadd.s32 $0xFFFFD800  }
0x2ce: {  	_ =	swait.ge [sflag:s24], $0x2800  }
0x2cf: {  	[sflag:s24] =	ssyncset.done $0x0  }
0x2d0: {  	[sflag:s24] =	ssyncadd.s32 $0xFFFFD800  }
0x2d1: {  	[bflag:$0x0] =	sbarrier.arrive $0xFFFF  }
0x2d2: {  	s0 =	rddreg [dreg:$0xe]  }
0x2d3: {  	[hbm:s0], [sflag:s19] =	dma.local [spmem:s20], $0x189C  }
0x2d4: {  	_ =	swait.ge [sflag:s28], $0x189C  }
0x2d5: {  	s25 =	rddreg [dreg:$0x11]  }
0x2d6: {  	s29 =	rddreg [dreg:$0xf];
	s9 =	sadd.s32 $0x1, s25  }
0x2d7: {  	p0 =	sne.s32 s9, s29  }
.Ltmp15:
0x2d8: {  	_ = 	snop;
	(pc) =	sbr.rel @p0 .LBB2_1-.Ltmp15, $3  }
0x2d9: {  	_ =	sdelay $0x1  }
0x2da: {  	[sflag:s28] =	ssyncset.done $0x0  }
0x2db: {  	[sflag:s28] =	ssyncadd.s32 $0xFFFFE764  }
0x2dc: {  	_ =	sfence.sel $0x180000  }
0x2dd: {  	[bflag:$0x0] =	sbarrier.arrive $0xFFFF  }
0x2de: {  	_ =	strace $0x90000047  }
0x2df: {  	s0 =	stileid.u32;
	[bflag:$0x2] =	sbarrier.arrive $0xFFFF  }
0x2e0: {  	p0 =	sne.s32 s0, $0x0;
	s0 =	rddreg [dreg:$0x2]  }
0x2e1: {  	s0 =	sadd.s32 @!p0 $0x100000, s0  }
0x2e2: {  	[sflag:s0] =	ssyncadd.tile.s32 @!p0 $0x1;
	_ =	shalt  }
.Lfunc_end2:
_tile_overlayer_lowered:
.L_overlay_start_2:
0x2e3: {  	(tag) =	ssettag $0x2  }
0x2e4: {  	s0 =	rddreg [dreg:$0x0];
	s2 =	stileid.u32  }
0x2e5: {  	s1 =	rddreg [dreg:$0x1];
	p0 =	sne.s32 s2, $0x0  }
0x2e6: {  	s3 =	rddreg [dreg:$0x2];
	[bflag:$0x3] =	sbarrier.arrive $0xFFFF;
	s2 =	simm.s32 @!p0 $0x1C07  }
0x2e7: {  	[timem:s3], [sflag:s2] =	dma.local @!p0 [hbm:s0], s1  }
0x2e8: {  	s0 =	simm.s32 @!p0 $0x7  }
0x2e9: {  	_ =	swait.ge @!p0 [sflag:s0], s1  }
0x2ea: {  	s1 =	ssub.s32 @!p0 $0x0, s1;
	[sflag:s0] =	ssyncset.done @!p0 $0x0  }
0x2eb: {  	[sflag:s0] =	ssyncadd.s32 @!p0 s1  }
0x2ec: {  	[bflag:$0x3] =	sbarrier.arrive $0xFFFF  }
0x2ed: {  	_ =	shalt  }

</sc_bundles>
